<compile_context>
chip_gen: v7x
topology: tpu7x:2x2x1
jax: 0.10.2.dev20260603
libtpu: 0.0.44.dev20260713+nightly
codegen_flags: <defaults>
</compile_context>

<pallas_src>
import functools

import jax
import jax.numpy as jnp
from jax import lax
from jax.experimental import pallas as pl
from jax.experimental.pallas import tpu as pltpu
from jax.experimental.pallas import tpu_sc as plsc

BATCH = 16384
EMBED_DIM = 64

_info = plsc.get_sparse_core_info()
_NW = _info.num_cores * _info.num_subcores
_R_PER_W = BATCH // _NW
_LANES = 16
_CHUNK = 128
_N_CHUNKS = _R_PER_W // _CHUNK


@functools.partial(
    pl.kernel,
    mesh=plsc.VectorSubcoreMesh(core_axis_name="c", subcore_axis_name="s"),
    out_type=jax.ShapeDtypeStruct((BATCH, EMBED_DIM), jnp.float32),
    scratch_types=[
        pltpu.VMEM((2, EMBED_DIM), jnp.float32),
        pltpu.VMEM((_R_PER_W,), jnp.int32),
        pltpu.VMEM((_R_PER_W, EMBED_DIM), jnp.float32),
        pltpu.SemaphoreType.DMA,
    ],
    compiler_params=pltpu.CompilerParams(needs_layout_passes=False),
)
def _role_lookup(w_hbm, role_hbm, out_hbm, w_v, role_v, rows_v, sem):
    wid = lax.axis_index("s") * _info.num_cores + lax.axis_index("c")
    base = wid * _R_PER_W
    pltpu.sync_copy(w_hbm, w_v)
    pltpu.sync_copy(role_hbm.at[pl.ds(base, _R_PER_W)], role_v)

    lane = lax.iota(jnp.int32, _LANES)

    def group_body(k, _):
        r0 = _LANES * k
        roles = role_v[pl.ds(r0, _LANES)]
        rows16 = r0 + lane
        for c in range(EMBED_DIM):
            cvec = jnp.full((_LANES,), c, jnp.int32)
            v = plsc.load_gather(w_v, [roles, cvec])
            plsc.store_scatter(rows_v, [rows16, cvec], v)
        return 0

    writes = []
    for j in range(_N_CHUNKS):
        lax.fori_loop(
            j * _CHUNK // _LANES, (j + 1) * _CHUNK // _LANES, group_body, 0
        )
        writes.append(
            pltpu.async_copy(
                rows_v.at[pl.ds(j * _CHUNK, _CHUNK)],
                out_hbm.at[pl.ds(base + j * _CHUNK, _CHUNK)],
                sem,
            )
        )
    for w in writes:
        w.wait()


def kernel(obs, role, W_role):
    del obs
    return _role_lookup(W_role, role)

# --- scband reference (transcript-rebuilt; emitter-appended) ---
"""Pipeline reference for scband-spiral-policy-74500502716718 (READ-ONLY COPY).

The authoritative reference and input builder live on the scoring server;
editing this copy changes nothing except your own understanding.
"""

import jax, jax.numpy as jnp
import numpy as np

BATCH = 16384
OBS_DIM = 128
NUM_ROLES = 2
EMBED_DIM = 64


def setup_inputs(seed: int = 0) -> dict:
    key = jax.random.key(seed)
    k1, k2, k3 = jax.random.split(key, 3)
    obs = jax.random.normal(k1, (BATCH, OBS_DIM), dtype=jnp.float32)
    role = jax.random.randint(k2, (BATCH,), 0, NUM_ROLES, dtype=jnp.int32)
    # learned parameter: role embedding table (torch.nn.Embedding(2, 64))
    W_role = jax.random.normal(k3, (NUM_ROLES, EMBED_DIM), dtype=jnp.float32)
    return {"obs": obs, "role": role, "W_role": W_role}


def reference(obs, role, W_role):
    # role_emb = self.role_embed(role)  -> embedding gather
    role_emb = jnp.take(W_role, role, axis=0)
    return role_emb

if __name__ == "__main__":
    import jax
    _d = setup_inputs()
    print(jax.jit(kernel)(*tuple(_d.values())))

</pallas_src>

<mosaic_0001>
#map = affine_map<(d0, d1) -> (0, 0)>
#map1 = affine_map<(d0, d1) -> (0)>
module attributes {stable_mosaic.version = 14 : i64} {
  func.func @_role_lookup(%arg0: i32, %arg1: i32, %arg2: memref<2x64xf32, #tpu.memory_space<hbm>>, %arg3: memref<16384xi32, #tpu.memory_space<hbm>>, %arg4: memref<16384x64xf32, #tpu.memory_space<hbm>>, %arg5: memref<2x64xf32, #tpu.memory_space<vmem>>, %arg6: memref<512xi32, #tpu.memory_space<vmem>>, %arg7: memref<512x64xf32, #tpu.memory_space<vmem>>, %arg8: memref<!tpu.dma_semaphore, #tpu.memory_space<semaphore_mem>>) attributes {dimension_semantics = [#tpu.dimension_semantics<core_parallel>, #tpu.dimension_semantics<subcore_parallel>], iteration_bounds = array<i64: 2, 16>, scalar_prefetch = 0 : i64, scratch_operands = 4 : i64, tpu.core_type = #tpu.core_type<sc_vector_subcore>, window_params = [{transform_indices = #map}, {transform_indices = #map1}, {transform_indices = #map}]} {
    %mul3A = arith.constant 2 : i32
    %mul3A_0 = arith.muli %arg1, %mul3A : i32
    %add3A = arith.addi %mul3A_0, %arg0 : i32
    %mul3A_1 = arith.constant 512 : i32
    %mul3A_2 = arith.muli %add3A, %mul3A_1 : i32
    "tpu.region"() ({
      %run_scoped3A = tpu.sem_alloc : memref<!tpu.dma_semaphore, #tpu.memory_space<semaphore_mem>>
      tpu.enqueue_dma source(%arg2 : memref<2x64xf32, #tpu.memory_space<hbm>>) target(%arg5 : memref<2x64xf32, #tpu.memory_space<vmem>>) target_semaphore(%run_scoped3A : memref<!tpu.dma_semaphore, #tpu.memory_space<semaphore_mem>>)
      tpu.wait_dma2 semaphore(%run_scoped3A : memref<!tpu.dma_semaphore, #tpu.memory_space<semaphore_mem>>) src(%arg2 : memref<2x64xf32, #tpu.memory_space<hbm>>) dst(%arg5 : memref<2x64xf32, #tpu.memory_space<vmem>>)
      tpu.yield
    }) : () -> ()
    "tpu.region"() ({
      %run_scoped3A = tpu.sem_alloc : memref<!tpu.dma_semaphore, #tpu.memory_space<semaphore_mem>>
      %dma_start3A_116 = tpu.memref_slice %arg3[%mul3A_2] : memref<16384xi32, #tpu.memory_space<hbm>> -> memref<512xi32, #tpu.memory_space<hbm>>
      %dma_start3A_117 = tpu.memref_slice %arg3[%mul3A_2] : memref<16384xi32, #tpu.memory_space<hbm>> -> memref<512xi32, #tpu.memory_space<hbm>>
      tpu.enqueue_dma source(%dma_start3A_117 : memref<512xi32, #tpu.memory_space<hbm>>) target(%arg6 : memref<512xi32, #tpu.memory_space<vmem>>) target_semaphore(%run_scoped3A : memref<!tpu.dma_semaphore, #tpu.memory_space<semaphore_mem>>)
      %dma_wait3A_118 = tpu.memref_slice %arg3[%mul3A_2] : memref<16384xi32, #tpu.memory_space<hbm>> -> memref<512xi32, #tpu.memory_space<hbm>>
      %dma_wait3A_119 = tpu.memref_slice %arg3[%mul3A_2] : memref<16384xi32, #tpu.memory_space<hbm>> -> memref<512xi32, #tpu.memory_space<hbm>>
      tpu.wait_dma2 semaphore(%run_scoped3A : memref<!tpu.dma_semaphore, #tpu.memory_space<semaphore_mem>>) src(%dma_wait3A_119 : memref<512xi32, #tpu.memory_space<hbm>>) dst(%arg6 : memref<512xi32, #tpu.memory_space<vmem>>)
      tpu.yield
    }) : () -> ()
    %iota3A = tpu.iota {dimensions = array<i32: 0>} : vector<16xi32>
    %scan3A = arith.constant 0 : i32
    %scan3A_3 = arith.constant 0 : i32
    %scan3A_4 = arith.constant 8 : i32
    %scan3A_5 = arith.addi %scan3A_3, %scan3A_4 : i32
    %scan3A_6 = arith.constant 1 : i32
    %scan3A_7 = scf.for %scan3A_116 = %scan3A_3 to %scan3A_5 step %scan3A_6 iter_args(%scan3A_117 = %scan3A) -> (i32)  : i32 {
      %mul3A_118 = arith.constant 16 : i32
      %mul3A_119 = arith.muli %mul3A_118, %scan3A_116 : i32
      %get3A = arith.index_cast %mul3A_119 : i32 to index
      %get3A_120 = tpu.vector_load %arg6[%get3A] {strides = array<i32>} : memref<512xi32, #tpu.memory_space<vmem>>, vector<16xi32>,
      %add3A_121 = vector.broadcast %mul3A_119 : i32 to vector<16xi32>
      %add3A_122 = arith.addi %add3A_121, %iota3A : vector<16xi32>
      %broadcast_in_dim3A = arith.constant 0 : i32
      %broadcast_in_dim3A_123 = vector.broadcast %broadcast_in_dim3A : i32 to vector<16xi32>
      %gather3A = tpu.vector_load_idx %arg5[%get3A_120, %broadcast_in_dim3A_123] : memref<2x64xf32, #tpu.memory_space<vmem>>[vector<16xi32>, vector<16xi32>], vector<16xf32>,
      tpu.vector_store_idx %arg7[%add3A_122, %broadcast_in_dim3A_123], %gather3A : memref<512x64xf32, #tpu.memory_space<vmem>>[vector<16xi32>, vector<16xi32>], vector<16xf32>,
      %broadcast_in_dim3A_124 = arith.constant 1 : i32
      %broadcast_in_dim3A_125 = vector.broadcast %broadcast_in_dim3A_124 : i32 to vector<16xi32>
      %gather3A_126 = tpu.vector_load_idx %arg5[%get3A_120, %broadcast_in_dim3A_125] : memref<2x64xf32, #tpu.memory_space<vmem>>[vector<16xi32>, vector<16xi32>], vector<16xf32>,
      tpu.vector_store_idx %arg7[%add3A_122, %broadcast_in_dim3A_125], %gather3A_126 : memref<512x64xf32, #tpu.memory_space<vmem>>[vector<16xi32>, vector<16xi32>], vector<16xf32>,
      %broadcast_in_dim3A_127 = arith.constant 2 : i32
      %broadcast_in_dim3A_128 = vector.broadcast %broadcast_in_dim3A_127 : i32 to vector<16xi32>
      %gather3A_129 = tpu.vector_load_idx %arg5[%get3A_120, %broadcast_in_dim3A_128] : memref<2x64xf32, #tpu.memory_space<vmem>>[vector<16xi32>, vector<16xi32>], vector<16xf32>,
      tpu.vector_store_idx %arg7[%add3A_122, %broadcast_in_dim3A_128], %gather3A_129 : memref<512x64xf32, #tpu.memory_space<vmem>>[vector<16xi32>, vector<16xi32>], vector<16xf32>,
      %broadcast_in_dim3A_130 = arith.constant 3 : i32
      %broadcast_in_dim3A_131 = vector.broadcast %broadcast_in_dim3A_130 : i32 to vector<16xi32>
      %gather3A_132 = tpu.vector_load_idx %arg5[%get3A_120, %broadcast_in_dim3A_131] : memref<2x64xf32, #tpu.memory_space<vmem>>[vector<16xi32>, vector<16xi32>], vector<16xf32>,
      tpu.vector_store_idx %arg7[%add3A_122, %broadcast_in_dim3A_131], %gather3A_132 : memref<512x64xf32, #tpu.memory_space<vmem>>[vector<16xi32>, vector<16xi32>], vector<16xf32>,
      %broadcast_in_dim3A_133 = arith.constant 4 : i32
      %broadcast_in_dim3A_134 = vector.broadcast %broadcast_in_dim3A_133 : i32 to vector<16xi32>
      %gather3A_135 = tpu.vector_load_idx %arg5[%get3A_120, %broadcast_in_dim3A_134] : memref<2x64xf32, #tpu.memory_space<vmem>>[vector<16xi32>, vector<16xi32>], vector<16xf32>,
      tpu.vector_store_idx %arg7[%add3A_122, %broadcast_in_dim3A_134], %gather3A_135 : memref<512x64xf32, #tpu.memory_space<vmem>>[vector<16xi32>, vector<16xi32>], vector<16xf32>,
      %broadcast_in_dim3A_136 = arith.constant 5 : i32
      %broadcast_in_dim3A_137 = vector.broadcast %broadcast_in_dim3A_136 : i32 to vector<16xi32>
      %gather3A_138 = tpu.vector_load_idx %arg5[%get3A_120, %broadcast_in_dim3A_137] : memref<2x64xf32, #tpu.memory_space<vmem>>[vector<16xi32>, vector<16xi32>], vector<16xf32>,
      tpu.vector_store_idx %arg7[%add3A_122, %broadcast_in_dim3A_137], %gather3A_138 : memref<512x64xf32, #tpu.memory_space<vmem>>[vector<16xi32>, vector<16xi32>], vector<16xf32>,
      %broadcast_in_dim3A_139 = arith.constant 6 : i32
      %broadcast_in_dim3A_140 = vector.broadcast %broadcast_in_dim3A_139 : i32 to vector<16xi32>
      %gather3A_141 = tpu.vector_load_idx %arg5[%get3A_120, %broadcast_in_dim3A_140] : memref<2x64xf32, #tpu.memory_space<vmem>>[vector<16xi32>, vector<16xi32>], vector<16xf32>,
      tpu.vector_store_idx %arg7[%add3A_122, %broadcast_in_dim3A_140], %gather3A_141 : memref<512x64xf32, #tpu.memory_space<vmem>>[vector<16xi32>, vector<16xi32>], vector<16xf32>,
      %broadcast_in_dim3A_142 = arith.constant 7 : i32
      %broadcast_in_dim3A_143 = vector.broadcast %broadcast_in_dim3A_142 : i32 to vector<16xi32>
      %gather3A_144 = tpu.vector_load_idx %arg5[%get3A_120, %broadcast_in_dim3A_143] : memref<2x64xf32, #tpu.memory_space<vmem>>[vector<16xi32>, vector<16xi32>], vector<16xf32>,
      tpu.vector_store_idx %arg7[%add3A_122, %broadcast_in_dim3A_143], %gather3A_144 : memref<512x64xf32, #tpu.memory_space<vmem>>[vector<16xi32>, vector<16xi32>], vector<16xf32>,
      %broadcast_in_dim3A_145 = arith.constant 8 : i32
      %broadcast_in_dim3A_146 = vector.broadcast %broadcast_in_dim3A_145 : i32 to vector<16xi32>
      %gather3A_147 = tpu.vector_load_idx %arg5[%get3A_120, %broadcast_in_dim3A_146] : memref<2x64xf32, #tpu.memory_space<vmem>>[vector<16xi32>, vector<16xi32>], vector<16xf32>,
      tpu.vector_store_idx %arg7[%add3A_122, %broadcast_in_dim3A_146], %gather3A_147 : memref<512x64xf32, #tpu.memory_space<vmem>>[vector<16xi32>, vector<16xi32>], vector<16xf32>,
      %broadcast_in_dim3A_148 = arith.constant 9 : i32
      %broadcast_in_dim3A_149 = vector.broadcast %broadcast_in_dim3A_148 : i32 to vector<16xi32>
      %gather3A_150 = tpu.vector_load_idx %arg5[%get3A_120, %broadcast_in_dim3A_149] : memref<2x64xf32, #tpu.memory_space<vmem>>[vector<16xi32>, vector<16xi32>], vector<16xf32>,
      tpu.vector_store_idx %arg7[%add3A_122, %broadcast_in_dim3A_149], %gather3A_150 : memref<512x64xf32, #tpu.memory_space<vmem>>[vector<16xi32>, vector<16xi32>], vector<16xf32>,
      %broadcast_in_dim3A_151 = arith.constant 10 : i32
      %broadcast_in_dim3A_152 = vector.broadcast %broadcast_in_dim3A_151 : i32 to vector<16xi32>
      %gather3A_153 = tpu.vector_load_idx %arg5[%get3A_120, %broadcast_in_dim3A_152] : memref<2x64xf32, #tpu.memory_space<vmem>>[vector<16xi32>, vector<16xi32>], vector<16xf32>,
      tpu.vector_store_idx %arg7[%add3A_122, %broadcast_in_dim3A_152], %gather3A_153 : memref<512x64xf32, #tpu.memory_space<vmem>>[vector<16xi32>, vector<16xi32>], vector<16xf32>,
      %broadcast_in_dim3A_154 = arith.constant 11 : i32
      %broadcast_in_dim3A_155 = vector.broadcast %broadcast_in_dim3A_154 : i32 to vector<16xi32>
      %gather3A_156 = tpu.vector_load_idx %arg5[%get3A_120, %broadcast_in_dim3A_155] : memref<2x64xf32, #tpu.memory_space<vmem>>[vector<16xi32>, vector<16xi32>], vector<16xf32>,
      tpu.vector_store_idx %arg7[%add3A_122, %broadcast_in_dim3A_155], %gather3A_156 : memref<512x64xf32, #tpu.memory_space<vmem>>[vector<16xi32>, vector<16xi32>], vector<16xf32>,
      %broadcast_in_dim3A_157 = arith.constant 12 : i32
      %broadcast_in_dim3A_158 = vector.broadcast %broadcast_in_dim3A_157 : i32 to vector<16xi32>
      %gather3A_159 = tpu.vector_load_idx %arg5[%get3A_120, %broadcast_in_dim3A_158] : memref<2x64xf32, #tpu.memory_space<vmem>>[vector<16xi32>, vector<16xi32>], vector<16xf32>,
      tpu.vector_store_idx %arg7[%add3A_122, %broadcast_in_dim3A_158], %gather3A_159 : memref<512x64xf32, #tpu.memory_space<vmem>>[vector<16xi32>, vector<16xi32>], vector<16xf32>,
      %broadcast_in_dim3A_160 = arith.constant 13 : i32
      %broadcast_in_dim3A_161 = vector.broadcast %broadcast_in_dim3A_160 : i32 to vector<16xi32>
      %gather3A_162 = tpu.vector_load_idx %arg5[%get3A_120, %broadcast_in_dim3A_161] : memref<2x64xf32, #tpu.memory_space<vmem>>[vector<16xi32>, vector<16xi32>], vector<16xf32>,
      tpu.vector_store_idx %arg7[%add3A_122, %broadcast_in_dim3A_161], %gather3A_162 : memref<512x64xf32, #tpu.memory_space<vmem>>[vector<16xi32>, vector<16xi32>], vector<16xf32>,
      %broadcast_in_dim3A_163 = arith.constant 14 : i32
      %broadcast_in_dim3A_164 = vector.broadcast %broadcast_in_dim3A_163 : i32 to vector<16xi32>
      %gather3A_165 = tpu.vector_load_idx %arg5[%get3A_120, %broadcast_in_dim3A_164] : memref<2x64xf32, #tpu.memory_space<vmem>>[vector<16xi32>, vector<16xi32>], vector<16xf32>,
      tpu.vector_store_idx %arg7[%add3A_122, %broadcast_in_dim3A_164], %gather3A_165 : memref<512x64xf32, #tpu.memory_space<vmem>>[vector<16xi32>, vector<16xi32>], vector<16xf32>,
      %broadcast_in_dim3A_166 = arith.constant 15 : i32
      %broadcast_in_dim3A_167 = vector.broadcast %broadcast_in_dim3A_166 : i32 to vector<16xi32>
      %gather3A_168 = tpu.vector_load_idx %arg5[%get3A_120, %broadcast_in_dim3A_167] : memref<2x64xf32, #tpu.memory_space<vmem>>[vector<16xi32>, vector<16xi32>], vector<16xf32>,
      tpu.vector_store_idx %arg7[%add3A_122, %broadcast_in_dim3A_167], %gather3A_168 : memref<512x64xf32, #tpu.memory_space<vmem>>[vector<16xi32>, vector<16xi32>], vector<16xf32>,
      %broadcast_in_dim3A_169 = arith.constant 16 : i32
      %broadcast_in_dim3A_170 = vector.broadcast %broadcast_in_dim3A_169 : i32 to vector<16xi32>
      %gather3A_171 = tpu.vector_load_idx %arg5[%get3A_120, %broadcast_in_dim3A_170] : memref<2x64xf32, #tpu.memory_space<vmem>>[vector<16xi32>, vector<16xi32>], vector<16xf32>,
      tpu.vector_store_idx %arg7[%add3A_122, %broadcast_in_dim3A_170], %gather3A_171 : memref<512x64xf32, #tpu.memory_space<vmem>>[vector<16xi32>, vector<16xi32>], vector<16xf32>,
      %broadcast_in_dim3A_172 = arith.constant 17 : i32
      %broadcast_in_dim3A_173 = vector.broadcast %broadcast_in_dim3A_172 : i32 to vector<16xi32>
      %gather3A_174 = tpu.vector_load_idx %arg5[%get3A_120, %broadcast_in_dim3A_173] : memref<2x64xf32, #tpu.memory_space<vmem>>[vector<16xi32>, vector<16xi32>], vector<16xf32>,
      tpu.vector_store_idx %arg7[%add3A_122, %broadcast_in_dim3A_173], %gather3A_174 : memref<512x64xf32, #tpu.memory_space<vmem>>[vector<16xi32>, vector<16xi32>], vector<16xf32>,
      %broadcast_in_dim3A_175 = arith.constant 18 : i32
      %broadcast_in_dim3A_176 = vector.broadcast %broadcast_in_dim3A_175 : i32 to vector<16xi32>
      %gather3A_177 = tpu.vector_load_idx %arg5[%get3A_120, %broadcast_in_dim3A_176] : memref<2x64xf32, #tpu.memory_space<vmem>>[vector<16xi32>, vector<16xi32>], vector<16xf32>,
      tpu.vector_store_idx %arg7[%add3A_122, %broadcast_in_dim3A_176], %gather3A_177 : memref<512x64xf32, #tpu.memory_space<vmem>>[vector<16xi32>, vector<16xi32>], vector<16xf32>,
      %broadcast_in_dim3A_178 = arith.constant 19 : i32
      %broadcast_in_dim3A_179 = vector.broadcast %broadcast_in_dim3A_178 : i32 to vector<16xi32>
      %gather3A_180 = tpu.vector_load_idx %arg5[%get3A_120, %broadcast_in_dim3A_179] : memref<2x64xf32, #tpu.memory_space<vmem>>[vector<16xi32>, vector<16xi32>], vector<16xf32>,
      tpu.vector_store_idx %arg7[%add3A_122, %broadcast_in_dim3A_179], %gather3A_180 : memref<512x64xf32, #tpu.memory_space<vmem>>[vector<16xi32>, vector<16xi32>], vector<16xf32>,
      %broadcast_in_dim3A_181 = arith.constant 20 : i32
      %broadcast_in_dim3A_182 = vector.broadcast %broadcast_in_dim3A_181 : i32 to vector<16xi32>
      %gather3A_183 = tpu.vector_load_idx %arg5[%get3A_120, %broadcast_in_dim3A_182] : memref<2x64xf32, #tpu.memory_space<vmem>>[vector<16xi32>, vector<16xi32>], vector<16xf32>,
      tpu.vector_store_idx %arg7[%add3A_122, %broadcast_in_dim3A_182], %gather3A_183 : memref<512x64xf32, #tpu.memory_space<vmem>>[vector<16xi32>, vector<16xi32>], vector<16xf32>,
      %broadcast_in_dim3A_184 = arith.constant 21 : i32
      %broadcast_in_dim3A_185 = vector.broadcast %broadcast_in_dim3A_184 : i32 to vector<16xi32>
      %gather3A_186 = tpu.vector_load_idx %arg5[%get3A_120, %broadcast_in_dim3A_185] : memref<2x64xf32, #tpu.memory_space<vmem>>[vector<16xi32>, vector<16xi32>], vector<16xf32>,
      tpu.vector_store_idx %arg7[%add3A_122, %broadcast_in_dim3A_185], %gather3A_186 : memref<512x64xf32, #tpu.memory_space<vmem>>[vector<16xi32>, vector<16xi32>], vector<16xf32>,
      %broadcast_in_dim3A_187 = arith.constant 22 : i32
      %broadcast_in_dim3A_188 = vector.broadcast %broadcast_in_dim3A_187 : i32 to vector<16xi32>
      %gather3A_189 = tpu.vector_load_idx %arg5[%get3A_120, %broadcast_in_dim3A_188] : memref<2x64xf32, #tpu.memory_space<vmem>>[vector<16xi32>, vector<16xi32>], vector<16xf32>,
      tpu.vector_store_idx %arg7[%add3A_122, %broadcast_in_dim3A_188], %gather3A_189 : memref<512x64xf32, #tpu.memory_space<vmem>>[vector<16xi32>, vector<16xi32>], vector<16xf32>,
      %broadcast_in_dim3A_190 = arith.constant 23 : i32
      %broadcast_in_dim3A_191 = vector.broadcast %broadcast_in_dim3A_190 : i32 to vector<16xi32>
      %gather3A_192 = tpu.vector_load_idx %arg5[%get3A_120, %broadcast_in_dim3A_191] : memref<2x64xf32, #tpu.memory_space<vmem>>[vector<16xi32>, vector<16xi32>], vector<16xf32>,
      tpu.vector_store_idx %arg7[%add3A_122, %broadcast_in_dim3A_191], %gather3A_192 : memref<512x64xf32, #tpu.memory_space<vmem>>[vector<16xi32>, vector<16xi32>], vector<16xf32>,
      %broadcast_in_dim3A_193 = arith.constant 24 : i32
      %broadcast_in_dim3A_194 = vector.broadcast %broadcast_in_dim3A_193 : i32 to vector<16xi32>
      %gather3A_195 = tpu.vector_load_idx %arg5[%get3A_120, %broadcast_in_dim3A_194] : memref<2x64xf32, #tpu.memory_space<vmem>>[vector<16xi32>, vector<16xi32>], vector<16xf32>,
      tpu.vector_store_idx %arg7[%add3A_122, %broadcast_in_dim3A_194], %gather3A_195 : memref<512x64xf32, #tpu.memory_space<vmem>>[vector<16xi32>, vector<16xi32>], vector<16xf32>,
      %broadcast_in_dim3A_196 = arith.constant 25 : i32
      %broadcast_in_dim3A_197 = vector.broadcast %broadcast_in_dim3A_196 : i32 to vector<16xi32>
      %gather3A_198 = tpu.vector_load_idx %arg5[%get3A_120, %broadcast_in_dim3A_197] : memref<2x64xf32, #tpu.memory_space<vmem>>[vector<16xi32>, vector<16xi32>], vector<16xf32>,
      tpu.vector_store_idx %arg7[%add3A_122, %broadcast_in_dim3A_197], %gather3A_198 : memref<512x64xf32, #tpu.memory_space<vmem>>[vector<16xi32>, vector<16xi32>], vector<16xf32>,
      %broadcast_in_dim3A_199 = arith.constant 26 : i32
      %broadcast_in_dim3A_200 = vector.broadcast %broadcast_in_dim3A_199 : i32 to vector<16xi32>
      %gather3A_201 = tpu.vector_load_idx %arg5[%get3A_120, %broadcast_in_dim3A_200] : memref<2x64xf32, #tpu.memory_space<vmem>>[vector<16xi32>, vector<16xi32>], vector<16xf32>,
      tpu.vector_store_idx %arg7[%add3A_122, %broadcast_in_dim3A_200], %gather3A_201 : memref<512x64xf32, #tpu.memory_space<vmem>>[vector<16xi32>, vector<16xi32>], vector<16xf32>,
      %broadcast_in_dim3A_202 = arith.constant 27 : i32
      %broadcast_in_dim3A_203 = vector.broadcast %broadcast_in_dim3A_202 : i32 to vector<16xi32>
      %gather3A_204 = tpu.vector_load_idx %arg5[%get3A_120, %broadcast_in_dim3A_203] : memref<2x64xf32, #tpu.memory_space<vmem>>[vector<16xi32>, vector<16xi32>], vector<16xf32>,
      tpu.vector_store_idx %arg7[%add3A_122, %broadcast_in_dim3A_203], %gather3A_204 : memref<512x64xf32, #tpu.memory_space<vmem>>[vector<16xi32>, vector<16xi32>], vector<16xf32>,
      %broadcast_in_dim3A_205 = arith.constant 28 : i32
      %broadcast_in_dim3A_206 = vector.broadcast %broadcast_in_dim3A_205 : i32 to vector<16xi32>
      %gather3A_207 = tpu.vector_load_idx %arg5[%get3A_120, %broadcast_in_dim3A_206] : memref<2x64xf32, #tpu.memory_space<vmem>>[vector<16xi32>, vector<16xi32>], vector<16xf32>,
      tpu.vector_store_idx %arg7[%add3A_122, %broadcast_in_dim3A_206], %gather3A_207 : memref<512x64xf32, #tpu.memory_space<vmem>>[vector<16xi32>, vector<16xi32>], vector<16xf32>,
      %broadcast_in_dim3A_208 = arith.constant 29 : i32
      %broadcast_in_dim3A_209 = vector.broadcast %broadcast_in_dim3A_208 : i32 to vector<16xi32>
      %gather3A_210 = tpu.vector_load_idx %arg5[%get3A_120, %broadcast_in_dim3A_209] : memref<2x64xf32, #tpu.memory_space<vmem>>[vector<16xi32>, vector<16xi32>], vector<16xf32>,
      tpu.vector_store_idx %arg7[%add3A_122, %broadcast_in_dim3A_209], %gather3A_210 : memref<512x64xf32, #tpu.memory_space<vmem>>[vector<16xi32>, vector<16xi32>], vector<16xf32>,
      %broadcast_in_dim3A_211 = arith.constant 30 : i32
      %broadcast_in_dim3A_212 = vector.broadcast %broadcast_in_dim3A_211 : i32 to vector<16xi32>
      %gather3A_213 = tpu.vector_load_idx %arg5[%get3A_120, %broadcast_in_dim3A_212] : memref<2x64xf32, #tpu.memory_space<vmem>>[vector<16xi32>, vector<16xi32>], vector<16xf32>,
      tpu.vector_store_idx %arg7[%add3A_122, %broadcast_in_dim3A_212], %gather3A_213 : memref<512x64xf32, #tpu.memory_space<vmem>>[vector<16xi32>, vector<16xi32>], vector<16xf32>,
      %broadcast_in_dim3A_214 = arith.constant 31 : i32
      %broadcast_in_dim3A_215 = vector.broadcast %broadcast_in_dim3A_214 : i32 to vector<16xi32>
      %gather3A_216 = tpu.vector_load_idx %arg5[%get3A_120, %broadcast_in_dim3A_215] : memref<2x64xf32, #tpu.memory_space<vmem>>[vector<16xi32>, vector<16xi32>], vector<16xf32>,
      tpu.vector_store_idx %arg7[%add3A_122, %broadcast_in_dim3A_215], %gather3A_216 : memref<512x64xf32, #tpu.memory_space<vmem>>[vector<16xi32>, vector<16xi32>], vector<16xf32>,
      %broadcast_in_dim3A_217 = arith.constant 32 : i32
      %broadcast_in_dim3A_218 = vector.broadcast %broadcast_in_dim3A_217 : i32 to vector<16xi32>
      %gather3A_219 = tpu.vector_load_idx %arg5[%get3A_120, %broadcast_in_dim3A_218] : memref<2x64xf32, #tpu.memory_space<vmem>>[vector<16xi32>, vector<16xi32>], vector<16xf32>,
      tpu.vector_store_idx %arg7[%add3A_122, %broadcast_in_dim3A_218], %gather3A_219 : memref<512x64xf32, #tpu.memory_space<vmem>>[vector<16xi32>, vector<16xi32>], vector<16xf32>,
      %broadcast_in_dim3A_220 = arith.constant 33 : i32
      %broadcast_in_dim3A_221 = vector.broadcast %broadcast_in_dim3A_220 : i32 to vector<16xi32>
      %gather3A_222 = tpu.vector_load_idx %arg5[%get3A_120, %broadcast_in_dim3A_221] : memref<2x64xf32, #tpu.memory_space<vmem>>[vector<16xi32>, vector<16xi32>], vector<16xf32>,
      tpu.vector_store_idx %arg7[%add3A_122, %broadcast_in_dim3A_221], %gather3A_222 : memref<512x64xf32, #tpu.memory_space<vmem>>[vector<16xi32>, vector<16xi32>], vector<16xf32>,
      %broadcast_in_dim3A_223 = arith.constant 34 : i32
      %broadcast_in_dim3A_224 = vector.broadcast %broadcast_in_dim3A_223 : i32 to vector<16xi32>
      %gather3A_225 = tpu.vector_load_idx %arg5[%get3A_120, %broadcast_in_dim3A_224] : memref<2x64xf32, #tpu.memory_space<vmem>>[vector<16xi32>, vector<16xi32>], vector<16xf32>,
      tpu.vector_store_idx %arg7[%add3A_122, %broadcast_in_dim3A_224], %gather3A_225 : memref<512x64xf32, #tpu.memory_space<vmem>>[vector<16xi32>, vector<16xi32>], vector<16xf32>,
      %broadcast_in_dim3A_226 = arith.constant 35 : i32
      %broadcast_in_dim3A_227 = vector.broadcast %broadcast_in_dim3A_226 : i32 to vector<16xi32>
      %gather3A_228 = tpu.vector_load_idx %arg5[%get3A_120, %broadcast_in_dim3A_227] : memref<2x64xf32, #tpu.memory_space<vmem>>[vector<16xi32>, vector<16xi32>], vector<16xf32>,
      tpu.vector_store_idx %arg7[%add3A_122, %broadcast_in_dim3A_227], %gather3A_228 : memref<512x64xf32, #tpu.memory_space<vmem>>[vector<16xi32>, vector<16xi32>], vector<16xf32>,
      %broadcast_in_dim3A_229 = arith.constant 36 : i32
      %broadcast_in_dim3A_230 = vector.broadcast %broadcast_in_dim3A_229 : i32 to vector<16xi32>
      %gather3A_231 = tpu.vector_load_idx %arg5[%get3A_120, %broadcast_in_dim3A_230] : memref<2x64xf32, #tpu.memory_space<vmem>>[vector<16xi32>, vector<16xi32>], vector<16xf32>,
      tpu.vector_store_idx %arg7[%add3A_122, %broadcast_in_dim3A_230], %gather3A_231 : memref<512x64xf32, #tpu.memory_space<vmem>>[vector<16xi32>, vector<16xi32>], vector<16xf32>,
      %broadcast_in_dim3A_232 = arith.constant 37 : i32
      %broadcast_in_dim3A_233 = vector.broadcast %broadcast_in_dim3A_232 : i32 to vector<16xi32>
      %gather3A_234 = tpu.vector_load_idx %arg5[%get3A_120, %broadcast_in_dim3A_233] : memref<2x64xf32, #tpu.memory_space<vmem>>[vector<16xi32>, vector<16xi32>], vector<16xf32>,
      tpu.vector_store_idx %arg7[%add3A_122, %broadcast_in_dim3A_233], %gather3A_234 : memref<512x64xf32, #tpu.memory_space<vmem>>[vector<16xi32>, vector<16xi32>], vector<16xf32>,
      %broadcast_in_dim3A_235 = arith.constant 38 : i32
      %broadcast_in_dim3A_236 = vector.broadcast %broadcast_in_dim3A_235 : i32 to vector<16xi32>
      %gather3A_237 = tpu.vector_load_idx %arg5[%get3A_120, %broadcast_in_dim3A_236] : memref<2x64xf32, #tpu.memory_space<vmem>>[vector<16xi32>, vector<16xi32>], vector<16xf32>,
      tpu.vector_store_idx %arg7[%add3A_122, %broadcast_in_dim3A_236], %gather3A_237 : memref<512x64xf32, #tpu.memory_space<vmem>>[vector<16xi32>, vector<16xi32>], vector<16xf32>,
      %broadcast_in_dim3A_238 = arith.constant 39 : i32
      %broadcast_in_dim3A_239 = vector.broadcast %broadcast_in_dim3A_238 : i32 to vector<16xi32>
      %gather3A_240 = tpu.vector_load_idx %arg5[%get3A_120, %broadcast_in_dim3A_239] : memref<2x64xf32, #tpu.memory_space<vmem>>[vector<16xi32>, vector<16xi32>], vector<16xf32>,
      tpu.vector_store_idx %arg7[%add3A_122, %broadcast_in_dim3A_239], %gather3A_240 : memref<512x64xf32, #tpu.memory_space<vmem>>[vector<16xi32>, vector<16xi32>], vector<16xf32>,
      %broadcast_in_dim3A_241 = arith.constant 40 : i32
      %broadcast_in_dim3A_242 = vector.broadcast %broadcast_in_dim3A_241 : i32 to vector<16xi32>
      %gather3A_243 = tpu.vector_load_idx %arg5[%get3A_120, %broadcast_in_dim3A_242] : memref<2x64xf32, #tpu.memory_space<vmem>>[vector<16xi32>, vector<16xi32>], vector<16xf32>,
      tpu.vector_store_idx %arg7[%add3A_122, %broadcast_in_dim3A_242], %gather3A_243 : memref<512x64xf32, #tpu.memory_space<vmem>>[vector<16xi32>, vector<16xi32>], vector<16xf32>,
      %broadcast_in_dim3A_244 = arith.constant 41 : i32
      %broadcast_in_dim3A_245 = vector.broadcast %broadcast_in_dim3A_244 : i32 to vector<16xi32>
      %gather3A_246 = tpu.vector_load_idx %arg5[%get3A_120, %broadcast_in_dim3A_245] : memref<2x64xf32, #tpu.memory_space<vmem>>[vector<16xi32>, vector<16xi32>], vector<16xf32>,
      tpu.vector_store_idx %arg7[%add3A_122, %broadcast_in_dim3A_245], %gather3A_246 : memref<512x64xf32, #tpu.memory_space<vmem>>[vector<16xi32>, vector<16xi32>], vector<16xf32>,
      %broadcast_in_dim3A_247 = arith.constant 42 : i32
      %broadcast_in_dim3A_248 = vector.broadcast %broadcast_in_dim3A_247 : i32 to vector<16xi32>
      %gather3A_249 = tpu.vector_load_idx %arg5[%get3A_120, %broadcast_in_dim3A_248] : memref<2x64xf32, #tpu.memory_space<vmem>>[vector<16xi32>, vector<16xi32>], vector<16xf32>,
      tpu.vector_store_idx %arg7[%add3A_122, %broadcast_in_dim3A_248], %gather3A_249 : memref<512x64xf32, #tpu.memory_space<vmem>>[vector<16xi32>, vector<16xi32>], vector<16xf32>,
      %broadcast_in_dim3A_250 = arith.constant 43 : i32
      %broadcast_in_dim3A_251 = vector.broadcast %broadcast_in_dim3A_250 : i32 to vector<16xi32>
      %gather3A_252 = tpu.vector_load_idx %arg5[%get3A_120, %broadcast_in_dim3A_251] : memref<2x64xf32, #tpu.memory_space<vmem>>[vector<16xi32>, vector<16xi32>], vector<16xf32>,
      tpu.vector_store_idx %arg7[%add3A_122, %broadcast_in_dim3A_251], %gather3A_252 : memref<512x64xf32, #tpu.memory_space<vmem>>[vector<16xi32>, vector<16xi32>], vector<16xf32>,
      %broadcast_in_dim3A_253 = arith.constant 44 : i32
      %broadcast_in_dim3A_254 = vector.broadcast %broadcast_in_dim3A_253 : i32 to vector<16xi32>
      %gather3A_255 = tpu.vector_load_idx %arg5[%get3A_120, %broadcast_in_dim3A_254] : memref<2x64xf32, #tpu.memory_space<vmem>>[vector<16xi32>, vector<16xi32>], vector<16xf32>,
      tpu.vector_store_idx %arg7[%add3A_122, %broadcast_in_dim3A_254], %gather3A_255 : memref<512x64xf32, #tpu.memory_space<vmem>>[vector<16xi32>, vector<16xi32>], vector<16xf32>,
      %broadcast_in_dim3A_256 = arith.constant 45 : i32
      %broadcast_in_dim3A_257 = vector.broadcast %broadcast_in_dim3A_256 : i32 to vector<16xi32>
      %gather3A_258 = tpu.vector_load_idx %arg5[%get3A_120, %broadcast_in_dim3A_257] : memref<2x64xf32, #tpu.memory_space<vmem>>[vector<16xi32>, vector<16xi32>], vector<16xf32>,
      tpu.vector_store_idx %arg7[%add3A_122, %broadcast_in_dim3A_257], %gather3A_258 : memref<512x64xf32, #tpu.memory_space<vmem>>[vector<16xi32>, vector<16xi32>], vector<16xf32>,
      %broadcast_in_dim3A_259 = arith.constant 46 : i32
      %broadcast_in_dim3A_260 = vector.broadcast %broadcast_in_dim3A_259 : i32 to vector<16xi32>
      %gather3A_261 = tpu.vector_load_idx %arg5[%get3A_120, %broadcast_in_dim3A_260] : memref<2x64xf32, #tpu.memory_space<vmem>>[vector<16xi32>, vector<16xi32>], vector<16xf32>,
      tpu.vector_store_idx %arg7[%add3A_122, %broadcast_in_dim3A_260], %gather3A_261 : memref<512x64xf32, #tpu.memory_space<vmem>>[vector<16xi32>, vector<16xi32>], vector<16xf32>,
      %broadcast_in_dim3A_262 = arith.constant 47 : i32
      %broadcast_in_dim3A_263 = vector.broadcast %broadcast_in_dim3A_262 : i32 to vector<16xi32>
      %gather3A_264 = tpu.vector_load_idx %arg5[%get3A_120, %broadcast_in_dim3A_263] : memref<2x64xf32, #tpu.memory_space<vmem>>[vector<16xi32>, vector<16xi32>], vector<16xf32>,
      tpu.vector_store_idx %arg7[%add3A_122, %broadcast_in_dim3A_263], %gather3A_264 : memref<512x64xf32, #tpu.memory_space<vmem>>[vector<16xi32>, vector<16xi32>], vector<16xf32>,
      %broadcast_in_dim3A_265 = arith.constant 48 : i32
      %broadcast_in_dim3A_266 = vector.broadcast %broadcast_in_dim3A_265 : i32 to vector<16xi32>
      %gather3A_267 = tpu.vector_load_idx %arg5[%get3A_120, %broadcast_in_dim3A_266] : memref<2x64xf32, #tpu.memory_space<vmem>>[vector<16xi32>, vector<16xi32>], vector<16xf32>,
      tpu.vector_store_idx %arg7[%add3A_122, %broadcast_in_dim3A_266], %gather3A_267 : memref<512x64xf32, #tpu.memory_space<vmem>>[vector<16xi32>, vector<16xi32>], vector<16xf32>,
      %broadcast_in_dim3A_268 = arith.constant 49 : i32
      %broadcast_in_dim3A_269 = vector.broadcast %broadcast_in_dim3A_268 : i32 to vector<16xi32>
      %gather3A_270 = tpu.vector_load_idx %arg5[%get3A_120, %broadcast_in_dim3A_269] : memref<2x64xf32, #tpu.memory_space<vmem>>[vector<16xi32>, vector<16xi32>], vector<16xf32>,
      tpu.vector_store_idx %arg7[%add3A_122, %broadcast_in_dim3A_269], %gather3A_270 : memref<512x64xf32, #tpu.memory_space<vmem>>[vector<16xi32>, vector<16xi32>], vector<16xf32>,
      %broadcast_in_dim3A_271 = arith.constant 50 : i32
      %broadcast_in_dim3A_272 = vector.broadcast %broadcast_in_dim3A_271 : i32 to vector<16xi32>
      %gather3A_273 = tpu.vector_load_idx %arg5[%get3A_120, %broadcast_in_dim3A_272] : memref<2x64xf32, #tpu.memory_space<vmem>>[vector<16xi32>, vector<16xi32>], vector<16xf32>,
      tpu.vector_store_idx %arg7[%add3A_122, %broadcast_in_dim3A_272], %gather3A_273 : memref<512x64xf32, #tpu.memory_space<vmem>>[vector<16xi32>, vector<16xi32>], vector<16xf32>,
      %broadcast_in_dim3A_274 = arith.constant 51 : i32
      %broadcast_in_dim3A_275 = vector.broadcast %broadcast_in_dim3A_274 : i32 to vector<16xi32>
      %gather3A_276 = tpu.vector_load_idx %arg5[%get3A_120, %broadcast_in_dim3A_275] : memref<2x64xf32, #tpu.memory_space<vmem>>[vector<16xi32>, vector<16xi32>], vector<16xf32>,
      tpu.vector_store_idx %arg7[%add3A_122, %broadcast_in_dim3A_275], %gather3A_276 : memref<512x64xf32, #tpu.memory_space<vmem>>[vector<16xi32>, vector<16xi32>], vector<16xf32>,
      %broadcast_in_dim3A_277 = arith.constant 52 : i32
      %broadcast_in_dim3A_278 = vector.broadcast %broadcast_in_dim3A_277 : i32 to vector<16xi32>
      %gather3A_279 = tpu.vector_load_idx %arg5[%get3A_120, %broadcast_in_dim3A_278] : memref<2x64xf32, #tpu.memory_space<vmem>>[vector<16xi32>, vector<16xi32>], vector<16xf32>,
      tpu.vector_store_idx %arg7[%add3A_122, %broadcast_in_dim3A_278], %gather3A_279 : memref<512x64xf32, #tpu.memory_space<vmem>>[vector<16xi32>, vector<16xi32>], vector<16xf32>,
      %broadcast_in_dim3A_280 = arith.constant 53 : i32
      %broadcast_in_dim3A_281 = vector.broadcast %broadcast_in_dim3A_280 : i32 to vector<16xi32>
      %gather3A_282 = tpu.vector_load_idx %arg5[%get3A_120, %broadcast_in_dim3A_281] : memref<2x64xf32, #tpu.memory_space<vmem>>[vector<16xi32>, vector<16xi32>], vector<16xf32>,
      tpu.vector_store_idx %arg7[%add3A_122, %broadcast_in_dim3A_281], %gather3A_282 : memref<512x64xf32, #tpu.memory_space<vmem>>[vector<16xi32>, vector<16xi32>], vector<16xf32>,
      %broadcast_in_dim3A_283 = arith.constant 54 : i32
      %broadcast_in_dim3A_284 = vector.broadcast %broadcast_in_dim3A_283 : i32 to vector<16xi32>
      %gather3A_285 = tpu.vector_load_idx %arg5[%get3A_120, %broadcast_in_dim3A_284] : memref<2x64xf32, #tpu.memory_space<vmem>>[vector<16xi32>, vector<16xi32>], vector<16xf32>,
      tpu.vector_store_idx %arg7[%add3A_122, %broadcast_in_dim3A_284], %gather3A_285 : memref<512x64xf32, #tpu.memory_space<vmem>>[vector<16xi32>, vector<16xi32>], vector<16xf32>,
      %broadcast_in_dim3A_286 = arith.constant 55 : i32
      %broadcast_in_dim3A_287 = vector.broadcast %broadcast_in_dim3A_286 : i32 to vector<16xi32>
      %gather3A_288 = tpu.vector_load_idx %arg5[%get3A_120, %broadcast_in_dim3A_287] : memref<2x64xf32, #tpu.memory_space<vmem>>[vector<16xi32>, vector<16xi32>], vector<16xf32>,
      tpu.vector_store_idx %arg7[%add3A_122, %broadcast_in_dim3A_287], %gather3A_288 : memref<512x64xf32, #tpu.memory_space<vmem>>[vector<16xi32>, vector<16xi32>], vector<16xf32>,
      %broadcast_in_dim3A_289 = arith.constant 56 : i32
      %broadcast_in_dim3A_290 = vector.broadcast %broadcast_in_dim3A_289 : i32 to vector<16xi32>
      %gather3A_291 = tpu.vector_load_idx %arg5[%get3A_120, %broadcast_in_dim3A_290] : memref<2x64xf32, #tpu.memory_space<vmem>>[vector<16xi32>, vector<16xi32>], vector<16xf32>,
      tpu.vector_store_idx %arg7[%add3A_122, %broadcast_in_dim3A_290], %gather3A_291 : memref<512x64xf32, #tpu.memory_space<vmem>>[vector<16xi32>, vector<16xi32>], vector<16xf32>,
      %broadcast_in_dim3A_292 = arith.constant 57 : i32
      %broadcast_in_dim3A_293 = vector.broadcast %broadcast_in_dim3A_292 : i32 to vector<16xi32>
      %gather3A_294 = tpu.vector_load_idx %arg5[%get3A_120, %broadcast_in_dim3A_293] : memref<2x64xf32, #tpu.memory_space<vmem>>[vector<16xi32>, vector<16xi32>], vector<16xf32>,
      tpu.vector_store_idx %arg7[%add3A_122, %broadcast_in_dim3A_293], %gather3A_294 : memref<512x64xf32, #tpu.memory_space<vmem>>[vector<16xi32>, vector<16xi32>], vector<16xf32>,
      %broadcast_in_dim3A_295 = arith.constant 58 : i32
      %broadcast_in_dim3A_296 = vector.broadcast %broadcast_in_dim3A_295 : i32 to vector<16xi32>
      %gather3A_297 = tpu.vector_load_idx %arg5[%get3A_120, %broadcast_in_dim3A_296] : memref<2x64xf32, #tpu.memory_space<vmem>>[vector<16xi32>, vector<16xi32>], vector<16xf32>,
      tpu.vector_store_idx %arg7[%add3A_122, %broadcast_in_dim3A_296], %gather3A_297 : memref<512x64xf32, #tpu.memory_space<vmem>>[vector<16xi32>, vector<16xi32>], vector<16xf32>,
      %broadcast_in_dim3A_298 = arith.constant 59 : i32
      %broadcast_in_dim3A_299 = vector.broadcast %broadcast_in_dim3A_298 : i32 to vector<16xi32>
      %gather3A_300 = tpu.vector_load_idx %arg5[%get3A_120, %broadcast_in_dim3A_299] : memref<2x64xf32, #tpu.memory_space<vmem>>[vector<16xi32>, vector<16xi32>], vector<16xf32>,
      tpu.vector_store_idx %arg7[%add3A_122, %broadcast_in_dim3A_299], %gather3A_300 : memref<512x64xf32, #tpu.memory_space<vmem>>[vector<16xi32>, vector<16xi32>], vector<16xf32>,
      %broadcast_in_dim3A_301 = arith.constant 60 : i32
      %broadcast_in_dim3A_302 = vector.broadcast %broadcast_in_dim3A_301 : i32 to vector<16xi32>
      %gather3A_303 = tpu.vector_load_idx %arg5[%get3A_120, %broadcast_in_dim3A_302] : memref<2x64xf32, #tpu.memory_space<vmem>>[vector<16xi32>, vector<16xi32>], vector<16xf32>,
      tpu.vector_store_idx %arg7[%add3A_122, %broadcast_in_dim3A_302], %gather3A_303 : memref<512x64xf32, #tpu.memory_space<vmem>>[vector<16xi32>, vector<16xi32>], vector<16xf32>,
      %broadcast_in_dim3A_304 = arith.constant 61 : i32
      %broadcast_in_dim3A_305 = vector.broadcast %broadcast_in_dim3A_304 : i32 to vector<16xi32>
      %gather3A_306 = tpu.vector_load_idx %arg5[%get3A_120, %broadcast_in_dim3A_305] : memref<2x64xf32, #tpu.memory_space<vmem>>[vector<16xi32>, vector<16xi32>], vector<16xf32>,
      tpu.vector_store_idx %arg7[%add3A_122, %broadcast_in_dim3A_305], %gather3A_306 : memref<512x64xf32, #tpu.memory_space<vmem>>[vector<16xi32>, vector<16xi32>], vector<16xf32>,
      %broadcast_in_dim3A_307 = arith.constant 62 : i32
      %broadcast_in_dim3A_308 = vector.broadcast %broadcast_in_dim3A_307 : i32 to vector<16xi32>
      %gather3A_309 = tpu.vector_load_idx %arg5[%get3A_120, %broadcast_in_dim3A_308] : memref<2x64xf32, #tpu.memory_space<vmem>>[vector<16xi32>, vector<16xi32>], vector<16xf32>,
      tpu.vector_store_idx %arg7[%add3A_122, %broadcast_in_dim3A_308], %gather3A_309 : memref<512x64xf32, #tpu.memory_space<vmem>>[vector<16xi32>, vector<16xi32>], vector<16xf32>,
      %broadcast_in_dim3A_310 = arith.constant 63 : i32
      %broadcast_in_dim3A_311 = vector.broadcast %broadcast_in_dim3A_310 : i32 to vector<16xi32>
      %gather3A_312 = tpu.vector_load_idx %arg5[%get3A_120, %broadcast_in_dim3A_311] : memref<2x64xf32, #tpu.memory_space<vmem>>[vector<16xi32>, vector<16xi32>], vector<16xf32>,
      tpu.vector_store_idx %arg7[%add3A_122, %broadcast_in_dim3A_311], %gather3A_312 : memref<512x64xf32, #tpu.memory_space<vmem>>[vector<16xi32>, vector<16xi32>], vector<16xf32>,
      %scan3A_313 = arith.constant 0 : i32
      scf.yield %scan3A_313 : i32
    }
    %scan3A_8 = arith.constant 8 : i32
    %add3A_9 = arith.constant 0 : i32
    %add3A_10 = arith.addi %mul3A_2, %add3A_9 : i32
    %dma_start3A = arith.constant 0 : i32
    %dma_start3A_11 = arith.constant 0 : i32
    %dma_start3A_12 = tpu.memref_slice %arg7[%dma_start3A, %dma_start3A_11] : memref<512x64xf32, #tpu.memory_space<vmem>> -> memref<128x64xf32, #tpu.memory_space<vmem>>
    %dma_start3A_13 = arith.constant 0 : i32
    %dma_start3A_14 = tpu.memref_slice %arg4[%add3A_10, %dma_start3A_13] : memref<16384x64xf32, #tpu.memory_space<hbm>> -> memref<128x64xf32, #tpu.memory_space<hbm>>
    %dma_start3A_15 = arith.constant 0 : i32
    %dma_start3A_16 = tpu.memref_slice %arg4[%add3A_10, %dma_start3A_15] : memref<16384x64xf32, #tpu.memory_space<hbm>> -> memref<128x64xf32, #tpu.memory_space<hbm>>
    %dma_start3A_17 = arith.constant 0 : i32
    %dma_start3A_18 = arith.constant 0 : i32
    %dma_start3A_19 = tpu.memref_slice %arg7[%dma_start3A_17, %dma_start3A_18] : memref<512x64xf32, #tpu.memory_space<vmem>> -> memref<128x64xf32, #tpu.memory_space<vmem>>
    tpu.enqueue_dma source(%dma_start3A_19 : memref<128x64xf32, #tpu.memory_space<vmem>>) target(%dma_start3A_16 : memref<128x64xf32, #tpu.memory_space<hbm>>) target_semaphore(%arg8 : memref<!tpu.dma_semaphore, #tpu.memory_space<semaphore_mem>>)
    %scan3A_20 = arith.constant 0 : i32
    %scan3A_21 = arith.constant 8 : i32
    %scan3A_22 = arith.constant 8 : i32
    %scan3A_23 = arith.addi %scan3A_21, %scan3A_22 : i32
    %scan3A_24 = arith.constant 1 : i32
    %scan3A_25 = scf.for %scan3A_116 = %scan3A_21 to %scan3A_23 step %scan3A_24 iter_args(%scan3A_117 = %scan3A_20) -> (i32)  : i32 {
      %mul3A_118 = arith.constant 16 : i32
      %mul3A_119 = arith.muli %mul3A_118, %scan3A_116 : i32
      %get3A = arith.index_cast %mul3A_119 : i32 to index
      %get3A_120 = tpu.vector_load %arg6[%get3A] {strides = array<i32>} : memref<512xi32, #tpu.memory_space<vmem>>, vector<16xi32>,
      %add3A_121 = vector.broadcast %mul3A_119 : i32 to vector<16xi32>
      %add3A_122 = arith.addi %add3A_121, %iota3A : vector<16xi32>
      %broadcast_in_dim3A = arith.constant 0 : i32
      %broadcast_in_dim3A_123 = vector.broadcast %broadcast_in_dim3A : i32 to vector<16xi32>
      %gather3A = tpu.vector_load_idx %arg5[%get3A_120, %broadcast_in_dim3A_123] : memref<2x64xf32, #tpu.memory_space<vmem>>[vector<16xi32>, vector<16xi32>], vector<16xf32>,
      tpu.vector_store_idx %arg7[%add3A_122, %broadcast_in_dim3A_123], %gather3A : memref<512x64xf32, #tpu.memory_space<vmem>>[vector<16xi32>, vector<16xi32>], vector<16xf32>,
      %broadcast_in_dim3A_124 = arith.constant 1 : i32
      %broadcast_in_dim3A_125 = vector.broadcast %broadcast_in_dim3A_124 : i32 to vector<16xi32>
      %gather3A_126 = tpu.vector_load_idx %arg5[%get3A_120, %broadcast_in_dim3A_125] : memref<2x64xf32, #tpu.memory_space<vmem>>[vector<16xi32>, vector<16xi32>], vector<16xf32>,
      tpu.vector_store_idx %arg7[%add3A_122, %broadcast_in_dim3A_125], %gather3A_126 : memref<512x64xf32, #tpu.memory_space<vmem>>[vector<16xi32>, vector<16xi32>], vector<16xf32>,
      %broadcast_in_dim3A_127 = arith.constant 2 : i32
      %broadcast_in_dim3A_128 = vector.broadcast %broadcast_in_dim3A_127 : i32 to vector<16xi32>
      %gather3A_129 = tpu.vector_load_idx %arg5[%get3A_120, %broadcast_in_dim3A_128] : memref<2x64xf32, #tpu.memory_space<vmem>>[vector<16xi32>, vector<16xi32>], vector<16xf32>,
      tpu.vector_store_idx %arg7[%add3A_122, %broadcast_in_dim3A_128], %gather3A_129 : memref<512x64xf32, #tpu.memory_space<vmem>>[vector<16xi32>, vector<16xi32>], vector<16xf32>,
      %broadcast_in_dim3A_130 = arith.constant 3 : i32
      %broadcast_in_dim3A_131 = vector.broadcast %broadcast_in_dim3A_130 : i32 to vector<16xi32>
      %gather3A_132 = tpu.vector_load_idx %arg5[%get3A_120, %broadcast_in_dim3A_131] : memref<2x64xf32, #tpu.memory_space<vmem>>[vector<16xi32>, vector<16xi32>], vector<16xf32>,
      tpu.vector_store_idx %arg7[%add3A_122, %broadcast_in_dim3A_131], %gather3A_132 : memref<512x64xf32, #tpu.memory_space<vmem>>[vector<16xi32>, vector<16xi32>], vector<16xf32>,
      %broadcast_in_dim3A_133 = arith.constant 4 : i32
      %broadcast_in_dim3A_134 = vector.broadcast %broadcast_in_dim3A_133 : i32 to vector<16xi32>
      %gather3A_135 = tpu.vector_load_idx %arg5[%get3A_120, %broadcast_in_dim3A_134] : memref<2x64xf32, #tpu.memory_space<vmem>>[vector<16xi32>, vector<16xi32>], vector<16xf32>,
      tpu.vector_store_idx %arg7[%add3A_122, %broadcast_in_dim3A_134], %gather3A_135 : memref<512x64xf32, #tpu.memory_space<vmem>>[vector<16xi32>, vector<16xi32>], vector<16xf32>,
      %broadcast_in_dim3A_136 = arith.constant 5 : i32
      %broadcast_in_dim3A_137 = vector.broadcast %broadcast_in_dim3A_136 : i32 to vector<16xi32>
      %gather3A_138 = tpu.vector_load_idx %arg5[%get3A_120, %broadcast_in_dim3A_137] : memref<2x64xf32, #tpu.memory_space<vmem>>[vector<16xi32>, vector<16xi32>], vector<16xf32>,
      tpu.vector_store_idx %arg7[%add3A_122, %broadcast_in_dim3A_137], %gather3A_138 : memref<512x64xf32, #tpu.memory_space<vmem>>[vector<16xi32>, vector<16xi32>], vector<16xf32>,
      %broadcast_in_dim3A_139 = arith.constant 6 : i32
      %broadcast_in_dim3A_140 = vector.broadcast %broadcast_in_dim3A_139 : i32 to vector<16xi32>
      %gather3A_141 = tpu.vector_load_idx %arg5[%get3A_120, %broadcast_in_dim3A_140] : memref<2x64xf32, #tpu.memory_space<vmem>>[vector<16xi32>, vector<16xi32>], vector<16xf32>,
      tpu.vector_store_idx %arg7[%add3A_122, %broadcast_in_dim3A_140], %gather3A_141 : memref<512x64xf32, #tpu.memory_space<vmem>>[vector<16xi32>, vector<16xi32>], vector<16xf32>,
      %broadcast_in_dim3A_142 = arith.constant 7 : i32
      %broadcast_in_dim3A_143 = vector.broadcast %broadcast_in_dim3A_142 : i32 to vector<16xi32>
      %gather3A_144 = tpu.vector_load_idx %arg5[%get3A_120, %broadcast_in_dim3A_143] : memref<2x64xf32, #tpu.memory_space<vmem>>[vector<16xi32>, vector<16xi32>], vector<16xf32>,
      tpu.vector_store_idx %arg7[%add3A_122, %broadcast_in_dim3A_143], %gather3A_144 : memref<512x64xf32, #tpu.memory_space<vmem>>[vector<16xi32>, vector<16xi32>], vector<16xf32>,
      %broadcast_in_dim3A_145 = arith.constant 8 : i32
      %broadcast_in_dim3A_146 = vector.broadcast %broadcast_in_dim3A_145 : i32 to vector<16xi32>
      %gather3A_147 = tpu.vector_load_idx %arg5[%get3A_120, %broadcast_in_dim3A_146] : memref<2x64xf32, #tpu.memory_space<vmem>>[vector<16xi32>, vector<16xi32>], vector<16xf32>,
      tpu.vector_store_idx %arg7[%add3A_122, %broadcast_in_dim3A_146], %gather3A_147 : memref<512x64xf32, #tpu.memory_space<vmem>>[vector<16xi32>, vector<16xi32>], vector<16xf32>,
      %broadcast_in_dim3A_148 = arith.constant 9 : i32
      %broadcast_in_dim3A_149 = vector.broadcast %broadcast_in_dim3A_148 : i32 to vector<16xi32>
      %gather3A_150 = tpu.vector_load_idx %arg5[%get3A_120, %broadcast_in_dim3A_149] : memref<2x64xf32, #tpu.memory_space<vmem>>[vector<16xi32>, vector<16xi32>], vector<16xf32>,
      tpu.vector_store_idx %arg7[%add3A_122, %broadcast_in_dim3A_149], %gather3A_150 : memref<512x64xf32, #tpu.memory_space<vmem>>[vector<16xi32>, vector<16xi32>], vector<16xf32>,
      %broadcast_in_dim3A_151 = arith.constant 10 : i32
      %broadcast_in_dim3A_152 = vector.broadcast %broadcast_in_dim3A_151 : i32 to vector<16xi32>
      %gather3A_153 = tpu.vector_load_idx %arg5[%get3A_120, %broadcast_in_dim3A_152] : memref<2x64xf32, #tpu.memory_space<vmem>>[vector<16xi32>, vector<16xi32>], vector<16xf32>,
      tpu.vector_store_idx %arg7[%add3A_122, %broadcast_in_dim3A_152], %gather3A_153 : memref<512x64xf32, #tpu.memory_space<vmem>>[vector<16xi32>, vector<16xi32>], vector<16xf32>,
      %broadcast_in_dim3A_154 = arith.constant 11 : i32
      %broadcast_in_dim3A_155 = vector.broadcast %broadcast_in_dim3A_154 : i32 to vector<16xi32>
      %gather3A_156 = tpu.vector_load_idx %arg5[%get3A_120, %broadcast_in_dim3A_155] : memref<2x64xf32, #tpu.memory_space<vmem>>[vector<16xi32>, vector<16xi32>], vector<16xf32>,
      tpu.vector_store_idx %arg7[%add3A_122, %broadcast_in_dim3A_155], %gather3A_156 : memref<512x64xf32, #tpu.memory_space<vmem>>[vector<16xi32>, vector<16xi32>], vector<16xf32>,
      %broadcast_in_dim3A_157 = arith.constant 12 : i32
      %broadcast_in_dim3A_158 = vector.broadcast %broadcast_in_dim3A_157 : i32 to vector<16xi32>
      %gather3A_159 = tpu.vector_load_idx %arg5[%get3A_120, %broadcast_in_dim3A_158] : memref<2x64xf32, #tpu.memory_space<vmem>>[vector<16xi32>, vector<16xi32>], vector<16xf32>,
      tpu.vector_store_idx %arg7[%add3A_122, %broadcast_in_dim3A_158], %gather3A_159 : memref<512x64xf32, #tpu.memory_space<vmem>>[vector<16xi32>, vector<16xi32>], vector<16xf32>,
      %broadcast_in_dim3A_160 = arith.constant 13 : i32
      %broadcast_in_dim3A_161 = vector.broadcast %broadcast_in_dim3A_160 : i32 to vector<16xi32>
      %gather3A_162 = tpu.vector_load_idx %arg5[%get3A_120, %broadcast_in_dim3A_161] : memref<2x64xf32, #tpu.memory_space<vmem>>[vector<16xi32>, vector<16xi32>], vector<16xf32>,
      tpu.vector_store_idx %arg7[%add3A_122, %broadcast_in_dim3A_161], %gather3A_162 : memref<512x64xf32, #tpu.memory_space<vmem>>[vector<16xi32>, vector<16xi32>], vector<16xf32>,
      %broadcast_in_dim3A_163 = arith.constant 14 : i32
      %broadcast_in_dim3A_164 = vector.broadcast %broadcast_in_dim3A_163 : i32 to vector<16xi32>
      %gather3A_165 = tpu.vector_load_idx %arg5[%get3A_120, %broadcast_in_dim3A_164] : memref<2x64xf32, #tpu.memory_space<vmem>>[vector<16xi32>, vector<16xi32>], vector<16xf32>,
      tpu.vector_store_idx %arg7[%add3A_122, %broadcast_in_dim3A_164], %gather3A_165 : memref<512x64xf32, #tpu.memory_space<vmem>>[vector<16xi32>, vector<16xi32>], vector<16xf32>,
      %broadcast_in_dim3A_166 = arith.constant 15 : i32
      %broadcast_in_dim3A_167 = vector.broadcast %broadcast_in_dim3A_166 : i32 to vector<16xi32>
      %gather3A_168 = tpu.vector_load_idx %arg5[%get3A_120, %broadcast_in_dim3A_167] : memref<2x64xf32, #tpu.memory_space<vmem>>[vector<16xi32>, vector<16xi32>], vector<16xf32>,
      tpu.vector_store_idx %arg7[%add3A_122, %broadcast_in_dim3A_167], %gather3A_168 : memref<512x64xf32, #tpu.memory_space<vmem>>[vector<16xi32>, vector<16xi32>], vector<16xf32>,
      %broadcast_in_dim3A_169 = arith.constant 16 : i32
      %broadcast_in_dim3A_170 = vector.broadcast %broadcast_in_dim3A_169 : i32 to vector<16xi32>
      %gather3A_171 = tpu.vector_load_idx %arg5[%get3A_120, %broadcast_in_dim3A_170] : memref<2x64xf32, #tpu.memory_space<vmem>>[vector<16xi32>, vector<16xi32>], vector<16xf32>,
      tpu.vector_store_idx %arg7[%add3A_122, %broadcast_in_dim3A_170], %gather3A_171 : memref<512x64xf32, #tpu.memory_space<vmem>>[vector<16xi32>, vector<16xi32>], vector<16xf32>,
      %broadcast_in_dim3A_172 = arith.constant 17 : i32
      %broadcast_in_dim3A_173 = vector.broadcast %broadcast_in_dim3A_172 : i32 to vector<16xi32>
      %gather3A_174 = tpu.vector_load_idx %arg5[%get3A_120, %broadcast_in_dim3A_173] : memref<2x64xf32, #tpu.memory_space<vmem>>[vector<16xi32>, vector<16xi32>], vector<16xf32>,
      tpu.vector_store_idx %arg7[%add3A_122, %broadcast_in_dim3A_173], %gather3A_174 : memref<512x64xf32, #tpu.memory_space<vmem>>[vector<16xi32>, vector<16xi32>], vector<16xf32>,
      %broadcast_in_dim3A_175 = arith.constant 18 : i32
      %broadcast_in_dim3A_176 = vector.broadcast %broadcast_in_dim3A_175 : i32 to vector<16xi32>
      %gather3A_177 = tpu.vector_load_idx %arg5[%get3A_120, %broadcast_in_dim3A_176] : memref<2x64xf32, #tpu.memory_space<vmem>>[vector<16xi32>, vector<16xi32>], vector<16xf32>,
      tpu.vector_store_idx %arg7[%add3A_122, %broadcast_in_dim3A_176], %gather3A_177 : memref<512x64xf32, #tpu.memory_space<vmem>>[vector<16xi32>, vector<16xi32>], vector<16xf32>,
      %broadcast_in_dim3A_178 = arith.constant 19 : i32
      %broadcast_in_dim3A_179 = vector.broadcast %broadcast_in_dim3A_178 : i32 to vector<16xi32>
      %gather3A_180 = tpu.vector_load_idx %arg5[%get3A_120, %broadcast_in_dim3A_179] : memref<2x64xf32, #tpu.memory_space<vmem>>[vector<16xi32>, vector<16xi32>], vector<16xf32>,
      tpu.vector_store_idx %arg7[%add3A_122, %broadcast_in_dim3A_179], %gather3A_180 : memref<512x64xf32, #tpu.memory_space<vmem>>[vector<16xi32>, vector<16xi32>], vector<16xf32>,
      %broadcast_in_dim3A_181 = arith.constant 20 : i32
      %broadcast_in_dim3A_182 = vector.broadcast %broadcast_in_dim3A_181 : i32 to vector<16xi32>
      %gather3A_183 = tpu.vector_load_idx %arg5[%get3A_120, %broadcast_in_dim3A_182] : memref<2x64xf32, #tpu.memory_space<vmem>>[vector<16xi32>, vector<16xi32>], vector<16xf32>,
      tpu.vector_store_idx %arg7[%add3A_122, %broadcast_in_dim3A_182], %gather3A_183 : memref<512x64xf32, #tpu.memory_space<vmem>>[vector<16xi32>, vector<16xi32>], vector<16xf32>,
      %broadcast_in_dim3A_184 = arith.constant 21 : i32
      %broadcast_in_dim3A_185 = vector.broadcast %broadcast_in_dim3A_184 : i32 to vector<16xi32>
      %gather3A_186 = tpu.vector_load_idx %arg5[%get3A_120, %broadcast_in_dim3A_185] : memref<2x64xf32, #tpu.memory_space<vmem>>[vector<16xi32>, vector<16xi32>], vector<16xf32>,
      tpu.vector_store_idx %arg7[%add3A_122, %broadcast_in_dim3A_185], %gather3A_186 : memref<512x64xf32, #tpu.memory_space<vmem>>[vector<16xi32>, vector<16xi32>], vector<16xf32>,
      %broadcast_in_dim3A_187 = arith.constant 22 : i32
      %broadcast_in_dim3A_188 = vector.broadcast %broadcast_in_dim3A_187 : i32 to vector<16xi32>
      %gather3A_189 = tpu.vector_load_idx %arg5[%get3A_120, %broadcast_in_dim3A_188] : memref<2x64xf32, #tpu.memory_space<vmem>>[vector<16xi32>, vector<16xi32>], vector<16xf32>,
      tpu.vector_store_idx %arg7[%add3A_122, %broadcast_in_dim3A_188], %gather3A_189 : memref<512x64xf32, #tpu.memory_space<vmem>>[vector<16xi32>, vector<16xi32>], vector<16xf32>,
      %broadcast_in_dim3A_190 = arith.constant 23 : i32
      %broadcast_in_dim3A_191 = vector.broadcast %broadcast_in_dim3A_190 : i32 to vector<16xi32>
      %gather3A_192 = tpu.vector_load_idx %arg5[%get3A_120, %broadcast_in_dim3A_191] : memref<2x64xf32, #tpu.memory_space<vmem>>[vector<16xi32>, vector<16xi32>], vector<16xf32>,
      tpu.vector_store_idx %arg7[%add3A_122, %broadcast_in_dim3A_191], %gather3A_192 : memref<512x64xf32, #tpu.memory_space<vmem>>[vector<16xi32>, vector<16xi32>], vector<16xf32>,
      %broadcast_in_dim3A_193 = arith.constant 24 : i32
      %broadcast_in_dim3A_194 = vector.broadcast %broadcast_in_dim3A_193 : i32 to vector<16xi32>
      %gather3A_195 = tpu.vector_load_idx %arg5[%get3A_120, %broadcast_in_dim3A_194] : memref<2x64xf32, #tpu.memory_space<vmem>>[vector<16xi32>, vector<16xi32>], vector<16xf32>,
      tpu.vector_store_idx %arg7[%add3A_122, %broadcast_in_dim3A_194], %gather3A_195 : memref<512x64xf32, #tpu.memory_space<vmem>>[vector<16xi32>, vector<16xi32>], vector<16xf32>,
      %broadcast_in_dim3A_196 = arith.constant 25 : i32
      %broadcast_in_dim3A_197 = vector.broadcast %broadcast_in_dim3A_196 : i32 to vector<16xi32>
      %gather3A_198 = tpu.vector_load_idx %arg5[%get3A_120, %broadcast_in_dim3A_197] : memref<2x64xf32, #tpu.memory_space<vmem>>[vector<16xi32>, vector<16xi32>], vector<16xf32>,
      tpu.vector_store_idx %arg7[%add3A_122, %broadcast_in_dim3A_197], %gather3A_198 : memref<512x64xf32, #tpu.memory_space<vmem>>[vector<16xi32>, vector<16xi32>], vector<16xf32>,
      %broadcast_in_dim3A_199 = arith.constant 26 : i32
      %broadcast_in_dim3A_200 = vector.broadcast %broadcast_in_dim3A_199 : i32 to vector<16xi32>
      %gather3A_201 = tpu.vector_load_idx %arg5[%get3A_120, %broadcast_in_dim3A_200] : memref<2x64xf32, #tpu.memory_space<vmem>>[vector<16xi32>, vector<16xi32>], vector<16xf32>,
      tpu.vector_store_idx %arg7[%add3A_122, %broadcast_in_dim3A_200], %gather3A_201 : memref<512x64xf32, #tpu.memory_space<vmem>>[vector<16xi32>, vector<16xi32>], vector<16xf32>,
      %broadcast_in_dim3A_202 = arith.constant 27 : i32
      %broadcast_in_dim3A_203 = vector.broadcast %broadcast_in_dim3A_202 : i32 to vector<16xi32>
      %gather3A_204 = tpu.vector_load_idx %arg5[%get3A_120, %broadcast_in_dim3A_203] : memref<2x64xf32, #tpu.memory_space<vmem>>[vector<16xi32>, vector<16xi32>], vector<16xf32>,
      tpu.vector_store_idx %arg7[%add3A_122, %broadcast_in_dim3A_203], %gather3A_204 : memref<512x64xf32, #tpu.memory_space<vmem>>[vector<16xi32>, vector<16xi32>], vector<16xf32>,
      %broadcast_in_dim3A_205 = arith.constant 28 : i32
      %broadcast_in_dim3A_206 = vector.broadcast %broadcast_in_dim3A_205 : i32 to vector<16xi32>
      %gather3A_207 = tpu.vector_load_idx %arg5[%get3A_120, %broadcast_in_dim3A_206] : memref<2x64xf32, #tpu.memory_space<vmem>>[vector<16xi32>, vector<16xi32>], vector<16xf32>,
      tpu.vector_store_idx %arg7[%add3A_122, %broadcast_in_dim3A_206], %gather3A_207 : memref<512x64xf32, #tpu.memory_space<vmem>>[vector<16xi32>, vector<16xi32>], vector<16xf32>,
      %broadcast_in_dim3A_208 = arith.constant 29 : i32
      %broadcast_in_dim3A_209 = vector.broadcast %broadcast_in_dim3A_208 : i32 to vector<16xi32>
      %gather3A_210 = tpu.vector_load_idx %arg5[%get3A_120, %broadcast_in_dim3A_209] : memref<2x64xf32, #tpu.memory_space<vmem>>[vector<16xi32>, vector<16xi32>], vector<16xf32>,
      tpu.vector_store_idx %arg7[%add3A_122, %broadcast_in_dim3A_209], %gather3A_210 : memref<512x64xf32, #tpu.memory_space<vmem>>[vector<16xi32>, vector<16xi32>], vector<16xf32>,
      %broadcast_in_dim3A_211 = arith.constant 30 : i32
      %broadcast_in_dim3A_212 = vector.broadcast %broadcast_in_dim3A_211 : i32 to vector<16xi32>
      %gather3A_213 = tpu.vector_load_idx %arg5[%get3A_120, %broadcast_in_dim3A_212] : memref<2x64xf32, #tpu.memory_space<vmem>>[vector<16xi32>, vector<16xi32>], vector<16xf32>,
      tpu.vector_store_idx %arg7[%add3A_122, %broadcast_in_dim3A_212], %gather3A_213 : memref<512x64xf32, #tpu.memory_space<vmem>>[vector<16xi32>, vector<16xi32>], vector<16xf32>,
      %broadcast_in_dim3A_214 = arith.constant 31 : i32
      %broadcast_in_dim3A_215 = vector.broadcast %broadcast_in_dim3A_214 : i32 to vector<16xi32>
      %gather3A_216 = tpu.vector_load_idx %arg5[%get3A_120, %broadcast_in_dim3A_215] : memref<2x64xf32, #tpu.memory_space<vmem>>[vector<16xi32>, vector<16xi32>], vector<16xf32>,
      tpu.vector_store_idx %arg7[%add3A_122, %broadcast_in_dim3A_215], %gather3A_216 : memref<512x64xf32, #tpu.memory_space<vmem>>[vector<16xi32>, vector<16xi32>], vector<16xf32>,
      %broadcast_in_dim3A_217 = arith.constant 32 : i32
      %broadcast_in_dim3A_218 = vector.broadcast %broadcast_in_dim3A_217 : i32 to vector<16xi32>
      %gather3A_219 = tpu.vector_load_idx %arg5[%get3A_120, %broadcast_in_dim3A_218] : memref<2x64xf32, #tpu.memory_space<vmem>>[vector<16xi32>, vector<16xi32>], vector<16xf32>,
      tpu.vector_store_idx %arg7[%add3A_122, %broadcast_in_dim3A_218], %gather3A_219 : memref<512x64xf32, #tpu.memory_space<vmem>>[vector<16xi32>, vector<16xi32>], vector<16xf32>,
      %broadcast_in_dim3A_220 = arith.constant 33 : i32
      %broadcast_in_dim3A_221 = vector.broadcast %broadcast_in_dim3A_220 : i32 to vector<16xi32>
      %gather3A_222 = tpu.vector_load_idx %arg5[%get3A_120, %broadcast_in_dim3A_221] : memref<2x64xf32, #tpu.memory_space<vmem>>[vector<16xi32>, vector<16xi32>], vector<16xf32>,
      tpu.vector_store_idx %arg7[%add3A_122, %broadcast_in_dim3A_221], %gather3A_222 : memref<512x64xf32, #tpu.memory_space<vmem>>[vector<16xi32>, vector<16xi32>], vector<16xf32>,
      %broadcast_in_dim3A_223 = arith.constant 34 : i32
      %broadcast_in_dim3A_224 = vector.broadcast %broadcast_in_dim3A_223 : i32 to vector<16xi32>
      %gather3A_225 = tpu.vector_load_idx %arg5[%get3A_120, %broadcast_in_dim3A_224] : memref<2x64xf32, #tpu.memory_space<vmem>>[vector<16xi32>, vector<16xi32>], vector<16xf32>,
      tpu.vector_store_idx %arg7[%add3A_122, %broadcast_in_dim3A_224], %gather3A_225 : memref<512x64xf32, #tpu.memory_space<vmem>>[vector<16xi32>, vector<16xi32>], vector<16xf32>,
      %broadcast_in_dim3A_226 = arith.constant 35 : i32
      %broadcast_in_dim3A_227 = vector.broadcast %broadcast_in_dim3A_226 : i32 to vector<16xi32>
      %gather3A_228 = tpu.vector_load_idx %arg5[%get3A_120, %broadcast_in_dim3A_227] : memref<2x64xf32, #tpu.memory_space<vmem>>[vector<16xi32>, vector<16xi32>], vector<16xf32>,
      tpu.vector_store_idx %arg7[%add3A_122, %broadcast_in_dim3A_227], %gather3A_228 : memref<512x64xf32, #tpu.memory_space<vmem>>[vector<16xi32>, vector<16xi32>], vector<16xf32>,
      %broadcast_in_dim3A_229 = arith.constant 36 : i32
      %broadcast_in_dim3A_230 = vector.broadcast %broadcast_in_dim3A_229 : i32 to vector<16xi32>
      %gather3A_231 = tpu.vector_load_idx %arg5[%get3A_120, %broadcast_in_dim3A_230] : memref<2x64xf32, #tpu.memory_space<vmem>>[vector<16xi32>, vector<16xi32>], vector<16xf32>,
      tpu.vector_store_idx %arg7[%add3A_122, %broadcast_in_dim3A_230], %gather3A_231 : memref<512x64xf32, #tpu.memory_space<vmem>>[vector<16xi32>, vector<16xi32>], vector<16xf32>,
      %broadcast_in_dim3A_232 = arith.constant 37 : i32
      %broadcast_in_dim3A_233 = vector.broadcast %broadcast_in_dim3A_232 : i32 to vector<16xi32>
      %gather3A_234 = tpu.vector_load_idx %arg5[%get3A_120, %broadcast_in_dim3A_233] : memref<2x64xf32, #tpu.memory_space<vmem>>[vector<16xi32>, vector<16xi32>], vector<16xf32>,
      tpu.vector_store_idx %arg7[%add3A_122, %broadcast_in_dim3A_233], %gather3A_234 : memref<512x64xf32, #tpu.memory_space<vmem>>[vector<16xi32>, vector<16xi32>], vector<16xf32>,
      %broadcast_in_dim3A_235 = arith.constant 38 : i32
      %broadcast_in_dim3A_236 = vector.broadcast %broadcast_in_dim3A_235 : i32 to vector<16xi32>
      %gather3A_237 = tpu.vector_load_idx %arg5[%get3A_120, %broadcast_in_dim3A_236] : memref<2x64xf32, #tpu.memory_space<vmem>>[vector<16xi32>, vector<16xi32>], vector<16xf32>,
      tpu.vector_store_idx %arg7[%add3A_122, %broadcast_in_dim3A_236], %gather3A_237 : memref<512x64xf32, #tpu.memory_space<vmem>>[vector<16xi32>, vector<16xi32>], vector<16xf32>,
      %broadcast_in_dim3A_238 = arith.constant 39 : i32
      %broadcast_in_dim3A_239 = vector.broadcast %broadcast_in_dim3A_238 : i32 to vector<16xi32>
      %gather3A_240 = tpu.vector_load_idx %arg5[%get3A_120, %broadcast_in_dim3A_239] : memref<2x64xf32, #tpu.memory_space<vmem>>[vector<16xi32>, vector<16xi32>], vector<16xf32>,
      tpu.vector_store_idx %arg7[%add3A_122, %broadcast_in_dim3A_239], %gather3A_240 : memref<512x64xf32, #tpu.memory_space<vmem>>[vector<16xi32>, vector<16xi32>], vector<16xf32>,
      %broadcast_in_dim3A_241 = arith.constant 40 : i32
      %broadcast_in_dim3A_242 = vector.broadcast %broadcast_in_dim3A_241 : i32 to vector<16xi32>
      %gather3A_243 = tpu.vector_load_idx %arg5[%get3A_120, %broadcast_in_dim3A_242] : memref<2x64xf32, #tpu.memory_space<vmem>>[vector<16xi32>, vector<16xi32>], vector<16xf32>,
      tpu.vector_store_idx %arg7[%add3A_122, %broadcast_in_dim3A_242], %gather3A_243 : memref<512x64xf32, #tpu.memory_space<vmem>>[vector<16xi32>, vector<16xi32>], vector<16xf32>,
      %broadcast_in_dim3A_244 = arith.constant 41 : i32
      %broadcast_in_dim3A_245 = vector.broadcast %broadcast_in_dim3A_244 : i32 to vector<16xi32>
      %gather3A_246 = tpu.vector_load_idx %arg5[%get3A_120, %broadcast_in_dim3A_245] : memref<2x64xf32, #tpu.memory_space<vmem>>[vector<16xi32>, vector<16xi32>], vector<16xf32>,
      tpu.vector_store_idx %arg7[%add3A_122, %broadcast_in_dim3A_245], %gather3A_246 : memref<512x64xf32, #tpu.memory_space<vmem>>[vector<16xi32>, vector<16xi32>], vector<16xf32>,
      %broadcast_in_dim3A_247 = arith.constant 42 : i32
      %broadcast_in_dim3A_248 = vector.broadcast %broadcast_in_dim3A_247 : i32 to vector<16xi32>
      %gather3A_249 = tpu.vector_load_idx %arg5[%get3A_120, %broadcast_in_dim3A_248] : memref<2x64xf32, #tpu.memory_space<vmem>>[vector<16xi32>, vector<16xi32>], vector<16xf32>,
      tpu.vector_store_idx %arg7[%add3A_122, %broadcast_in_dim3A_248], %gather3A_249 : memref<512x64xf32, #tpu.memory_space<vmem>>[vector<16xi32>, vector<16xi32>], vector<16xf32>,
      %broadcast_in_dim3A_250 = arith.constant 43 : i32
      %broadcast_in_dim3A_251 = vector.broadcast %broadcast_in_dim3A_250 : i32 to vector<16xi32>
      %gather3A_252 = tpu.vector_load_idx %arg5[%get3A_120, %broadcast_in_dim3A_251] : memref<2x64xf32, #tpu.memory_space<vmem>>[vector<16xi32>, vector<16xi32>], vector<16xf32>,
      tpu.vector_store_idx %arg7[%add3A_122, %broadcast_in_dim3A_251], %gather3A_252 : memref<512x64xf32, #tpu.memory_space<vmem>>[vector<16xi32>, vector<16xi32>], vector<16xf32>,
      %broadcast_in_dim3A_253 = arith.constant 44 : i32
      %broadcast_in_dim3A_254 = vector.broadcast %broadcast_in_dim3A_253 : i32 to vector<16xi32>
      %gather3A_255 = tpu.vector_load_idx %arg5[%get3A_120, %broadcast_in_dim3A_254] : memref<2x64xf32, #tpu.memory_space<vmem>>[vector<16xi32>, vector<16xi32>], vector<16xf32>,
      tpu.vector_store_idx %arg7[%add3A_122, %broadcast_in_dim3A_254], %gather3A_255 : memref<512x64xf32, #tpu.memory_space<vmem>>[vector<16xi32>, vector<16xi32>], vector<16xf32>,
      %broadcast_in_dim3A_256 = arith.constant 45 : i32
      %broadcast_in_dim3A_257 = vector.broadcast %broadcast_in_dim3A_256 : i32 to vector<16xi32>
      %gather3A_258 = tpu.vector_load_idx %arg5[%get3A_120, %broadcast_in_dim3A_257] : memref<2x64xf32, #tpu.memory_space<vmem>>[vector<16xi32>, vector<16xi32>], vector<16xf32>,
      tpu.vector_store_idx %arg7[%add3A_122, %broadcast_in_dim3A_257], %gather3A_258 : memref<512x64xf32, #tpu.memory_space<vmem>>[vector<16xi32>, vector<16xi32>], vector<16xf32>,
      %broadcast_in_dim3A_259 = arith.constant 46 : i32
      %broadcast_in_dim3A_260 = vector.broadcast %broadcast_in_dim3A_259 : i32 to vector<16xi32>
      %gather3A_261 = tpu.vector_load_idx %arg5[%get3A_120, %broadcast_in_dim3A_260] : memref<2x64xf32, #tpu.memory_space<vmem>>[vector<16xi32>, vector<16xi32>], vector<16xf32>,
      tpu.vector_store_idx %arg7[%add3A_122, %broadcast_in_dim3A_260], %gather3A_261 : memref<512x64xf32, #tpu.memory_space<vmem>>[vector<16xi32>, vector<16xi32>], vector<16xf32>,
      %broadcast_in_dim3A_262 = arith.constant 47 : i32
      %broadcast_in_dim3A_263 = vector.broadcast %broadcast_in_dim3A_262 : i32 to vector<16xi32>
      %gather3A_264 = tpu.vector_load_idx %arg5[%get3A_120, %broadcast_in_dim3A_263] : memref<2x64xf32, #tpu.memory_space<vmem>>[vector<16xi32>, vector<16xi32>], vector<16xf32>,
      tpu.vector_store_idx %arg7[%add3A_122, %broadcast_in_dim3A_263], %gather3A_264 : memref<512x64xf32, #tpu.memory_space<vmem>>[vector<16xi32>, vector<16xi32>], vector<16xf32>,
      %broadcast_in_dim3A_265 = arith.constant 48 : i32
      %broadcast_in_dim3A_266 = vector.broadcast %broadcast_in_dim3A_265 : i32 to vector<16xi32>
      %gather3A_267 = tpu.vector_load_idx %arg5[%get3A_120, %broadcast_in_dim3A_266] : memref<2x64xf32, #tpu.memory_space<vmem>>[vector<16xi32>, vector<16xi32>], vector<16xf32>,
      tpu.vector_store_idx %arg7[%add3A_122, %broadcast_in_dim3A_266], %gather3A_267 : memref<512x64xf32, #tpu.memory_space<vmem>>[vector<16xi32>, vector<16xi32>], vector<16xf32>,
      %broadcast_in_dim3A_268 = arith.constant 49 : i32
      %broadcast_in_dim3A_269 = vector.broadcast %broadcast_in_dim3A_268 : i32 to vector<16xi32>
      %gather3A_270 = tpu.vector_load_idx %arg5[%get3A_120, %broadcast_in_dim3A_269] : memref<2x64xf32, #tpu.memory_space<vmem>>[vector<16xi32>, vector<16xi32>], vector<16xf32>,
      tpu.vector_store_idx %arg7[%add3A_122, %broadcast_in_dim3A_269], %gather3A_270 : memref<512x64xf32, #tpu.memory_space<vmem>>[vector<16xi32>, vector<16xi32>], vector<16xf32>,
      %broadcast_in_dim3A_271 = arith.constant 50 : i32
      %broadcast_in_dim3A_272 = vector.broadcast %broadcast_in_dim3A_271 : i32 to vector<16xi32>
      %gather3A_273 = tpu.vector_load_idx %arg5[%get3A_120, %broadcast_in_dim3A_272] : memref<2x64xf32, #tpu.memory_space<vmem>>[vector<16xi32>, vector<16xi32>], vector<16xf32>,
      tpu.vector_store_idx %arg7[%add3A_122, %broadcast_in_dim3A_272], %gather3A_273 : memref<512x64xf32, #tpu.memory_space<vmem>>[vector<16xi32>, vector<16xi32>], vector<16xf32>,
      %broadcast_in_dim3A_274 = arith.constant 51 : i32
      %broadcast_in_dim3A_275 = vector.broadcast %broadcast_in_dim3A_274 : i32 to vector<16xi32>
      %gather3A_276 = tpu.vector_load_idx %arg5[%get3A_120, %broadcast_in_dim3A_275] : memref<2x64xf32, #tpu.memory_space<vmem>>[vector<16xi32>, vector<16xi32>], vector<16xf32>,
      tpu.vector_store_idx %arg7[%add3A_122, %broadcast_in_dim3A_275], %gather3A_276 : memref<512x64xf32, #tpu.memory_space<vmem>>[vector<16xi32>, vector<16xi32>], vector<16xf32>,
      %broadcast_in_dim3A_277 = arith.constant 52 : i32
      %broadcast_in_dim3A_278 = vector.broadcast %broadcast_in_dim3A_277 : i32 to vector<16xi32>
      %gather3A_279 = tpu.vector_load_idx %arg5[%get3A_120, %broadcast_in_dim3A_278] : memref<2x64xf32, #tpu.memory_space<vmem>>[vector<16xi32>, vector<16xi32>], vector<16xf32>,
      tpu.vector_store_idx %arg7[%add3A_122, %broadcast_in_dim3A_278], %gather3A_279 : memref<512x64xf32, #tpu.memory_space<vmem>>[vector<16xi32>, vector<16xi32>], vector<16xf32>,
      %broadcast_in_dim3A_280 = arith.constant 53 : i32
      %broadcast_in_dim3A_281 = vector.broadcast %broadcast_in_dim3A_280 : i32 to vector<16xi32>
      %gather3A_282 = tpu.vector_load_idx %arg5[%get3A_120, %broadcast_in_dim3A_281] : memref<2x64xf32, #tpu.memory_space<vmem>>[vector<16xi32>, vector<16xi32>], vector<16xf32>,
      tpu.vector_store_idx %arg7[%add3A_122, %broadcast_in_dim3A_281], %gather3A_282 : memref<512x64xf32, #tpu.memory_space<vmem>>[vector<16xi32>, vector<16xi32>], vector<16xf32>,
      %broadcast_in_dim3A_283 = arith.constant 54 : i32
      %broadcast_in_dim3A_284 = vector.broadcast %broadcast_in_dim3A_283 : i32 to vector<16xi32>
      %gather3A_285 = tpu.vector_load_idx %arg5[%get3A_120, %broadcast_in_dim3A_284] : memref<2x64xf32, #tpu.memory_space<vmem>>[vector<16xi32>, vector<16xi32>], vector<16xf32>,
      tpu.vector_store_idx %arg7[%add3A_122, %broadcast_in_dim3A_284], %gather3A_285 : memref<512x64xf32, #tpu.memory_space<vmem>>[vector<16xi32>, vector<16xi32>], vector<16xf32>,
      %broadcast_in_dim3A_286 = arith.constant 55 : i32
      %broadcast_in_dim3A_287 = vector.broadcast %broadcast_in_dim3A_286 : i32 to vector<16xi32>
      %gather3A_288 = tpu.vector_load_idx %arg5[%get3A_120, %broadcast_in_dim3A_287] : memref<2x64xf32, #tpu.memory_space<vmem>>[vector<16xi32>, vector<16xi32>], vector<16xf32>,
      tpu.vector_store_idx %arg7[%add3A_122, %broadcast_in_dim3A_287], %gather3A_288 : memref<512x64xf32, #tpu.memory_space<vmem>>[vector<16xi32>, vector<16xi32>], vector<16xf32>,
      %broadcast_in_dim3A_289 = arith.constant 56 : i32
      %broadcast_in_dim3A_290 = vector.broadcast %broadcast_in_dim3A_289 : i32 to vector<16xi32>
      %gather3A_291 = tpu.vector_load_idx %arg5[%get3A_120, %broadcast_in_dim3A_290] : memref<2x64xf32, #tpu.memory_space<vmem>>[vector<16xi32>, vector<16xi32>], vector<16xf32>,
      tpu.vector_store_idx %arg7[%add3A_122, %broadcast_in_dim3A_290], %gather3A_291 : memref<512x64xf32, #tpu.memory_space<vmem>>[vector<16xi32>, vector<16xi32>], vector<16xf32>,
      %broadcast_in_dim3A_292 = arith.constant 57 : i32
      %broadcast_in_dim3A_293 = vector.broadcast %broadcast_in_dim3A_292 : i32 to vector<16xi32>
      %gather3A_294 = tpu.vector_load_idx %arg5[%get3A_120, %broadcast_in_dim3A_293] : memref<2x64xf32, #tpu.memory_space<vmem>>[vector<16xi32>, vector<16xi32>], vector<16xf32>,
      tpu.vector_store_idx %arg7[%add3A_122, %broadcast_in_dim3A_293], %gather3A_294 : memref<512x64xf32, #tpu.memory_space<vmem>>[vector<16xi32>, vector<16xi32>], vector<16xf32>,
      %broadcast_in_dim3A_295 = arith.constant 58 : i32
      %broadcast_in_dim3A_296 = vector.broadcast %broadcast_in_dim3A_295 : i32 to vector<16xi32>
      %gather3A_297 = tpu.vector_load_idx %arg5[%get3A_120, %broadcast_in_dim3A_296] : memref<2x64xf32, #tpu.memory_space<vmem>>[vector<16xi32>, vector<16xi32>], vector<16xf32>,
      tpu.vector_store_idx %arg7[%add3A_122, %broadcast_in_dim3A_296], %gather3A_297 : memref<512x64xf32, #tpu.memory_space<vmem>>[vector<16xi32>, vector<16xi32>], vector<16xf32>,
      %broadcast_in_dim3A_298 = arith.constant 59 : i32
      %broadcast_in_dim3A_299 = vector.broadcast %broadcast_in_dim3A_298 : i32 to vector<16xi32>
      %gather3A_300 = tpu.vector_load_idx %arg5[%get3A_120, %broadcast_in_dim3A_299] : memref<2x64xf32, #tpu.memory_space<vmem>>[vector<16xi32>, vector<16xi32>], vector<16xf32>,
      tpu.vector_store_idx %arg7[%add3A_122, %broadcast_in_dim3A_299], %gather3A_300 : memref<512x64xf32, #tpu.memory_space<vmem>>[vector<16xi32>, vector<16xi32>], vector<16xf32>,
      %broadcast_in_dim3A_301 = arith.constant 60 : i32
      %broadcast_in_dim3A_302 = vector.broadcast %broadcast_in_dim3A_301 : i32 to vector<16xi32>
      %gather3A_303 = tpu.vector_load_idx %arg5[%get3A_120, %broadcast_in_dim3A_302] : memref<2x64xf32, #tpu.memory_space<vmem>>[vector<16xi32>, vector<16xi32>], vector<16xf32>,
      tpu.vector_store_idx %arg7[%add3A_122, %broadcast_in_dim3A_302], %gather3A_303 : memref<512x64xf32, #tpu.memory_space<vmem>>[vector<16xi32>, vector<16xi32>], vector<16xf32>,
      %broadcast_in_dim3A_304 = arith.constant 61 : i32
      %broadcast_in_dim3A_305 = vector.broadcast %broadcast_in_dim3A_304 : i32 to vector<16xi32>
      %gather3A_306 = tpu.vector_load_idx %arg5[%get3A_120, %broadcast_in_dim3A_305] : memref<2x64xf32, #tpu.memory_space<vmem>>[vector<16xi32>, vector<16xi32>], vector<16xf32>,
      tpu.vector_store_idx %arg7[%add3A_122, %broadcast_in_dim3A_305], %gather3A_306 : memref<512x64xf32, #tpu.memory_space<vmem>>[vector<16xi32>, vector<16xi32>], vector<16xf32>,
      %broadcast_in_dim3A_307 = arith.constant 62 : i32
      %broadcast_in_dim3A_308 = vector.broadcast %broadcast_in_dim3A_307 : i32 to vector<16xi32>
      %gather3A_309 = tpu.vector_load_idx %arg5[%get3A_120, %broadcast_in_dim3A_308] : memref<2x64xf32, #tpu.memory_space<vmem>>[vector<16xi32>, vector<16xi32>], vector<16xf32>,
      tpu.vector_store_idx %arg7[%add3A_122, %broadcast_in_dim3A_308], %gather3A_309 : memref<512x64xf32, #tpu.memory_space<vmem>>[vector<16xi32>, vector<16xi32>], vector<16xf32>,
      %broadcast_in_dim3A_310 = arith.constant 63 : i32
      %broadcast_in_dim3A_311 = vector.broadcast %broadcast_in_dim3A_310 : i32 to vector<16xi32>
      %gather3A_312 = tpu.vector_load_idx %arg5[%get3A_120, %broadcast_in_dim3A_311] : memref<2x64xf32, #tpu.memory_space<vmem>>[vector<16xi32>, vector<16xi32>], vector<16xf32>,
      tpu.vector_store_idx %arg7[%add3A_122, %broadcast_in_dim3A_311], %gather3A_312 : memref<512x64xf32, #tpu.memory_space<vmem>>[vector<16xi32>, vector<16xi32>], vector<16xf32>,
      %scan3A_313 = arith.constant 0 : i32
      scf.yield %scan3A_313 : i32
    }
    %scan3A_26 = arith.constant 8 : i32
    %add3A_27 = arith.constant 128 : i32
    %add3A_28 = arith.addi %mul3A_2, %add3A_27 : i32
    %dma_start3A_29 = arith.constant 128 : i32
    %dma_start3A_30 = arith.constant 0 : i32
    %dma_start3A_31 = tpu.memref_slice %arg7[%dma_start3A_29, %dma_start3A_30] : memref<512x64xf32, #tpu.memory_space<vmem>> -> memref<128x64xf32, #tpu.memory_space<vmem>>
    %dma_start3A_32 = arith.constant 0 : i32
    %dma_start3A_33 = tpu.memref_slice %arg4[%add3A_28, %dma_start3A_32] : memref<16384x64xf32, #tpu.memory_space<hbm>> -> memref<128x64xf32, #tpu.memory_space<hbm>>
    %dma_start3A_34 = arith.constant 0 : i32
    %dma_start3A_35 = tpu.memref_slice %arg4[%add3A_28, %dma_start3A_34] : memref<16384x64xf32, #tpu.memory_space<hbm>> -> memref<128x64xf32, #tpu.memory_space<hbm>>
    %dma_start3A_36 = arith.constant 128 : i32
    %dma_start3A_37 = arith.constant 0 : i32
    %dma_start3A_38 = tpu.memref_slice %arg7[%dma_start3A_36, %dma_start3A_37] : memref<512x64xf32, #tpu.memory_space<vmem>> -> memref<128x64xf32, #tpu.memory_space<vmem>>
    tpu.enqueue_dma source(%dma_start3A_38 : memref<128x64xf32, #tpu.memory_space<vmem>>) target(%dma_start3A_35 : memref<128x64xf32, #tpu.memory_space<hbm>>) target_semaphore(%arg8 : memref<!tpu.dma_semaphore, #tpu.memory_space<semaphore_mem>>)
    %scan3A_39 = arith.constant 0 : i32
    %scan3A_40 = arith.constant 16 : i32
    %scan3A_41 = arith.constant 8 : i32
    %scan3A_42 = arith.addi %scan3A_40, %scan3A_41 : i32
    %scan3A_43 = arith.constant 1 : i32
    %scan3A_44 = scf.for %scan3A_116 = %scan3A_40 to %scan3A_42 step %scan3A_43 iter_args(%scan3A_117 = %scan3A_39) -> (i32)  : i32 {
      %mul3A_118 = arith.constant 16 : i32
      %mul3A_119 = arith.muli %mul3A_118, %scan3A_116 : i32
      %get3A = arith.index_cast %mul3A_119 : i32 to index
      %get3A_120 = tpu.vector_load %arg6[%get3A] {strides = array<i32>} : memref<512xi32, #tpu.memory_space<vmem>>, vector<16xi32>,
      %add3A_121 = vector.broadcast %mul3A_119 : i32 to vector<16xi32>
      %add3A_122 = arith.addi %add3A_121, %iota3A : vector<16xi32>
      %broadcast_in_dim3A = arith.constant 0 : i32
      %broadcast_in_dim3A_123 = vector.broadcast %broadcast_in_dim3A : i32 to vector<16xi32>
      %gather3A = tpu.vector_load_idx %arg5[%get3A_120, %broadcast_in_dim3A_123] : memref<2x64xf32, #tpu.memory_space<vmem>>[vector<16xi32>, vector<16xi32>], vector<16xf32>,
      tpu.vector_store_idx %arg7[%add3A_122, %broadcast_in_dim3A_123], %gather3A : memref<512x64xf32, #tpu.memory_space<vmem>>[vector<16xi32>, vector<16xi32>], vector<16xf32>,
      %broadcast_in_dim3A_124 = arith.constant 1 : i32
      %broadcast_in_dim3A_125 = vector.broadcast %broadcast_in_dim3A_124 : i32 to vector<16xi32>
      %gather3A_126 = tpu.vector_load_idx %arg5[%get3A_120, %broadcast_in_dim3A_125] : memref<2x64xf32, #tpu.memory_space<vmem>>[vector<16xi32>, vector<16xi32>], vector<16xf32>,
      tpu.vector_store_idx %arg7[%add3A_122, %broadcast_in_dim3A_125], %gather3A_126 : memref<512x64xf32, #tpu.memory_space<vmem>>[vector<16xi32>, vector<16xi32>], vector<16xf32>,
      %broadcast_in_dim3A_127 = arith.constant 2 : i32
      %broadcast_in_dim3A_128 = vector.broadcast %broadcast_in_dim3A_127 : i32 to vector<16xi32>
      %gather3A_129 = tpu.vector_load_idx %arg5[%get3A_120, %broadcast_in_dim3A_128] : memref<2x64xf32, #tpu.memory_space<vmem>>[vector<16xi32>, vector<16xi32>], vector<16xf32>,
      tpu.vector_store_idx %arg7[%add3A_122, %broadcast_in_dim3A_128], %gather3A_129 : memref<512x64xf32, #tpu.memory_space<vmem>>[vector<16xi32>, vector<16xi32>], vector<16xf32>,
      %broadcast_in_dim3A_130 = arith.constant 3 : i32
      %broadcast_in_dim3A_131 = vector.broadcast %broadcast_in_dim3A_130 : i32 to vector<16xi32>
      %gather3A_132 = tpu.vector_load_idx %arg5[%get3A_120, %broadcast_in_dim3A_131] : memref<2x64xf32, #tpu.memory_space<vmem>>[vector<16xi32>, vector<16xi32>], vector<16xf32>,
      tpu.vector_store_idx %arg7[%add3A_122, %broadcast_in_dim3A_131], %gather3A_132 : memref<512x64xf32, #tpu.memory_space<vmem>>[vector<16xi32>, vector<16xi32>], vector<16xf32>,
      %broadcast_in_dim3A_133 = arith.constant 4 : i32
      %broadcast_in_dim3A_134 = vector.broadcast %broadcast_in_dim3A_133 : i32 to vector<16xi32>
      %gather3A_135 = tpu.vector_load_idx %arg5[%get3A_120, %broadcast_in_dim3A_134] : memref<2x64xf32, #tpu.memory_space<vmem>>[vector<16xi32>, vector<16xi32>], vector<16xf32>,
      tpu.vector_store_idx %arg7[%add3A_122, %broadcast_in_dim3A_134], %gather3A_135 : memref<512x64xf32, #tpu.memory_space<vmem>>[vector<16xi32>, vector<16xi32>], vector<16xf32>,
      %broadcast_in_dim3A_136 = arith.constant 5 : i32
      %broadcast_in_dim3A_137 = vector.broadcast %broadcast_in_dim3A_136 : i32 to vector<16xi32>
      %gather3A_138 = tpu.vector_load_idx %arg5[%get3A_120, %broadcast_in_dim3A_137] : memref<2x64xf32, #tpu.memory_space<vmem>>[vector<16xi32>, vector<16xi32>], vector<16xf32>,
      tpu.vector_store_idx %arg7[%add3A_122, %broadcast_in_dim3A_137], %gather3A_138 : memref<512x64xf32, #tpu.memory_space<vmem>>[vector<16xi32>, vector<16xi32>], vector<16xf32>,
      %broadcast_in_dim3A_139 = arith.constant 6 : i32
      %broadcast_in_dim3A_140 = vector.broadcast %broadcast_in_dim3A_139 : i32 to vector<16xi32>
      %gather3A_141 = tpu.vector_load_idx %arg5[%get3A_120, %broadcast_in_dim3A_140] : memref<2x64xf32, #tpu.memory_space<vmem>>[vector<16xi32>, vector<16xi32>], vector<16xf32>,
      tpu.vector_store_idx %arg7[%add3A_122, %broadcast_in_dim3A_140], %gather3A_141 : memref<512x64xf32, #tpu.memory_space<vmem>>[vector<16xi32>, vector<16xi32>], vector<16xf32>,
      %broadcast_in_dim3A_142 = arith.constant 7 : i32
      %broadcast_in_dim3A_143 = vector.broadcast %broadcast_in_dim3A_142 : i32 to vector<16xi32>
      %gather3A_144 = tpu.vector_load_idx %arg5[%get3A_120, %broadcast_in_dim3A_143] : memref<2x64xf32, #tpu.memory_space<vmem>>[vector<16xi32>, vector<16xi32>], vector<16xf32>,
      tpu.vector_store_idx %arg7[%add3A_122, %broadcast_in_dim3A_143], %gather3A_144 : memref<512x64xf32, #tpu.memory_space<vmem>>[vector<16xi32>, vector<16xi32>], vector<16xf32>,
      %broadcast_in_dim3A_145 = arith.constant 8 : i32
      %broadcast_in_dim3A_146 = vector.broadcast %broadcast_in_dim3A_145 : i32 to vector<16xi32>
      %gather3A_147 = tpu.vector_load_idx %arg5[%get3A_120, %broadcast_in_dim3A_146] : memref<2x64xf32, #tpu.memory_space<vmem>>[vector<16xi32>, vector<16xi32>], vector<16xf32>,
      tpu.vector_store_idx %arg7[%add3A_122, %broadcast_in_dim3A_146], %gather3A_147 : memref<512x64xf32, #tpu.memory_space<vmem>>[vector<16xi32>, vector<16xi32>], vector<16xf32>,
      %broadcast_in_dim3A_148 = arith.constant 9 : i32
      %broadcast_in_dim3A_149 = vector.broadcast %broadcast_in_dim3A_148 : i32 to vector<16xi32>
      %gather3A_150 = tpu.vector_load_idx %arg5[%get3A_120, %broadcast_in_dim3A_149] : memref<2x64xf32, #tpu.memory_space<vmem>>[vector<16xi32>, vector<16xi32>], vector<16xf32>,
      tpu.vector_store_idx %arg7[%add3A_122, %broadcast_in_dim3A_149], %gather3A_150 : memref<512x64xf32, #tpu.memory_space<vmem>>[vector<16xi32>, vector<16xi32>], vector<16xf32>,
      %broadcast_in_dim3A_151 = arith.constant 10 : i32
      %broadcast_in_dim3A_152 = vector.broadcast %broadcast_in_dim3A_151 : i32 to vector<16xi32>
      %gather3A_153 = tpu.vector_load_idx %arg5[%get3A_120, %broadcast_in_dim3A_152] : memref<2x64xf32, #tpu.memory_space<vmem>>[vector<16xi32>, vector<16xi32>], vector<16xf32>,
      tpu.vector_store_idx %arg7[%add3A_122, %broadcast_in_dim3A_152], %gather3A_153 : memref<512x64xf32, #tpu.memory_space<vmem>>[vector<16xi32>, vector<16xi32>], vector<16xf32>,
      %broadcast_in_dim3A_154 = arith.constant 11 : i32
      %broadcast_in_dim3A_155 = vector.broadcast %broadcast_in_dim3A_154 : i32 to vector<16xi32>
      %gather3A_156 = tpu.vector_load_idx %arg5[%get3A_120, %broadcast_in_dim3A_155] : memref<2x64xf32, #tpu.memory_space<vmem>>[vector<16xi32>, vector<16xi32>], vector<16xf32>,
      tpu.vector_store_idx %arg7[%add3A_122, %broadcast_in_dim3A_155], %gather3A_156 : memref<512x64xf32, #tpu.memory_space<vmem>>[vector<16xi32>, vector<16xi32>], vector<16xf32>,
      %broadcast_in_dim3A_157 = arith.constant 12 : i32
      %broadcast_in_dim3A_158 = vector.broadcast %broadcast_in_dim3A_157 : i32 to vector<16xi32>
      %gather3A_159 = tpu.vector_load_idx %arg5[%get3A_120, %broadcast_in_dim3A_158] : memref<2x64xf32, #tpu.memory_space<vmem>>[vector<16xi32>, vector<16xi32>], vector<16xf32>,
      tpu.vector_store_idx %arg7[%add3A_122, %broadcast_in_dim3A_158], %gather3A_159 : memref<512x64xf32, #tpu.memory_space<vmem>>[vector<16xi32>, vector<16xi32>], vector<16xf32>,
      %broadcast_in_dim3A_160 = arith.constant 13 : i32
      %broadcast_in_dim3A_161 = vector.broadcast %broadcast_in_dim3A_160 : i32 to vector<16xi32>
      %gather3A_162 = tpu.vector_load_idx %arg5[%get3A_120, %broadcast_in_dim3A_161] : memref<2x64xf32, #tpu.memory_space<vmem>>[vector<16xi32>, vector<16xi32>], vector<16xf32>,
      tpu.vector_store_idx %arg7[%add3A_122, %broadcast_in_dim3A_161], %gather3A_162 : memref<512x64xf32, #tpu.memory_space<vmem>>[vector<16xi32>, vector<16xi32>], vector<16xf32>,
      %broadcast_in_dim3A_163 = arith.constant 14 : i32
      %broadcast_in_dim3A_164 = vector.broadcast %broadcast_in_dim3A_163 : i32 to vector<16xi32>
      %gather3A_165 = tpu.vector_load_idx %arg5[%get3A_120, %broadcast_in_dim3A_164] : memref<2x64xf32, #tpu.memory_space<vmem>>[vector<16xi32>, vector<16xi32>], vector<16xf32>,
      tpu.vector_store_idx %arg7[%add3A_122, %broadcast_in_dim3A_164], %gather3A_165 : memref<512x64xf32, #tpu.memory_space<vmem>>[vector<16xi32>, vector<16xi32>], vector<16xf32>,
      %broadcast_in_dim3A_166 = arith.constant 15 : i32
      %broadcast_in_dim3A_167 = vector.broadcast %broadcast_in_dim3A_166 : i32 to vector<16xi32>
      %gather3A_168 = tpu.vector_load_idx %arg5[%get3A_120, %broadcast_in_dim3A_167] : memref<2x64xf32, #tpu.memory_space<vmem>>[vector<16xi32>, vector<16xi32>], vector<16xf32>,
      tpu.vector_store_idx %arg7[%add3A_122, %broadcast_in_dim3A_167], %gather3A_168 : memref<512x64xf32, #tpu.memory_space<vmem>>[vector<16xi32>, vector<16xi32>], vector<16xf32>,
      %broadcast_in_dim3A_169 = arith.constant 16 : i32
      %broadcast_in_dim3A_170 = vector.broadcast %broadcast_in_dim3A_169 : i32 to vector<16xi32>
      %gather3A_171 = tpu.vector_load_idx %arg5[%get3A_120, %broadcast_in_dim3A_170] : memref<2x64xf32, #tpu.memory_space<vmem>>[vector<16xi32>, vector<16xi32>], vector<16xf32>,
      tpu.vector_store_idx %arg7[%add3A_122, %broadcast_in_dim3A_170], %gather3A_171 : memref<512x64xf32, #tpu.memory_space<vmem>>[vector<16xi32>, vector<16xi32>], vector<16xf32>,
      %broadcast_in_dim3A_172 = arith.constant 17 : i32
      %broadcast_in_dim3A_173 = vector.broadcast %broadcast_in_dim3A_172 : i32 to vector<16xi32>
      %gather3A_174 = tpu.vector_load_idx %arg5[%get3A_120, %broadcast_in_dim3A_173] : memref<2x64xf32, #tpu.memory_space<vmem>>[vector<16xi32>, vector<16xi32>], vector<16xf32>,
      tpu.vector_store_idx %arg7[%add3A_122, %broadcast_in_dim3A_173], %gather3A_174 : memref<512x64xf32, #tpu.memory_space<vmem>>[vector<16xi32>, vector<16xi32>], vector<16xf32>,
      %broadcast_in_dim3A_175 = arith.constant 18 : i32
      %broadcast_in_dim3A_176 = vector.broadcast %broadcast_in_dim3A_175 : i32 to vector<16xi32>
      %gather3A_177 = tpu.vector_load_idx %arg5[%get3A_120, %broadcast_in_dim3A_176] : memref<2x64xf32, #tpu.memory_space<vmem>>[vector<16xi32>, vector<16xi32>], vector<16xf32>,
      tpu.vector_store_idx %arg7[%add3A_122, %broadcast_in_dim3A_176], %gather3A_177 : memref<512x64xf32, #tpu.memory_space<vmem>>[vector<16xi32>, vector<16xi32>], vector<16xf32>,
      %broadcast_in_dim3A_178 = arith.constant 19 : i32
      %broadcast_in_dim3A_179 = vector.broadcast %broadcast_in_dim3A_178 : i32 to vector<16xi32>
      %gather3A_180 = tpu.vector_load_idx %arg5[%get3A_120, %broadcast_in_dim3A_179] : memref<2x64xf32, #tpu.memory_space<vmem>>[vector<16xi32>, vector<16xi32>], vector<16xf32>,
      tpu.vector_store_idx %arg7[%add3A_122, %broadcast_in_dim3A_179], %gather3A_180 : memref<512x64xf32, #tpu.memory_space<vmem>>[vector<16xi32>, vector<16xi32>], vector<16xf32>,
      %broadcast_in_dim3A_181 = arith.constant 20 : i32
      %broadcast_in_dim3A_182 = vector.broadcast %broadcast_in_dim3A_181 : i32 to vector<16xi32>
      %gather3A_183 = tpu.vector_load_idx %arg5[%get3A_120, %broadcast_in_dim3A_182] : memref<2x64xf32, #tpu.memory_space<vmem>>[vector<16xi32>, vector<16xi32>], vector<16xf32>,
      tpu.vector_store_idx %arg7[%add3A_122, %broadcast_in_dim3A_182], %gather3A_183 : memref<512x64xf32, #tpu.memory_space<vmem>>[vector<16xi32>, vector<16xi32>], vector<16xf32>,
      %broadcast_in_dim3A_184 = arith.constant 21 : i32
      %broadcast_in_dim3A_185 = vector.broadcast %broadcast_in_dim3A_184 : i32 to vector<16xi32>
      %gather3A_186 = tpu.vector_load_idx %arg5[%get3A_120, %broadcast_in_dim3A_185] : memref<2x64xf32, #tpu.memory_space<vmem>>[vector<16xi32>, vector<16xi32>], vector<16xf32>,
      tpu.vector_store_idx %arg7[%add3A_122, %broadcast_in_dim3A_185], %gather3A_186 : memref<512x64xf32, #tpu.memory_space<vmem>>[vector<16xi32>, vector<16xi32>], vector<16xf32>,
      %broadcast_in_dim3A_187 = arith.constant 22 : i32
      %broadcast_in_dim3A_188 = vector.broadcast %broadcast_in_dim3A_187 : i32 to vector<16xi32>
      %gather3A_189 = tpu.vector_load_idx %arg5[%get3A_120, %broadcast_in_dim3A_188] : memref<2x64xf32, #tpu.memory_space<vmem>>[vector<16xi32>, vector<16xi32>], vector<16xf32>,
      tpu.vector_store_idx %arg7[%add3A_122, %broadcast_in_dim3A_188], %gather3A_189 : memref<512x64xf32, #tpu.memory_space<vmem>>[vector<16xi32>, vector<16xi32>], vector<16xf32>,
      %broadcast_in_dim3A_190 = arith.constant 23 : i32
      %broadcast_in_dim3A_191 = vector.broadcast %broadcast_in_dim3A_190 : i32 to vector<16xi32>
      %gather3A_192 = tpu.vector_load_idx %arg5[%get3A_120, %broadcast_in_dim3A_191] : memref<2x64xf32, #tpu.memory_space<vmem>>[vector<16xi32>, vector<16xi32>], vector<16xf32>,
      tpu.vector_store_idx %arg7[%add3A_122, %broadcast_in_dim3A_191], %gather3A_192 : memref<512x64xf32, #tpu.memory_space<vmem>>[vector<16xi32>, vector<16xi32>], vector<16xf32>,
      %broadcast_in_dim3A_193 = arith.constant 24 : i32
      %broadcast_in_dim3A_194 = vector.broadcast %broadcast_in_dim3A_193 : i32 to vector<16xi32>
      %gather3A_195 = tpu.vector_load_idx %arg5[%get3A_120, %broadcast_in_dim3A_194] : memref<2x64xf32, #tpu.memory_space<vmem>>[vector<16xi32>, vector<16xi32>], vector<16xf32>,
      tpu.vector_store_idx %arg7[%add3A_122, %broadcast_in_dim3A_194], %gather3A_195 : memref<512x64xf32, #tpu.memory_space<vmem>>[vector<16xi32>, vector<16xi32>], vector<16xf32>,
      %broadcast_in_dim3A_196 = arith.constant 25 : i32
      %broadcast_in_dim3A_197 = vector.broadcast %broadcast_in_dim3A_196 : i32 to vector<16xi32>
      %gather3A_198 = tpu.vector_load_idx %arg5[%get3A_120, %broadcast_in_dim3A_197] : memref<2x64xf32, #tpu.memory_space<vmem>>[vector<16xi32>, vector<16xi32>], vector<16xf32>,
      tpu.vector_store_idx %arg7[%add3A_122, %broadcast_in_dim3A_197], %gather3A_198 : memref<512x64xf32, #tpu.memory_space<vmem>>[vector<16xi32>, vector<16xi32>], vector<16xf32>,
      %broadcast_in_dim3A_199 = arith.constant 26 : i32
      %broadcast_in_dim3A_200 = vector.broadcast %broadcast_in_dim3A_199 : i32 to vector<16xi32>
      %gather3A_201 = tpu.vector_load_idx %arg5[%get3A_120, %broadcast_in_dim3A_200] : memref<2x64xf32, #tpu.memory_space<vmem>>[vector<16xi32>, vector<16xi32>], vector<16xf32>,
      tpu.vector_store_idx %arg7[%add3A_122, %broadcast_in_dim3A_200], %gather3A_201 : memref<512x64xf32, #tpu.memory_space<vmem>>[vector<16xi32>, vector<16xi32>], vector<16xf32>,
      %broadcast_in_dim3A_202 = arith.constant 27 : i32
      %broadcast_in_dim3A_203 = vector.broadcast %broadcast_in_dim3A_202 : i32 to vector<16xi32>
      %gather3A_204 = tpu.vector_load_idx %arg5[%get3A_120, %broadcast_in_dim3A_203] : memref<2x64xf32, #tpu.memory_space<vmem>>[vector<16xi32>, vector<16xi32>], vector<16xf32>,
      tpu.vector_store_idx %arg7[%add3A_122, %broadcast_in_dim3A_203], %gather3A_204 : memref<512x64xf32, #tpu.memory_space<vmem>>[vector<16xi32>, vector<16xi32>], vector<16xf32>,
      %broadcast_in_dim3A_205 = arith.constant 28 : i32
      %broadcast_in_dim3A_206 = vector.broadcast %broadcast_in_dim3A_205 : i32 to vector<16xi32>
      %gather3A_207 = tpu.vector_load_idx %arg5[%get3A_120, %broadcast_in_dim3A_206] : memref<2x64xf32, #tpu.memory_space<vmem>>[vector<16xi32>, vector<16xi32>], vector<16xf32>,
      tpu.vector_store_idx %arg7[%add3A_122, %broadcast_in_dim3A_206], %gather3A_207 : memref<512x64xf32, #tpu.memory_space<vmem>>[vector<16xi32>, vector<16xi32>], vector<16xf32>,
      %broadcast_in_dim3A_208 = arith.constant 29 : i32
      %broadcast_in_dim3A_209 = vector.broadcast %broadcast_in_dim3A_208 : i32 to vector<16xi32>
      %gather3A_210 = tpu.vector_load_idx %arg5[%get3A_120, %broadcast_in_dim3A_209] : memref<2x64xf32, #tpu.memory_space<vmem>>[vector<16xi32>, vector<16xi32>], vector<16xf32>,
      tpu.vector_store_idx %arg7[%add3A_122, %broadcast_in_dim3A_209], %gather3A_210 : memref<512x64xf32, #tpu.memory_space<vmem>>[vector<16xi32>, vector<16xi32>], vector<16xf32>,
      %broadcast_in_dim3A_211 = arith.constant 30 : i32
      %broadcast_in_dim3A_212 = vector.broadcast %broadcast_in_dim3A_211 : i32 to vector<16xi32>
      %gather3A_213 = tpu.vector_load_idx %arg5[%get3A_120, %broadcast_in_dim3A_212] : memref<2x64xf32, #tpu.memory_space<vmem>>[vector<16xi32>, vector<16xi32>], vector<16xf32>,
      tpu.vector_store_idx %arg7[%add3A_122, %broadcast_in_dim3A_212], %gather3A_213 : memref<512x64xf32, #tpu.memory_space<vmem>>[vector<16xi32>, vector<16xi32>], vector<16xf32>,
      %broadcast_in_dim3A_214 = arith.constant 31 : i32
      %broadcast_in_dim3A_215 = vector.broadcast %broadcast_in_dim3A_214 : i32 to vector<16xi32>
      %gather3A_216 = tpu.vector_load_idx %arg5[%get3A_120, %broadcast_in_dim3A_215] : memref<2x64xf32, #tpu.memory_space<vmem>>[vector<16xi32>, vector<16xi32>], vector<16xf32>,
      tpu.vector_store_idx %arg7[%add3A_122, %broadcast_in_dim3A_215], %gather3A_216 : memref<512x64xf32, #tpu.memory_space<vmem>>[vector<16xi32>, vector<16xi32>], vector<16xf32>,
      %broadcast_in_dim3A_217 = arith.constant 32 : i32
      %broadcast_in_dim3A_218 = vector.broadcast %broadcast_in_dim3A_217 : i32 to vector<16xi32>
      %gather3A_219 = tpu.vector_load_idx %arg5[%get3A_120, %broadcast_in_dim3A_218] : memref<2x64xf32, #tpu.memory_space<vmem>>[vector<16xi32>, vector<16xi32>], vector<16xf32>,
      tpu.vector_store_idx %arg7[%add3A_122, %broadcast_in_dim3A_218], %gather3A_219 : memref<512x64xf32, #tpu.memory_space<vmem>>[vector<16xi32>, vector<16xi32>], vector<16xf32>,
      %broadcast_in_dim3A_220 = arith.constant 33 : i32
      %broadcast_in_dim3A_221 = vector.broadcast %broadcast_in_dim3A_220 : i32 to vector<16xi32>
      %gather3A_222 = tpu.vector_load_idx %arg5[%get3A_120, %broadcast_in_dim3A_221] : memref<2x64xf32, #tpu.memory_space<vmem>>[vector<16xi32>, vector<16xi32>], vector<16xf32>,
      tpu.vector_store_idx %arg7[%add3A_122, %broadcast_in_dim3A_221], %gather3A_222 : memref<512x64xf32, #tpu.memory_space<vmem>>[vector<16xi32>, vector<16xi32>], vector<16xf32>,
      %broadcast_in_dim3A_223 = arith.constant 34 : i32
      %broadcast_in_dim3A_224 = vector.broadcast %broadcast_in_dim3A_223 : i32 to vector<16xi32>
      %gather3A_225 = tpu.vector_load_idx %arg5[%get3A_120, %broadcast_in_dim3A_224] : memref<2x64xf32, #tpu.memory_space<vmem>>[vector<16xi32>, vector<16xi32>], vector<16xf32>,
      tpu.vector_store_idx %arg7[%add3A_122, %broadcast_in_dim3A_224], %gather3A_225 : memref<512x64xf32, #tpu.memory_space<vmem>>[vector<16xi32>, vector<16xi32>], vector<16xf32>,
      %broadcast_in_dim3A_226 = arith.constant 35 : i32
      %broadcast_in_dim3A_227 = vector.broadcast %broadcast_in_dim3A_226 : i32 to vector<16xi32>
      %gather3A_228 = tpu.vector_load_idx %arg5[%get3A_120, %broadcast_in_dim3A_227] : memref<2x64xf32, #tpu.memory_space<vmem>>[vector<16xi32>, vector<16xi32>], vector<16xf32>,
      tpu.vector_store_idx %arg7[%add3A_122, %broadcast_in_dim3A_227], %gather3A_228 : memref<512x64xf32, #tpu.memory_space<vmem>>[vector<16xi32>, vector<16xi32>], vector<16xf32>,
      %broadcast_in_dim3A_229 = arith.constant 36 : i32
      %broadcast_in_dim3A_230 = vector.broadcast %broadcast_in_dim3A_229 : i32 to vector<16xi32>
      %gather3A_231 = tpu.vector_load_idx %arg5[%get3A_120, %broadcast_in_dim3A_230] : memref<2x64xf32, #tpu.memory_space<vmem>>[vector<16xi32>, vector<16xi32>], vector<16xf32>,
      tpu.vector_store_idx %arg7[%add3A_122, %broadcast_in_dim3A_230], %gather3A_231 : memref<512x64xf32, #tpu.memory_space<vmem>>[vector<16xi32>, vector<16xi32>], vector<16xf32>,
      %broadcast_in_dim3A_232 = arith.constant 37 : i32
      %broadcast_in_dim3A_233 = vector.broadcast %broadcast_in_dim3A_232 : i32 to vector<16xi32>
      %gather3A_234 = tpu.vector_load_idx %arg5[%get3A_120, %broadcast_in_dim3A_233] : memref<2x64xf32, #tpu.memory_space<vmem>>[vector<16xi32>, vector<16xi32>], vector<16xf32>,
      tpu.vector_store_idx %arg7[%add3A_122, %broadcast_in_dim3A_233], %gather3A_234 : memref<512x64xf32, #tpu.memory_space<vmem>>[vector<16xi32>, vector<16xi32>], vector<16xf32>,
      %broadcast_in_dim3A_235 = arith.constant 38 : i32
      %broadcast_in_dim3A_236 = vector.broadcast %broadcast_in_dim3A_235 : i32 to vector<16xi32>
      %gather3A_237 = tpu.vector_load_idx %arg5[%get3A_120, %broadcast_in_dim3A_236] : memref<2x64xf32, #tpu.memory_space<vmem>>[vector<16xi32>, vector<16xi32>], vector<16xf32>,
      tpu.vector_store_idx %arg7[%add3A_122, %broadcast_in_dim3A_236], %gather3A_237 : memref<512x64xf32, #tpu.memory_space<vmem>>[vector<16xi32>, vector<16xi32>], vector<16xf32>,
      %broadcast_in_dim3A_238 = arith.constant 39 : i32
      %broadcast_in_dim3A_239 = vector.broadcast %broadcast_in_dim3A_238 : i32 to vector<16xi32>
      %gather3A_240 = tpu.vector_load_idx %arg5[%get3A_120, %broadcast_in_dim3A_239] : memref<2x64xf32, #tpu.memory_space<vmem>>[vector<16xi32>, vector<16xi32>], vector<16xf32>,
      tpu.vector_store_idx %arg7[%add3A_122, %broadcast_in_dim3A_239], %gather3A_240 : memref<512x64xf32, #tpu.memory_space<vmem>>[vector<16xi32>, vector<16xi32>], vector<16xf32>,
      %broadcast_in_dim3A_241 = arith.constant 40 : i32
      %broadcast_in_dim3A_242 = vector.broadcast %broadcast_in_dim3A_241 : i32 to vector<16xi32>
      %gather3A_243 = tpu.vector_load_idx %arg5[%get3A_120, %broadcast_in_dim3A_242] : memref<2x64xf32, #tpu.memory_space<vmem>>[vector<16xi32>, vector<16xi32>], vector<16xf32>,
      tpu.vector_store_idx %arg7[%add3A_122, %broadcast_in_dim3A_242], %gather3A_243 : memref<512x64xf32, #tpu.memory_space<vmem>>[vector<16xi32>, vector<16xi32>], vector<16xf32>,
      %broadcast_in_dim3A_244 = arith.constant 41 : i32
      %broadcast_in_dim3A_245 = vector.broadcast %broadcast_in_dim3A_244 : i32 to vector<16xi32>
      %gather3A_246 = tpu.vector_load_idx %arg5[%get3A_120, %broadcast_in_dim3A_245] : memref<2x64xf32, #tpu.memory_space<vmem>>[vector<16xi32>, vector<16xi32>], vector<16xf32>,
      tpu.vector_store_idx %arg7[%add3A_122, %broadcast_in_dim3A_245], %gather3A_246 : memref<512x64xf32, #tpu.memory_space<vmem>>[vector<16xi32>, vector<16xi32>], vector<16xf32>,
      %broadcast_in_dim3A_247 = arith.constant 42 : i32
      %broadcast_in_dim3A_248 = vector.broadcast %broadcast_in_dim3A_247 : i32 to vector<16xi32>
      %gather3A_249 = tpu.vector_load_idx %arg5[%get3A_120, %broadcast_in_dim3A_248] : memref<2x64xf32, #tpu.memory_space<vmem>>[vector<16xi32>, vector<16xi32>], vector<16xf32>,
      tpu.vector_store_idx %arg7[%add3A_122, %broadcast_in_dim3A_248], %gather3A_249 : memref<512x64xf32, #tpu.memory_space<vmem>>[vector<16xi32>, vector<16xi32>], vector<16xf32>,
      %broadcast_in_dim3A_250 = arith.constant 43 : i32
      %broadcast_in_dim3A_251 = vector.broadcast %broadcast_in_dim3A_250 : i32 to vector<16xi32>
      %gather3A_252 = tpu.vector_load_idx %arg5[%get3A_120, %broadcast_in_dim3A_251] : memref<2x64xf32, #tpu.memory_space<vmem>>[vector<16xi32>, vector<16xi32>], vector<16xf32>,
      tpu.vector_store_idx %arg7[%add3A_122, %broadcast_in_dim3A_251], %gather3A_252 : memref<512x64xf32, #tpu.memory_space<vmem>>[vector<16xi32>, vector<16xi32>], vector<16xf32>,
      %broadcast_in_dim3A_253 = arith.constant 44 : i32
      %broadcast_in_dim3A_254 = vector.broadcast %broadcast_in_dim3A_253 : i32 to vector<16xi32>
      %gather3A_255 = tpu.vector_load_idx %arg5[%get3A_120, %broadcast_in_dim3A_254] : memref<2x64xf32, #tpu.memory_space<vmem>>[vector<16xi32>, vector<16xi32>], vector<16xf32>,
      tpu.vector_store_idx %arg7[%add3A_122, %broadcast_in_dim3A_254], %gather3A_255 : memref<512x64xf32, #tpu.memory_space<vmem>>[vector<16xi32>, vector<16xi32>], vector<16xf32>,
      %broadcast_in_dim3A_256 = arith.constant 45 : i32
      %broadcast_in_dim3A_257 = vector.broadcast %broadcast_in_dim3A_256 : i32 to vector<16xi32>
      %gather3A_258 = tpu.vector_load_idx %arg5[%get3A_120, %broadcast_in_dim3A_257] : memref<2x64xf32, #tpu.memory_space<vmem>>[vector<16xi32>, vector<16xi32>], vector<16xf32>,
      tpu.vector_store_idx %arg7[%add3A_122, %broadcast_in_dim3A_257], %gather3A_258 : memref<512x64xf32, #tpu.memory_space<vmem>>[vector<16xi32>, vector<16xi32>], vector<16xf32>,
      %broadcast_in_dim3A_259 = arith.constant 46 : i32
      %broadcast_in_dim3A_260 = vector.broadcast %broadcast_in_dim3A_259 : i32 to vector<16xi32>
      %gather3A_261 = tpu.vector_load_idx %arg5[%get3A_120, %broadcast_in_dim3A_260] : memref<2x64xf32, #tpu.memory_space<vmem>>[vector<16xi32>, vector<16xi32>], vector<16xf32>,
      tpu.vector_store_idx %arg7[%add3A_122, %broadcast_in_dim3A_260], %gather3A_261 : memref<512x64xf32, #tpu.memory_space<vmem>>[vector<16xi32>, vector<16xi32>], vector<16xf32>,
      %broadcast_in_dim3A_262 = arith.constant 47 : i32
      %broadcast_in_dim3A_263 = vector.broadcast %broadcast_in_dim3A_262 : i32 to vector<16xi32>
      %gather3A_264 = tpu.vector_load_idx %arg5[%get3A_120, %broadcast_in_dim3A_263] : memref<2x64xf32, #tpu.memory_space<vmem>>[vector<16xi32>, vector<16xi32>], vector<16xf32>,
      tpu.vector_store_idx %arg7[%add3A_122, %broadcast_in_dim3A_263], %gather3A_264 : memref<512x64xf32, #tpu.memory_space<vmem>>[vector<16xi32>, vector<16xi32>], vector<16xf32>,
      %broadcast_in_dim3A_265 = arith.constant 48 : i32
      %broadcast_in_dim3A_266 = vector.broadcast %broadcast_in_dim3A_265 : i32 to vector<16xi32>
      %gather3A_267 = tpu.vector_load_idx %arg5[%get3A_120, %broadcast_in_dim3A_266] : memref<2x64xf32, #tpu.memory_space<vmem>>[vector<16xi32>, vector<16xi32>], vector<16xf32>,
      tpu.vector_store_idx %arg7[%add3A_122, %broadcast_in_dim3A_266], %gather3A_267 : memref<512x64xf32, #tpu.memory_space<vmem>>[vector<16xi32>, vector<16xi32>], vector<16xf32>,
      %broadcast_in_dim3A_268 = arith.constant 49 : i32
      %broadcast_in_dim3A_269 = vector.broadcast %broadcast_in_dim3A_268 : i32 to vector<16xi32>
      %gather3A_270 = tpu.vector_load_idx %arg5[%get3A_120, %broadcast_in_dim3A_269] : memref<2x64xf32, #tpu.memory_space<vmem>>[vector<16xi32>, vector<16xi32>], vector<16xf32>,
      tpu.vector_store_idx %arg7[%add3A_122, %broadcast_in_dim3A_269], %gather3A_270 : memref<512x64xf32, #tpu.memory_space<vmem>>[vector<16xi32>, vector<16xi32>], vector<16xf32>,
      %broadcast_in_dim3A_271 = arith.constant 50 : i32
      %broadcast_in_dim3A_272 = vector.broadcast %broadcast_in_dim3A_271 : i32 to vector<16xi32>
      %gather3A_273 = tpu.vector_load_idx %arg5[%get3A_120, %broadcast_in_dim3A_272] : memref<2x64xf32, #tpu.memory_space<vmem>>[vector<16xi32>, vector<16xi32>], vector<16xf32>,
      tpu.vector_store_idx %arg7[%add3A_122, %broadcast_in_dim3A_272], %gather3A_273 : memref<512x64xf32, #tpu.memory_space<vmem>>[vector<16xi32>, vector<16xi32>], vector<16xf32>,
      %broadcast_in_dim3A_274 = arith.constant 51 : i32
      %broadcast_in_dim3A_275 = vector.broadcast %broadcast_in_dim3A_274 : i32 to vector<16xi32>
      %gather3A_276 = tpu.vector_load_idx %arg5[%get3A_120, %broadcast_in_dim3A_275] : memref<2x64xf32, #tpu.memory_space<vmem>>[vector<16xi32>, vector<16xi32>], vector<16xf32>,
      tpu.vector_store_idx %arg7[%add3A_122, %broadcast_in_dim3A_275], %gather3A_276 : memref<512x64xf32, #tpu.memory_space<vmem>>[vector<16xi32>, vector<16xi32>], vector<16xf32>,
      %broadcast_in_dim3A_277 = arith.constant 52 : i32
      %broadcast_in_dim3A_278 = vector.broadcast %broadcast_in_dim3A_277 : i32 to vector<16xi32>
      %gather3A_279 = tpu.vector_load_idx %arg5[%get3A_120, %broadcast_in_dim3A_278] : memref<2x64xf32, #tpu.memory_space<vmem>>[vector<16xi32>, vector<16xi32>], vector<16xf32>,
      tpu.vector_store_idx %arg7[%add3A_122, %broadcast_in_dim3A_278], %gather3A_279 : memref<512x64xf32, #tpu.memory_space<vmem>>[vector<16xi32>, vector<16xi32>], vector<16xf32>,
      %broadcast_in_dim3A_280 = arith.constant 53 : i32
      %broadcast_in_dim3A_281 = vector.broadcast %broadcast_in_dim3A_280 : i32 to vector<16xi32>
      %gather3A_282 = tpu.vector_load_idx %arg5[%get3A_120, %broadcast_in_dim3A_281] : memref<2x64xf32, #tpu.memory_space<vmem>>[vector<16xi32>, vector<16xi32>], vector<16xf32>,
      tpu.vector_store_idx %arg7[%add3A_122, %broadcast_in_dim3A_281], %gather3A_282 : memref<512x64xf32, #tpu.memory_space<vmem>>[vector<16xi32>, vector<16xi32>], vector<16xf32>,
      %broadcast_in_dim3A_283 = arith.constant 54 : i32
      %broadcast_in_dim3A_284 = vector.broadcast %broadcast_in_dim3A_283 : i32 to vector<16xi32>
      %gather3A_285 = tpu.vector_load_idx %arg5[%get3A_120, %broadcast_in_dim3A_284] : memref<2x64xf32, #tpu.memory_space<vmem>>[vector<16xi32>, vector<16xi32>], vector<16xf32>,
      tpu.vector_store_idx %arg7[%add3A_122, %broadcast_in_dim3A_284], %gather3A_285 : memref<512x64xf32, #tpu.memory_space<vmem>>[vector<16xi32>, vector<16xi32>], vector<16xf32>,
      %broadcast_in_dim3A_286 = arith.constant 55 : i32
      %broadcast_in_dim3A_287 = vector.broadcast %broadcast_in_dim3A_286 : i32 to vector<16xi32>
      %gather3A_288 = tpu.vector_load_idx %arg5[%get3A_120, %broadcast_in_dim3A_287] : memref<2x64xf32, #tpu.memory_space<vmem>>[vector<16xi32>, vector<16xi32>], vector<16xf32>,
      tpu.vector_store_idx %arg7[%add3A_122, %broadcast_in_dim3A_287], %gather3A_288 : memref<512x64xf32, #tpu.memory_space<vmem>>[vector<16xi32>, vector<16xi32>], vector<16xf32>,
      %broadcast_in_dim3A_289 = arith.constant 56 : i32
      %broadcast_in_dim3A_290 = vector.broadcast %broadcast_in_dim3A_289 : i32 to vector<16xi32>
      %gather3A_291 = tpu.vector_load_idx %arg5[%get3A_120, %broadcast_in_dim3A_290] : memref<2x64xf32, #tpu.memory_space<vmem>>[vector<16xi32>, vector<16xi32>], vector<16xf32>,
      tpu.vector_store_idx %arg7[%add3A_122, %broadcast_in_dim3A_290], %gather3A_291 : memref<512x64xf32, #tpu.memory_space<vmem>>[vector<16xi32>, vector<16xi32>], vector<16xf32>,
      %broadcast_in_dim3A_292 = arith.constant 57 : i32
      %broadcast_in_dim3A_293 = vector.broadcast %broadcast_in_dim3A_292 : i32 to vector<16xi32>
      %gather3A_294 = tpu.vector_load_idx %arg5[%get3A_120, %broadcast_in_dim3A_293] : memref<2x64xf32, #tpu.memory_space<vmem>>[vector<16xi32>, vector<16xi32>], vector<16xf32>,
      tpu.vector_store_idx %arg7[%add3A_122, %broadcast_in_dim3A_293], %gather3A_294 : memref<512x64xf32, #tpu.memory_space<vmem>>[vector<16xi32>, vector<16xi32>], vector<16xf32>,
      %broadcast_in_dim3A_295 = arith.constant 58 : i32
      %broadcast_in_dim3A_296 = vector.broadcast %broadcast_in_dim3A_295 : i32 to vector<16xi32>
      %gather3A_297 = tpu.vector_load_idx %arg5[%get3A_120, %broadcast_in_dim3A_296] : memref<2x64xf32, #tpu.memory_space<vmem>>[vector<16xi32>, vector<16xi32>], vector<16xf32>,
      tpu.vector_store_idx %arg7[%add3A_122, %broadcast_in_dim3A_296], %gather3A_297 : memref<512x64xf32, #tpu.memory_space<vmem>>[vector<16xi32>, vector<16xi32>], vector<16xf32>,
      %broadcast_in_dim3A_298 = arith.constant 59 : i32
      %broadcast_in_dim3A_299 = vector.broadcast %broadcast_in_dim3A_298 : i32 to vector<16xi32>
      %gather3A_300 = tpu.vector_load_idx %arg5[%get3A_120, %broadcast_in_dim3A_299] : memref<2x64xf32, #tpu.memory_space<vmem>>[vector<16xi32>, vector<16xi32>], vector<16xf32>,
      tpu.vector_store_idx %arg7[%add3A_122, %broadcast_in_dim3A_299], %gather3A_300 : memref<512x64xf32, #tpu.memory_space<vmem>>[vector<16xi32>, vector<16xi32>], vector<16xf32>,
      %broadcast_in_dim3A_301 = arith.constant 60 : i32
      %broadcast_in_dim3A_302 = vector.broadcast %broadcast_in_dim3A_301 : i32 to vector<16xi32>
      %gather3A_303 = tpu.vector_load_idx %arg5[%get3A_120, %broadcast_in_dim3A_302] : memref<2x64xf32, #tpu.memory_space<vmem>>[vector<16xi32>, vector<16xi32>], vector<16xf32>,
      tpu.vector_store_idx %arg7[%add3A_122, %broadcast_in_dim3A_302], %gather3A_303 : memref<512x64xf32, #tpu.memory_space<vmem>>[vector<16xi32>, vector<16xi32>], vector<16xf32>,
      %broadcast_in_dim3A_304 = arith.constant 61 : i32
      %broadcast_in_dim3A_305 = vector.broadcast %broadcast_in_dim3A_304 : i32 to vector<16xi32>
      %gather3A_306 = tpu.vector_load_idx %arg5[%get3A_120, %broadcast_in_dim3A_305] : memref<2x64xf32, #tpu.memory_space<vmem>>[vector<16xi32>, vector<16xi32>], vector<16xf32>,
      tpu.vector_store_idx %arg7[%add3A_122, %broadcast_in_dim3A_305], %gather3A_306 : memref<512x64xf32, #tpu.memory_space<vmem>>[vector<16xi32>, vector<16xi32>], vector<16xf32>,
      %broadcast_in_dim3A_307 = arith.constant 62 : i32
      %broadcast_in_dim3A_308 = vector.broadcast %broadcast_in_dim3A_307 : i32 to vector<16xi32>
      %gather3A_309 = tpu.vector_load_idx %arg5[%get3A_120, %broadcast_in_dim3A_308] : memref<2x64xf32, #tpu.memory_space<vmem>>[vector<16xi32>, vector<16xi32>], vector<16xf32>,
      tpu.vector_store_idx %arg7[%add3A_122, %broadcast_in_dim3A_308], %gather3A_309 : memref<512x64xf32, #tpu.memory_space<vmem>>[vector<16xi32>, vector<16xi32>], vector<16xf32>,
      %broadcast_in_dim3A_310 = arith.constant 63 : i32
      %broadcast_in_dim3A_311 = vector.broadcast %broadcast_in_dim3A_310 : i32 to vector<16xi32>
      %gather3A_312 = tpu.vector_load_idx %arg5[%get3A_120, %broadcast_in_dim3A_311] : memref<2x64xf32, #tpu.memory_space<vmem>>[vector<16xi32>, vector<16xi32>], vector<16xf32>,
      tpu.vector_store_idx %arg7[%add3A_122, %broadcast_in_dim3A_311], %gather3A_312 : memref<512x64xf32, #tpu.memory_space<vmem>>[vector<16xi32>, vector<16xi32>], vector<16xf32>,
      %scan3A_313 = arith.constant 0 : i32
      scf.yield %scan3A_313 : i32
    }
    %scan3A_45 = arith.constant 8 : i32
    %add3A_46 = arith.constant 256 : i32
    %add3A_47 = arith.addi %mul3A_2, %add3A_46 : i32
    %dma_start3A_48 = arith.constant 256 : i32
    %dma_start3A_49 = arith.constant 0 : i32
    %dma_start3A_50 = tpu.memref_slice %arg7[%dma_start3A_48, %dma_start3A_49] : memref<512x64xf32, #tpu.memory_space<vmem>> -> memref<128x64xf32, #tpu.memory_space<vmem>>
    %dma_start3A_51 = arith.constant 0 : i32
    %dma_start3A_52 = tpu.memref_slice %arg4[%add3A_47, %dma_start3A_51] : memref<16384x64xf32, #tpu.memory_space<hbm>> -> memref<128x64xf32, #tpu.memory_space<hbm>>
    %dma_start3A_53 = arith.constant 0 : i32
    %dma_start3A_54 = tpu.memref_slice %arg4[%add3A_47, %dma_start3A_53] : memref<16384x64xf32, #tpu.memory_space<hbm>> -> memref<128x64xf32, #tpu.memory_space<hbm>>
    %dma_start3A_55 = arith.constant 256 : i32
    %dma_start3A_56 = arith.constant 0 : i32
    %dma_start3A_57 = tpu.memref_slice %arg7[%dma_start3A_55, %dma_start3A_56] : memref<512x64xf32, #tpu.memory_space<vmem>> -> memref<128x64xf32, #tpu.memory_space<vmem>>
    tpu.enqueue_dma source(%dma_start3A_57 : memref<128x64xf32, #tpu.memory_space<vmem>>) target(%dma_start3A_54 : memref<128x64xf32, #tpu.memory_space<hbm>>) target_semaphore(%arg8 : memref<!tpu.dma_semaphore, #tpu.memory_space<semaphore_mem>>)
    %scan3A_58 = arith.constant 0 : i32
    %scan3A_59 = arith.constant 24 : i32
    %scan3A_60 = arith.constant 8 : i32
    %scan3A_61 = arith.addi %scan3A_59, %scan3A_60 : i32
    %scan3A_62 = arith.constant 1 : i32
    %scan3A_63 = scf.for %scan3A_116 = %scan3A_59 to %scan3A_61 step %scan3A_62 iter_args(%scan3A_117 = %scan3A_58) -> (i32)  : i32 {
      %mul3A_118 = arith.constant 16 : i32
      %mul3A_119 = arith.muli %mul3A_118, %scan3A_116 : i32
      %get3A = arith.index_cast %mul3A_119 : i32 to index
      %get3A_120 = tpu.vector_load %arg6[%get3A] {strides = array<i32>} : memref<512xi32, #tpu.memory_space<vmem>>, vector<16xi32>,
      %add3A_121 = vector.broadcast %mul3A_119 : i32 to vector<16xi32>
      %add3A_122 = arith.addi %add3A_121, %iota3A : vector<16xi32>
      %broadcast_in_dim3A = arith.constant 0 : i32
      %broadcast_in_dim3A_123 = vector.broadcast %broadcast_in_dim3A : i32 to vector<16xi32>
      %gather3A = tpu.vector_load_idx %arg5[%get3A_120, %broadcast_in_dim3A_123] : memref<2x64xf32, #tpu.memory_space<vmem>>[vector<16xi32>, vector<16xi32>], vector<16xf32>,
      tpu.vector_store_idx %arg7[%add3A_122, %broadcast_in_dim3A_123], %gather3A : memref<512x64xf32, #tpu.memory_space<vmem>>[vector<16xi32>, vector<16xi32>], vector<16xf32>,
      %broadcast_in_dim3A_124 = arith.constant 1 : i32
      %broadcast_in_dim3A_125 = vector.broadcast %broadcast_in_dim3A_124 : i32 to vector<16xi32>
      %gather3A_126 = tpu.vector_load_idx %arg5[%get3A_120, %broadcast_in_dim3A_125] : memref<2x64xf32, #tpu.memory_space<vmem>>[vector<16xi32>, vector<16xi32>], vector<16xf32>,
      tpu.vector_store_idx %arg7[%add3A_122, %broadcast_in_dim3A_125], %gather3A_126 : memref<512x64xf32, #tpu.memory_space<vmem>>[vector<16xi32>, vector<16xi32>], vector<16xf32>,
      %broadcast_in_dim3A_127 = arith.constant 2 : i32
      %broadcast_in_dim3A_128 = vector.broadcast %broadcast_in_dim3A_127 : i32 to vector<16xi32>
      %gather3A_129 = tpu.vector_load_idx %arg5[%get3A_120, %broadcast_in_dim3A_128] : memref<2x64xf32, #tpu.memory_space<vmem>>[vector<16xi32>, vector<16xi32>], vector<16xf32>,
      tpu.vector_store_idx %arg7[%add3A_122, %broadcast_in_dim3A_128], %gather3A_129 : memref<512x64xf32, #tpu.memory_space<vmem>>[vector<16xi32>, vector<16xi32>], vector<16xf32>,
      %broadcast_in_dim3A_130 = arith.constant 3 : i32
      %broadcast_in_dim3A_131 = vector.broadcast %broadcast_in_dim3A_130 : i32 to vector<16xi32>
      %gather3A_132 = tpu.vector_load_idx %arg5[%get3A_120, %broadcast_in_dim3A_131] : memref<2x64xf32, #tpu.memory_space<vmem>>[vector<16xi32>, vector<16xi32>], vector<16xf32>,
      tpu.vector_store_idx %arg7[%add3A_122, %broadcast_in_dim3A_131], %gather3A_132 : memref<512x64xf32, #tpu.memory_space<vmem>>[vector<16xi32>, vector<16xi32>], vector<16xf32>,
      %broadcast_in_dim3A_133 = arith.constant 4 : i32
      %broadcast_in_dim3A_134 = vector.broadcast %broadcast_in_dim3A_133 : i32 to vector<16xi32>
      %gather3A_135 = tpu.vector_load_idx %arg5[%get3A_120, %broadcast_in_dim3A_134] : memref<2x64xf32, #tpu.memory_space<vmem>>[vector<16xi32>, vector<16xi32>], vector<16xf32>,
      tpu.vector_store_idx %arg7[%add3A_122, %broadcast_in_dim3A_134], %gather3A_135 : memref<512x64xf32, #tpu.memory_space<vmem>>[vector<16xi32>, vector<16xi32>], vector<16xf32>,
      %broadcast_in_dim3A_136 = arith.constant 5 : i32
      %broadcast_in_dim3A_137 = vector.broadcast %broadcast_in_dim3A_136 : i32 to vector<16xi32>
      %gather3A_138 = tpu.vector_load_idx %arg5[%get3A_120, %broadcast_in_dim3A_137] : memref<2x64xf32, #tpu.memory_space<vmem>>[vector<16xi32>, vector<16xi32>], vector<16xf32>,
      tpu.vector_store_idx %arg7[%add3A_122, %broadcast_in_dim3A_137], %gather3A_138 : memref<512x64xf32, #tpu.memory_space<vmem>>[vector<16xi32>, vector<16xi32>], vector<16xf32>,
      %broadcast_in_dim3A_139 = arith.constant 6 : i32
      %broadcast_in_dim3A_140 = vector.broadcast %broadcast_in_dim3A_139 : i32 to vector<16xi32>
      %gather3A_141 = tpu.vector_load_idx %arg5[%get3A_120, %broadcast_in_dim3A_140] : memref<2x64xf32, #tpu.memory_space<vmem>>[vector<16xi32>, vector<16xi32>], vector<16xf32>,
      tpu.vector_store_idx %arg7[%add3A_122, %broadcast_in_dim3A_140], %gather3A_141 : memref<512x64xf32, #tpu.memory_space<vmem>>[vector<16xi32>, vector<16xi32>], vector<16xf32>,
      %broadcast_in_dim3A_142 = arith.constant 7 : i32
      %broadcast_in_dim3A_143 = vector.broadcast %broadcast_in_dim3A_142 : i32 to vector<16xi32>
      %gather3A_144 = tpu.vector_load_idx %arg5[%get3A_120, %broadcast_in_dim3A_143] : memref<2x64xf32, #tpu.memory_space<vmem>>[vector<16xi32>, vector<16xi32>], vector<16xf32>,
      tpu.vector_store_idx %arg7[%add3A_122, %broadcast_in_dim3A_143], %gather3A_144 : memref<512x64xf32, #tpu.memory_space<vmem>>[vector<16xi32>, vector<16xi32>], vector<16xf32>,
      %broadcast_in_dim3A_145 = arith.constant 8 : i32
      %broadcast_in_dim3A_146 = vector.broadcast %broadcast_in_dim3A_145 : i32 to vector<16xi32>
      %gather3A_147 = tpu.vector_load_idx %arg5[%get3A_120, %broadcast_in_dim3A_146] : memref<2x64xf32, #tpu.memory_space<vmem>>[vector<16xi32>, vector<16xi32>], vector<16xf32>,
      tpu.vector_store_idx %arg7[%add3A_122, %broadcast_in_dim3A_146], %gather3A_147 : memref<512x64xf32, #tpu.memory_space<vmem>>[vector<16xi32>, vector<16xi32>], vector<16xf32>,
      %broadcast_in_dim3A_148 = arith.constant 9 : i32
      %broadcast_in_dim3A_149 = vector.broadcast %broadcast_in_dim3A_148 : i32 to vector<16xi32>
      %gather3A_150 = tpu.vector_load_idx %arg5[%get3A_120, %broadcast_in_dim3A_149] : memref<2x64xf32, #tpu.memory_space<vmem>>[vector<16xi32>, vector<16xi32>], vector<16xf32>,
      tpu.vector_store_idx %arg7[%add3A_122, %broadcast_in_dim3A_149], %gather3A_150 : memref<512x64xf32, #tpu.memory_space<vmem>>[vector<16xi32>, vector<16xi32>], vector<16xf32>,
      %broadcast_in_dim3A_151 = arith.constant 10 : i32
      %broadcast_in_dim3A_152 = vector.broadcast %broadcast_in_dim3A_151 : i32 to vector<16xi32>
      %gather3A_153 = tpu.vector_load_idx %arg5[%get3A_120, %broadcast_in_dim3A_152] : memref<2x64xf32, #tpu.memory_space<vmem>>[vector<16xi32>, vector<16xi32>], vector<16xf32>,
      tpu.vector_store_idx %arg7[%add3A_122, %broadcast_in_dim3A_152], %gather3A_153 : memref<512x64xf32, #tpu.memory_space<vmem>>[vector<16xi32>, vector<16xi32>], vector<16xf32>,
      %broadcast_in_dim3A_154 = arith.constant 11 : i32
      %broadcast_in_dim3A_155 = vector.broadcast %broadcast_in_dim3A_154 : i32 to vector<16xi32>
      %gather3A_156 = tpu.vector_load_idx %arg5[%get3A_120, %broadcast_in_dim3A_155] : memref<2x64xf32, #tpu.memory_space<vmem>>[vector<16xi32>, vector<16xi32>], vector<16xf32>,
      tpu.vector_store_idx %arg7[%add3A_122, %broadcast_in_dim3A_155], %gather3A_156 : memref<512x64xf32, #tpu.memory_space<vmem>>[vector<16xi32>, vector<16xi32>], vector<16xf32>,
      %broadcast_in_dim3A_157 = arith.constant 12 : i32
      %broadcast_in_dim3A_158 = vector.broadcast %broadcast_in_dim3A_157 : i32 to vector<16xi32>
      %gather3A_159 = tpu.vector_load_idx %arg5[%get3A_120, %broadcast_in_dim3A_158] : memref<2x64xf32, #tpu.memory_space<vmem>>[vector<16xi32>, vector<16xi32>], vector<16xf32>,
      tpu.vector_store_idx %arg7[%add3A_122, %broadcast_in_dim3A_158], %gather3A_159 : memref<512x64xf32, #tpu.memory_space<vmem>>[vector<16xi32>, vector<16xi32>], vector<16xf32>,
      %broadcast_in_dim3A_160 = arith.constant 13 : i32
      %broadcast_in_dim3A_161 = vector.broadcast %broadcast_in_dim3A_160 : i32 to vector<16xi32>
      %gather3A_162 = tpu.vector_load_idx %arg5[%get3A_120, %broadcast_in_dim3A_161] : memref<2x64xf32, #tpu.memory_space<vmem>>[vector<16xi32>, vector<16xi32>], vector<16xf32>,
      tpu.vector_store_idx %arg7[%add3A_122, %broadcast_in_dim3A_161], %gather3A_162 : memref<512x64xf32, #tpu.memory_space<vmem>>[vector<16xi32>, vector<16xi32>], vector<16xf32>,
      %broadcast_in_dim3A_163 = arith.constant 14 : i32
      %broadcast_in_dim3A_164 = vector.broadcast %broadcast_in_dim3A_163 : i32 to vector<16xi32>
      %gather3A_165 = tpu.vector_load_idx %arg5[%get3A_120, %broadcast_in_dim3A_164] : memref<2x64xf32, #tpu.memory_space<vmem>>[vector<16xi32>, vector<16xi32>], vector<16xf32>,
      tpu.vector_store_idx %arg7[%add3A_122, %broadcast_in_dim3A_164], %gather3A_165 : memref<512x64xf32, #tpu.memory_space<vmem>>[vector<16xi32>, vector<16xi32>], vector<16xf32>,
      %broadcast_in_dim3A_166 = arith.constant 15 : i32
      %broadcast_in_dim3A_167 = vector.broadcast %broadcast_in_dim3A_166 : i32 to vector<16xi32>
      %gather3A_168 = tpu.vector_load_idx %arg5[%get3A_120, %broadcast_in_dim3A_167] : memref<2x64xf32, #tpu.memory_space<vmem>>[vector<16xi32>, vector<16xi32>], vector<16xf32>,
      tpu.vector_store_idx %arg7[%add3A_122, %broadcast_in_dim3A_167], %gather3A_168 : memref<512x64xf32, #tpu.memory_space<vmem>>[vector<16xi32>, vector<16xi32>], vector<16xf32>,
      %broadcast_in_dim3A_169 = arith.constant 16 : i32
      %broadcast_in_dim3A_170 = vector.broadcast %broadcast_in_dim3A_169 : i32 to vector<16xi32>
      %gather3A_171 = tpu.vector_load_idx %arg5[%get3A_120, %broadcast_in_dim3A_170] : memref<2x64xf32, #tpu.memory_space<vmem>>[vector<16xi32>, vector<16xi32>], vector<16xf32>,
      tpu.vector_store_idx %arg7[%add3A_122, %broadcast_in_dim3A_170], %gather3A_171 : memref<512x64xf32, #tpu.memory_space<vmem>>[vector<16xi32>, vector<16xi32>], vector<16xf32>,
      %broadcast_in_dim3A_172 = arith.constant 17 : i32
      %broadcast_in_dim3A_173 = vector.broadcast %broadcast_in_dim3A_172 : i32 to vector<16xi32>
      %gather3A_174 = tpu.vector_load_idx %arg5[%get3A_120, %broadcast_in_dim3A_173] : memref<2x64xf32, #tpu.memory_space<vmem>>[vector<16xi32>, vector<16xi32>], vector<16xf32>,
      tpu.vector_store_idx %arg7[%add3A_122, %broadcast_in_dim3A_173], %gather3A_174 : memref<512x64xf32, #tpu.memory_space<vmem>>[vector<16xi32>, vector<16xi32>], vector<16xf32>,
      %broadcast_in_dim3A_175 = arith.constant 18 : i32
      %broadcast_in_dim3A_176 = vector.broadcast %broadcast_in_dim3A_175 : i32 to vector<16xi32>
      %gather3A_177 = tpu.vector_load_idx %arg5[%get3A_120, %broadcast_in_dim3A_176] : memref<2x64xf32, #tpu.memory_space<vmem>>[vector<16xi32>, vector<16xi32>], vector<16xf32>,
      tpu.vector_store_idx %arg7[%add3A_122, %broadcast_in_dim3A_176], %gather3A_177 : memref<512x64xf32, #tpu.memory_space<vmem>>[vector<16xi32>, vector<16xi32>], vector<16xf32>,
      %broadcast_in_dim3A_178 = arith.constant 19 : i32
      %broadcast_in_dim3A_179 = vector.broadcast %broadcast_in_dim3A_178 : i32 to vector<16xi32>
      %gather3A_180 = tpu.vector_load_idx %arg5[%get3A_120, %broadcast_in_dim3A_179] : memref<2x64xf32, #tpu.memory_space<vmem>>[vector<16xi32>, vector<16xi32>], vector<16xf32>,
      tpu.vector_store_idx %arg7[%add3A_122, %broadcast_in_dim3A_179], %gather3A_180 : memref<512x64xf32, #tpu.memory_space<vmem>>[vector<16xi32>, vector<16xi32>], vector<16xf32>,
      %broadcast_in_dim3A_181 = arith.constant 20 : i32
      %broadcast_in_dim3A_182 = vector.broadcast %broadcast_in_dim3A_181 : i32 to vector<16xi32>
      %gather3A_183 = tpu.vector_load_idx %arg5[%get3A_120, %broadcast_in_dim3A_182] : memref<2x64xf32, #tpu.memory_space<vmem>>[vector<16xi32>, vector<16xi32>], vector<16xf32>,
      tpu.vector_store_idx %arg7[%add3A_122, %broadcast_in_dim3A_182], %gather3A_183 : memref<512x64xf32, #tpu.memory_space<vmem>>[vector<16xi32>, vector<16xi32>], vector<16xf32>,
      %broadcast_in_dim3A_184 = arith.constant 21 : i32
      %broadcast_in_dim3A_185 = vector.broadcast %broadcast_in_dim3A_184 : i32 to vector<16xi32>
      %gather3A_186 = tpu.vector_load_idx %arg5[%get3A_120, %broadcast_in_dim3A_185] : memref<2x64xf32, #tpu.memory_space<vmem>>[vector<16xi32>, vector<16xi32>], vector<16xf32>,
      tpu.vector_store_idx %arg7[%add3A_122, %broadcast_in_dim3A_185], %gather3A_186 : memref<512x64xf32, #tpu.memory_space<vmem>>[vector<16xi32>, vector<16xi32>], vector<16xf32>,
      %broadcast_in_dim3A_187 = arith.constant 22 : i32
      %broadcast_in_dim3A_188 = vector.broadcast %broadcast_in_dim3A_187 : i32 to vector<16xi32>
      %gather3A_189 = tpu.vector_load_idx %arg5[%get3A_120, %broadcast_in_dim3A_188] : memref<2x64xf32, #tpu.memory_space<vmem>>[vector<16xi32>, vector<16xi32>], vector<16xf32>,
      tpu.vector_store_idx %arg7[%add3A_122, %broadcast_in_dim3A_188], %gather3A_189 : memref<512x64xf32, #tpu.memory_space<vmem>>[vector<16xi32>, vector<16xi32>], vector<16xf32>,
      %broadcast_in_dim3A_190 = arith.constant 23 : i32
      %broadcast_in_dim3A_191 = vector.broadcast %broadcast_in_dim3A_190 : i32 to vector<16xi32>
      %gather3A_192 = tpu.vector_load_idx %arg5[%get3A_120, %broadcast_in_dim3A_191] : memref<2x64xf32, #tpu.memory_space<vmem>>[vector<16xi32>, vector<16xi32>], vector<16xf32>,
      tpu.vector_store_idx %arg7[%add3A_122, %broadcast_in_dim3A_191], %gather3A_192 : memref<512x64xf32, #tpu.memory_space<vmem>>[vector<16xi32>, vector<16xi32>], vector<16xf32>,
      %broadcast_in_dim3A_193 = arith.constant 24 : i32
      %broadcast_in_dim3A_194 = vector.broadcast %broadcast_in_dim3A_193 : i32 to vector<16xi32>
      %gather3A_195 = tpu.vector_load_idx %arg5[%get3A_120, %broadcast_in_dim3A_194] : memref<2x64xf32, #tpu.memory_space<vmem>>[vector<16xi32>, vector<16xi32>], vector<16xf32>,
      tpu.vector_store_idx %arg7[%add3A_122, %broadcast_in_dim3A_194], %gather3A_195 : memref<512x64xf32, #tpu.memory_space<vmem>>[vector<16xi32>, vector<16xi32>], vector<16xf32>,
      %broadcast_in_dim3A_196 = arith.constant 25 : i32
      %broadcast_in_dim3A_197 = vector.broadcast %broadcast_in_dim3A_196 : i32 to vector<16xi32>
      %gather3A_198 = tpu.vector_load_idx %arg5[%get3A_120, %broadcast_in_dim3A_197] : memref<2x64xf32, #tpu.memory_space<vmem>>[vector<16xi32>, vector<16xi32>], vector<16xf32>,
      tpu.vector_store_idx %arg7[%add3A_122, %broadcast_in_dim3A_197], %gather3A_198 : memref<512x64xf32, #tpu.memory_space<vmem>>[vector<16xi32>, vector<16xi32>], vector<16xf32>,
      %broadcast_in_dim3A_199 = arith.constant 26 : i32
      %broadcast_in_dim3A_200 = vector.broadcast %broadcast_in_dim3A_199 : i32 to vector<16xi32>
      %gather3A_201 = tpu.vector_load_idx %arg5[%get3A_120, %broadcast_in_dim3A_200] : memref<2x64xf32, #tpu.memory_space<vmem>>[vector<16xi32>, vector<16xi32>], vector<16xf32>,
      tpu.vector_store_idx %arg7[%add3A_122, %broadcast_in_dim3A_200], %gather3A_201 : memref<512x64xf32, #tpu.memory_space<vmem>>[vector<16xi32>, vector<16xi32>], vector<16xf32>,
      %broadcast_in_dim3A_202 = arith.constant 27 : i32
      %broadcast_in_dim3A_203 = vector.broadcast %broadcast_in_dim3A_202 : i32 to vector<16xi32>
      %gather3A_204 = tpu.vector_load_idx %arg5[%get3A_120, %broadcast_in_dim3A_203] : memref<2x64xf32, #tpu.memory_space<vmem>>[vector<16xi32>, vector<16xi32>], vector<16xf32>,
      tpu.vector_store_idx %arg7[%add3A_122, %broadcast_in_dim3A_203], %gather3A_204 : memref<512x64xf32, #tpu.memory_space<vmem>>[vector<16xi32>, vector<16xi32>], vector<16xf32>,
      %broadcast_in_dim3A_205 = arith.constant 28 : i32
      %broadcast_in_dim3A_206 = vector.broadcast %broadcast_in_dim3A_205 : i32 to vector<16xi32>
      %gather3A_207 = tpu.vector_load_idx %arg5[%get3A_120, %broadcast_in_dim3A_206] : memref<2x64xf32, #tpu.memory_space<vmem>>[vector<16xi32>, vector<16xi32>], vector<16xf32>,
      tpu.vector_store_idx %arg7[%add3A_122, %broadcast_in_dim3A_206], %gather3A_207 : memref<512x64xf32, #tpu.memory_space<vmem>>[vector<16xi32>, vector<16xi32>], vector<16xf32>,
      %broadcast_in_dim3A_208 = arith.constant 29 : i32
      %broadcast_in_dim3A_209 = vector.broadcast %broadcast_in_dim3A_208 : i32 to vector<16xi32>
      %gather3A_210 = tpu.vector_load_idx %arg5[%get3A_120, %broadcast_in_dim3A_209] : memref<2x64xf32, #tpu.memory_space<vmem>>[vector<16xi32>, vector<16xi32>], vector<16xf32>,
      tpu.vector_store_idx %arg7[%add3A_122, %broadcast_in_dim3A_209], %gather3A_210 : memref<512x64xf32, #tpu.memory_space<vmem>>[vector<16xi32>, vector<16xi32>], vector<16xf32>,
      %broadcast_in_dim3A_211 = arith.constant 30 : i32
      %broadcast_in_dim3A_212 = vector.broadcast %broadcast_in_dim3A_211 : i32 to vector<16xi32>
      %gather3A_213 = tpu.vector_load_idx %arg5[%get3A_120, %broadcast_in_dim3A_212] : memref<2x64xf32, #tpu.memory_space<vmem>>[vector<16xi32>, vector<16xi32>], vector<16xf32>,
      tpu.vector_store_idx %arg7[%add3A_122, %broadcast_in_dim3A_212], %gather3A_213 : memref<512x64xf32, #tpu.memory_space<vmem>>[vector<16xi32>, vector<16xi32>], vector<16xf32>,
      %broadcast_in_dim3A_214 = arith.constant 31 : i32
      %broadcast_in_dim3A_215 = vector.broadcast %broadcast_in_dim3A_214 : i32 to vector<16xi32>
      %gather3A_216 = tpu.vector_load_idx %arg5[%get3A_120, %broadcast_in_dim3A_215] : memref<2x64xf32, #tpu.memory_space<vmem>>[vector<16xi32>, vector<16xi32>], vector<16xf32>,
      tpu.vector_store_idx %arg7[%add3A_122, %broadcast_in_dim3A_215], %gather3A_216 : memref<512x64xf32, #tpu.memory_space<vmem>>[vector<16xi32>, vector<16xi32>], vector<16xf32>,
      %broadcast_in_dim3A_217 = arith.constant 32 : i32
      %broadcast_in_dim3A_218 = vector.broadcast %broadcast_in_dim3A_217 : i32 to vector<16xi32>
      %gather3A_219 = tpu.vector_load_idx %arg5[%get3A_120, %broadcast_in_dim3A_218] : memref<2x64xf32, #tpu.memory_space<vmem>>[vector<16xi32>, vector<16xi32>], vector<16xf32>,
      tpu.vector_store_idx %arg7[%add3A_122, %broadcast_in_dim3A_218], %gather3A_219 : memref<512x64xf32, #tpu.memory_space<vmem>>[vector<16xi32>, vector<16xi32>], vector<16xf32>,
      %broadcast_in_dim3A_220 = arith.constant 33 : i32
      %broadcast_in_dim3A_221 = vector.broadcast %broadcast_in_dim3A_220 : i32 to vector<16xi32>
      %gather3A_222 = tpu.vector_load_idx %arg5[%get3A_120, %broadcast_in_dim3A_221] : memref<2x64xf32, #tpu.memory_space<vmem>>[vector<16xi32>, vector<16xi32>], vector<16xf32>,
      tpu.vector_store_idx %arg7[%add3A_122, %broadcast_in_dim3A_221], %gather3A_222 : memref<512x64xf32, #tpu.memory_space<vmem>>[vector<16xi32>, vector<16xi32>], vector<16xf32>,
      %broadcast_in_dim3A_223 = arith.constant 34 : i32
      %broadcast_in_dim3A_224 = vector.broadcast %broadcast_in_dim3A_223 : i32 to vector<16xi32>
      %gather3A_225 = tpu.vector_load_idx %arg5[%get3A_120, %broadcast_in_dim3A_224] : memref<2x64xf32, #tpu.memory_space<vmem>>[vector<16xi32>, vector<16xi32>], vector<16xf32>,
      tpu.vector_store_idx %arg7[%add3A_122, %broadcast_in_dim3A_224], %gather3A_225 : memref<512x64xf32, #tpu.memory_space<vmem>>[vector<16xi32>, vector<16xi32>], vector<16xf32>,
      %broadcast_in_dim3A_226 = arith.constant 35 : i32
      %broadcast_in_dim3A_227 = vector.broadcast %broadcast_in_dim3A_226 : i32 to vector<16xi32>
      %gather3A_228 = tpu.vector_load_idx %arg5[%get3A_120, %broadcast_in_dim3A_227] : memref<2x64xf32, #tpu.memory_space<vmem>>[vector<16xi32>, vector<16xi32>], vector<16xf32>,
      tpu.vector_store_idx %arg7[%add3A_122, %broadcast_in_dim3A_227], %gather3A_228 : memref<512x64xf32, #tpu.memory_space<vmem>>[vector<16xi32>, vector<16xi32>], vector<16xf32>,
      %broadcast_in_dim3A_229 = arith.constant 36 : i32
      %broadcast_in_dim3A_230 = vector.broadcast %broadcast_in_dim3A_229 : i32 to vector<16xi32>
      %gather3A_231 = tpu.vector_load_idx %arg5[%get3A_120, %broadcast_in_dim3A_230] : memref<2x64xf32, #tpu.memory_space<vmem>>[vector<16xi32>, vector<16xi32>], vector<16xf32>,
      tpu.vector_store_idx %arg7[%add3A_122, %broadcast_in_dim3A_230], %gather3A_231 : memref<512x64xf32, #tpu.memory_space<vmem>>[vector<16xi32>, vector<16xi32>], vector<16xf32>,
      %broadcast_in_dim3A_232 = arith.constant 37 : i32
      %broadcast_in_dim3A_233 = vector.broadcast %broadcast_in_dim3A_232 : i32 to vector<16xi32>
      %gather3A_234 = tpu.vector_load_idx %arg5[%get3A_120, %broadcast_in_dim3A_233] : memref<2x64xf32, #tpu.memory_space<vmem>>[vector<16xi32>, vector<16xi32>], vector<16xf32>,
      tpu.vector_store_idx %arg7[%add3A_122, %broadcast_in_dim3A_233], %gather3A_234 : memref<512x64xf32, #tpu.memory_space<vmem>>[vector<16xi32>, vector<16xi32>], vector<16xf32>,
      %broadcast_in_dim3A_235 = arith.constant 38 : i32
      %broadcast_in_dim3A_236 = vector.broadcast %broadcast_in_dim3A_235 : i32 to vector<16xi32>
      %gather3A_237 = tpu.vector_load_idx %arg5[%get3A_120, %broadcast_in_dim3A_236] : memref<2x64xf32, #tpu.memory_space<vmem>>[vector<16xi32>, vector<16xi32>], vector<16xf32>,
      tpu.vector_store_idx %arg7[%add3A_122, %broadcast_in_dim3A_236], %gather3A_237 : memref<512x64xf32, #tpu.memory_space<vmem>>[vector<16xi32>, vector<16xi32>], vector<16xf32>,
      %broadcast_in_dim3A_238 = arith.constant 39 : i32
      %broadcast_in_dim3A_239 = vector.broadcast %broadcast_in_dim3A_238 : i32 to vector<16xi32>
      %gather3A_240 = tpu.vector_load_idx %arg5[%get3A_120, %broadcast_in_dim3A_239] : memref<2x64xf32, #tpu.memory_space<vmem>>[vector<16xi32>, vector<16xi32>], vector<16xf32>,
      tpu.vector_store_idx %arg7[%add3A_122, %broadcast_in_dim3A_239], %gather3A_240 : memref<512x64xf32, #tpu.memory_space<vmem>>[vector<16xi32>, vector<16xi32>], vector<16xf32>,
      %broadcast_in_dim3A_241 = arith.constant 40 : i32
      %broadcast_in_dim3A_242 = vector.broadcast %broadcast_in_dim3A_241 : i32 to vector<16xi32>
      %gather3A_243 = tpu.vector_load_idx %arg5[%get3A_120, %broadcast_in_dim3A_242] : memref<2x64xf32, #tpu.memory_space<vmem>>[vector<16xi32>, vector<16xi32>], vector<16xf32>,
      tpu.vector_store_idx %arg7[%add3A_122, %broadcast_in_dim3A_242], %gather3A_243 : memref<512x64xf32, #tpu.memory_space<vmem>>[vector<16xi32>, vector<16xi32>], vector<16xf32>,
      %broadcast_in_dim3A_244 = arith.constant 41 : i32
      %broadcast_in_dim3A_245 = vector.broadcast %broadcast_in_dim3A_244 : i32 to vector<16xi32>
      %gather3A_246 = tpu.vector_load_idx %arg5[%get3A_120, %broadcast_in_dim3A_245] : memref<2x64xf32, #tpu.memory_space<vmem>>[vector<16xi32>, vector<16xi32>], vector<16xf32>,
      tpu.vector_store_idx %arg7[%add3A_122, %broadcast_in_dim3A_245], %gather3A_246 : memref<512x64xf32, #tpu.memory_space<vmem>>[vector<16xi32>, vector<16xi32>], vector<16xf32>,
      %broadcast_in_dim3A_247 = arith.constant 42 : i32
      %broadcast_in_dim3A_248 = vector.broadcast %broadcast_in_dim3A_247 : i32 to vector<16xi32>
      %gather3A_249 = tpu.vector_load_idx %arg5[%get3A_120, %broadcast_in_dim3A_248] : memref<2x64xf32, #tpu.memory_space<vmem>>[vector<16xi32>, vector<16xi32>], vector<16xf32>,
      tpu.vector_store_idx %arg7[%add3A_122, %broadcast_in_dim3A_248], %gather3A_249 : memref<512x64xf32, #tpu.memory_space<vmem>>[vector<16xi32>, vector<16xi32>], vector<16xf32>,
      %broadcast_in_dim3A_250 = arith.constant 43 : i32
      %broadcast_in_dim3A_251 = vector.broadcast %broadcast_in_dim3A_250 : i32 to vector<16xi32>
      %gather3A_252 = tpu.vector_load_idx %arg5[%get3A_120, %broadcast_in_dim3A_251] : memref<2x64xf32, #tpu.memory_space<vmem>>[vector<16xi32>, vector<16xi32>], vector<16xf32>,
      tpu.vector_store_idx %arg7[%add3A_122, %broadcast_in_dim3A_251], %gather3A_252 : memref<512x64xf32, #tpu.memory_space<vmem>>[vector<16xi32>, vector<16xi32>], vector<16xf32>,
      %broadcast_in_dim3A_253 = arith.constant 44 : i32
      %broadcast_in_dim3A_254 = vector.broadcast %broadcast_in_dim3A_253 : i32 to vector<16xi32>
      %gather3A_255 = tpu.vector_load_idx %arg5[%get3A_120, %broadcast_in_dim3A_254] : memref<2x64xf32, #tpu.memory_space<vmem>>[vector<16xi32>, vector<16xi32>], vector<16xf32>,
      tpu.vector_store_idx %arg7[%add3A_122, %broadcast_in_dim3A_254], %gather3A_255 : memref<512x64xf32, #tpu.memory_space<vmem>>[vector<16xi32>, vector<16xi32>], vector<16xf32>,
      %broadcast_in_dim3A_256 = arith.constant 45 : i32
      %broadcast_in_dim3A_257 = vector.broadcast %broadcast_in_dim3A_256 : i32 to vector<16xi32>
      %gather3A_258 = tpu.vector_load_idx %arg5[%get3A_120, %broadcast_in_dim3A_257] : memref<2x64xf32, #tpu.memory_space<vmem>>[vector<16xi32>, vector<16xi32>], vector<16xf32>,
      tpu.vector_store_idx %arg7[%add3A_122, %broadcast_in_dim3A_257], %gather3A_258 : memref<512x64xf32, #tpu.memory_space<vmem>>[vector<16xi32>, vector<16xi32>], vector<16xf32>,
      %broadcast_in_dim3A_259 = arith.constant 46 : i32
      %broadcast_in_dim3A_260 = vector.broadcast %broadcast_in_dim3A_259 : i32 to vector<16xi32>
      %gather3A_261 = tpu.vector_load_idx %arg5[%get3A_120, %broadcast_in_dim3A_260] : memref<2x64xf32, #tpu.memory_space<vmem>>[vector<16xi32>, vector<16xi32>], vector<16xf32>,
      tpu.vector_store_idx %arg7[%add3A_122, %broadcast_in_dim3A_260], %gather3A_261 : memref<512x64xf32, #tpu.memory_space<vmem>>[vector<16xi32>, vector<16xi32>], vector<16xf32>,
      %broadcast_in_dim3A_262 = arith.constant 47 : i32
      %broadcast_in_dim3A_263 = vector.broadcast %broadcast_in_dim3A_262 : i32 to vector<16xi32>
      %gather3A_264 = tpu.vector_load_idx %arg5[%get3A_120, %broadcast_in_dim3A_263] : memref<2x64xf32, #tpu.memory_space<vmem>>[vector<16xi32>, vector<16xi32>], vector<16xf32>,
      tpu.vector_store_idx %arg7[%add3A_122, %broadcast_in_dim3A_263], %gather3A_264 : memref<512x64xf32, #tpu.memory_space<vmem>>[vector<16xi32>, vector<16xi32>], vector<16xf32>,
      %broadcast_in_dim3A_265 = arith.constant 48 : i32
      %broadcast_in_dim3A_266 = vector.broadcast %broadcast_in_dim3A_265 : i32 to vector<16xi32>
      %gather3A_267 = tpu.vector_load_idx %arg5[%get3A_120, %broadcast_in_dim3A_266] : memref<2x64xf32, #tpu.memory_space<vmem>>[vector<16xi32>, vector<16xi32>], vector<16xf32>,
      tpu.vector_store_idx %arg7[%add3A_122, %broadcast_in_dim3A_266], %gather3A_267 : memref<512x64xf32, #tpu.memory_space<vmem>>[vector<16xi32>, vector<16xi32>], vector<16xf32>,
      %broadcast_in_dim3A_268 = arith.constant 49 : i32
      %broadcast_in_dim3A_269 = vector.broadcast %broadcast_in_dim3A_268 : i32 to vector<16xi32>
      %gather3A_270 = tpu.vector_load_idx %arg5[%get3A_120, %broadcast_in_dim3A_269] : memref<2x64xf32, #tpu.memory_space<vmem>>[vector<16xi32>, vector<16xi32>], vector<16xf32>,
      tpu.vector_store_idx %arg7[%add3A_122, %broadcast_in_dim3A_269], %gather3A_270 : memref<512x64xf32, #tpu.memory_space<vmem>>[vector<16xi32>, vector<16xi32>], vector<16xf32>,
      %broadcast_in_dim3A_271 = arith.constant 50 : i32
      %broadcast_in_dim3A_272 = vector.broadcast %broadcast_in_dim3A_271 : i32 to vector<16xi32>
      %gather3A_273 = tpu.vector_load_idx %arg5[%get3A_120, %broadcast_in_dim3A_272] : memref<2x64xf32, #tpu.memory_space<vmem>>[vector<16xi32>, vector<16xi32>], vector<16xf32>,
      tpu.vector_store_idx %arg7[%add3A_122, %broadcast_in_dim3A_272], %gather3A_273 : memref<512x64xf32, #tpu.memory_space<vmem>>[vector<16xi32>, vector<16xi32>], vector<16xf32>,
      %broadcast_in_dim3A_274 = arith.constant 51 : i32
      %broadcast_in_dim3A_275 = vector.broadcast %broadcast_in_dim3A_274 : i32 to vector<16xi32>
      %gather3A_276 = tpu.vector_load_idx %arg5[%get3A_120, %broadcast_in_dim3A_275] : memref<2x64xf32, #tpu.memory_space<vmem>>[vector<16xi32>, vector<16xi32>], vector<16xf32>,
      tpu.vector_store_idx %arg7[%add3A_122, %broadcast_in_dim3A_275], %gather3A_276 : memref<512x64xf32, #tpu.memory_space<vmem>>[vector<16xi32>, vector<16xi32>], vector<16xf32>,
      %broadcast_in_dim3A_277 = arith.constant 52 : i32
      %broadcast_in_dim3A_278 = vector.broadcast %broadcast_in_dim3A_277 : i32 to vector<16xi32>
      %gather3A_279 = tpu.vector_load_idx %arg5[%get3A_120, %broadcast_in_dim3A_278] : memref<2x64xf32, #tpu.memory_space<vmem>>[vector<16xi32>, vector<16xi32>], vector<16xf32>,
      tpu.vector_store_idx %arg7[%add3A_122, %broadcast_in_dim3A_278], %gather3A_279 : memref<512x64xf32, #tpu.memory_space<vmem>>[vector<16xi32>, vector<16xi32>], vector<16xf32>,
      %broadcast_in_dim3A_280 = arith.constant 53 : i32
      %broadcast_in_dim3A_281 = vector.broadcast %broadcast_in_dim3A_280 : i32 to vector<16xi32>
      %gather3A_282 = tpu.vector_load_idx %arg5[%get3A_120, %broadcast_in_dim3A_281] : memref<2x64xf32, #tpu.memory_space<vmem>>[vector<16xi32>, vector<16xi32>], vector<16xf32>,
      tpu.vector_store_idx %arg7[%add3A_122, %broadcast_in_dim3A_281], %gather3A_282 : memref<512x64xf32, #tpu.memory_space<vmem>>[vector<16xi32>, vector<16xi32>], vector<16xf32>,
      %broadcast_in_dim3A_283 = arith.constant 54 : i32
      %broadcast_in_dim3A_284 = vector.broadcast %broadcast_in_dim3A_283 : i32 to vector<16xi32>
      %gather3A_285 = tpu.vector_load_idx %arg5[%get3A_120, %broadcast_in_dim3A_284] : memref<2x64xf32, #tpu.memory_space<vmem>>[vector<16xi32>, vector<16xi32>], vector<16xf32>,
      tpu.vector_store_idx %arg7[%add3A_122, %broadcast_in_dim3A_284], %gather3A_285 : memref<512x64xf32, #tpu.memory_space<vmem>>[vector<16xi32>, vector<16xi32>], vector<16xf32>,
      %broadcast_in_dim3A_286 = arith.constant 55 : i32
      %broadcast_in_dim3A_287 = vector.broadcast %broadcast_in_dim3A_286 : i32 to vector<16xi32>
      %gather3A_288 = tpu.vector_load_idx %arg5[%get3A_120, %broadcast_in_dim3A_287] : memref<2x64xf32, #tpu.memory_space<vmem>>[vector<16xi32>, vector<16xi32>], vector<16xf32>,
      tpu.vector_store_idx %arg7[%add3A_122, %broadcast_in_dim3A_287], %gather3A_288 : memref<512x64xf32, #tpu.memory_space<vmem>>[vector<16xi32>, vector<16xi32>], vector<16xf32>,
      %broadcast_in_dim3A_289 = arith.constant 56 : i32
      %broadcast_in_dim3A_290 = vector.broadcast %broadcast_in_dim3A_289 : i32 to vector<16xi32>
      %gather3A_291 = tpu.vector_load_idx %arg5[%get3A_120, %broadcast_in_dim3A_290] : memref<2x64xf32, #tpu.memory_space<vmem>>[vector<16xi32>, vector<16xi32>], vector<16xf32>,
      tpu.vector_store_idx %arg7[%add3A_122, %broadcast_in_dim3A_290], %gather3A_291 : memref<512x64xf32, #tpu.memory_space<vmem>>[vector<16xi32>, vector<16xi32>], vector<16xf32>,
      %broadcast_in_dim3A_292 = arith.constant 57 : i32
      %broadcast_in_dim3A_293 = vector.broadcast %broadcast_in_dim3A_292 : i32 to vector<16xi32>
      %gather3A_294 = tpu.vector_load_idx %arg5[%get3A_120, %broadcast_in_dim3A_293] : memref<2x64xf32, #tpu.memory_space<vmem>>[vector<16xi32>, vector<16xi32>], vector<16xf32>,
      tpu.vector_store_idx %arg7[%add3A_122, %broadcast_in_dim3A_293], %gather3A_294 : memref<512x64xf32, #tpu.memory_space<vmem>>[vector<16xi32>, vector<16xi32>], vector<16xf32>,
      %broadcast_in_dim3A_295 = arith.constant 58 : i32
      %broadcast_in_dim3A_296 = vector.broadcast %broadcast_in_dim3A_295 : i32 to vector<16xi32>
      %gather3A_297 = tpu.vector_load_idx %arg5[%get3A_120, %broadcast_in_dim3A_296] : memref<2x64xf32, #tpu.memory_space<vmem>>[vector<16xi32>, vector<16xi32>], vector<16xf32>,
      tpu.vector_store_idx %arg7[%add3A_122, %broadcast_in_dim3A_296], %gather3A_297 : memref<512x64xf32, #tpu.memory_space<vmem>>[vector<16xi32>, vector<16xi32>], vector<16xf32>,
      %broadcast_in_dim3A_298 = arith.constant 59 : i32
      %broadcast_in_dim3A_299 = vector.broadcast %broadcast_in_dim3A_298 : i32 to vector<16xi32>
      %gather3A_300 = tpu.vector_load_idx %arg5[%get3A_120, %broadcast_in_dim3A_299] : memref<2x64xf32, #tpu.memory_space<vmem>>[vector<16xi32>, vector<16xi32>], vector<16xf32>,
      tpu.vector_store_idx %arg7[%add3A_122, %broadcast_in_dim3A_299], %gather3A_300 : memref<512x64xf32, #tpu.memory_space<vmem>>[vector<16xi32>, vector<16xi32>], vector<16xf32>,
      %broadcast_in_dim3A_301 = arith.constant 60 : i32
      %broadcast_in_dim3A_302 = vector.broadcast %broadcast_in_dim3A_301 : i32 to vector<16xi32>
      %gather3A_303 = tpu.vector_load_idx %arg5[%get3A_120, %broadcast_in_dim3A_302] : memref<2x64xf32, #tpu.memory_space<vmem>>[vector<16xi32>, vector<16xi32>], vector<16xf32>,
      tpu.vector_store_idx %arg7[%add3A_122, %broadcast_in_dim3A_302], %gather3A_303 : memref<512x64xf32, #tpu.memory_space<vmem>>[vector<16xi32>, vector<16xi32>], vector<16xf32>,
      %broadcast_in_dim3A_304 = arith.constant 61 : i32
      %broadcast_in_dim3A_305 = vector.broadcast %broadcast_in_dim3A_304 : i32 to vector<16xi32>
      %gather3A_306 = tpu.vector_load_idx %arg5[%get3A_120, %broadcast_in_dim3A_305] : memref<2x64xf32, #tpu.memory_space<vmem>>[vector<16xi32>, vector<16xi32>], vector<16xf32>,
      tpu.vector_store_idx %arg7[%add3A_122, %broadcast_in_dim3A_305], %gather3A_306 : memref<512x64xf32, #tpu.memory_space<vmem>>[vector<16xi32>, vector<16xi32>], vector<16xf32>,
      %broadcast_in_dim3A_307 = arith.constant 62 : i32
      %broadcast_in_dim3A_308 = vector.broadcast %broadcast_in_dim3A_307 : i32 to vector<16xi32>
      %gather3A_309 = tpu.vector_load_idx %arg5[%get3A_120, %broadcast_in_dim3A_308] : memref<2x64xf32, #tpu.memory_space<vmem>>[vector<16xi32>, vector<16xi32>], vector<16xf32>,
      tpu.vector_store_idx %arg7[%add3A_122, %broadcast_in_dim3A_308], %gather3A_309 : memref<512x64xf32, #tpu.memory_space<vmem>>[vector<16xi32>, vector<16xi32>], vector<16xf32>,
      %broadcast_in_dim3A_310 = arith.constant 63 : i32
      %broadcast_in_dim3A_311 = vector.broadcast %broadcast_in_dim3A_310 : i32 to vector<16xi32>
      %gather3A_312 = tpu.vector_load_idx %arg5[%get3A_120, %broadcast_in_dim3A_311] : memref<2x64xf32, #tpu.memory_space<vmem>>[vector<16xi32>, vector<16xi32>], vector<16xf32>,
      tpu.vector_store_idx %arg7[%add3A_122, %broadcast_in_dim3A_311], %gather3A_312 : memref<512x64xf32, #tpu.memory_space<vmem>>[vector<16xi32>, vector<16xi32>], vector<16xf32>,
      %scan3A_313 = arith.constant 0 : i32
      scf.yield %scan3A_313 : i32
    }
    %scan3A_64 = arith.constant 8 : i32
    %add3A_65 = arith.constant 384 : i32
    %add3A_66 = arith.addi %mul3A_2, %add3A_65 : i32
    %dma_start3A_67 = arith.constant 384 : i32
    %dma_start3A_68 = arith.constant 0 : i32
    %dma_start3A_69 = tpu.memref_slice %arg7[%dma_start3A_67, %dma_start3A_68] : memref<512x64xf32, #tpu.memory_space<vmem>> -> memref<128x64xf32, #tpu.memory_space<vmem>>
    %dma_start3A_70 = arith.constant 0 : i32
    %dma_start3A_71 = tpu.memref_slice %arg4[%add3A_66, %dma_start3A_70] : memref<16384x64xf32, #tpu.memory_space<hbm>> -> memref<128x64xf32, #tpu.memory_space<hbm>>
    %dma_start3A_72 = arith.constant 0 : i32
    %dma_start3A_73 = tpu.memref_slice %arg4[%add3A_66, %dma_start3A_72] : memref<16384x64xf32, #tpu.memory_space<hbm>> -> memref<128x64xf32, #tpu.memory_space<hbm>>
    %dma_start3A_74 = arith.constant 384 : i32
    %dma_start3A_75 = arith.constant 0 : i32
    %dma_start3A_76 = tpu.memref_slice %arg7[%dma_start3A_74, %dma_start3A_75] : memref<512x64xf32, #tpu.memory_space<vmem>> -> memref<128x64xf32, #tpu.memory_space<vmem>>
    tpu.enqueue_dma source(%dma_start3A_76 : memref<128x64xf32, #tpu.memory_space<vmem>>) target(%dma_start3A_73 : memref<128x64xf32, #tpu.memory_space<hbm>>) target_semaphore(%arg8 : memref<!tpu.dma_semaphore, #tpu.memory_space<semaphore_mem>>)
    %dma_wait3A = arith.constant 0 : i32
    %dma_wait3A_77 = arith.constant 0 : i32
    %dma_wait3A_78 = tpu.memref_slice %arg7[%dma_wait3A, %dma_wait3A_77] : memref<512x64xf32, #tpu.memory_space<vmem>> -> memref<128x64xf32, #tpu.memory_space<vmem>>
    %dma_wait3A_79 = arith.constant 0 : i32
    %dma_wait3A_80 = tpu.memref_slice %arg4[%add3A_10, %dma_wait3A_79] : memref<16384x64xf32, #tpu.memory_space<hbm>> -> memref<128x64xf32, #tpu.memory_space<hbm>>
    %dma_wait3A_81 = arith.constant 0 : i32
    %dma_wait3A_82 = tpu.memref_slice %arg4[%add3A_10, %dma_wait3A_81] : memref<16384x64xf32, #tpu.memory_space<hbm>> -> memref<128x64xf32, #tpu.memory_space<hbm>>
    %dma_wait3A_83 = arith.constant 0 : i32
    %dma_wait3A_84 = arith.constant 0 : i32
    %dma_wait3A_85 = tpu.memref_slice %arg7[%dma_wait3A_83, %dma_wait3A_84] : memref<512x64xf32, #tpu.memory_space<vmem>> -> memref<128x64xf32, #tpu.memory_space<vmem>>
    tpu.wait_dma2 semaphore(%arg8 : memref<!tpu.dma_semaphore, #tpu.memory_space<semaphore_mem>>) src(%dma_wait3A_85 : memref<128x64xf32, #tpu.memory_space<vmem>>) dst(%dma_wait3A_82 : memref<128x64xf32, #tpu.memory_space<hbm>>)
    %dma_wait3A_86 = arith.constant 128 : i32
    %dma_wait3A_87 = arith.constant 0 : i32
    %dma_wait3A_88 = tpu.memref_slice %arg7[%dma_wait3A_86, %dma_wait3A_87] : memref<512x64xf32, #tpu.memory_space<vmem>> -> memref<128x64xf32, #tpu.memory_space<vmem>>
    %dma_wait3A_89 = arith.constant 0 : i32
    %dma_wait3A_90 = tpu.memref_slice %arg4[%add3A_28, %dma_wait3A_89] : memref<16384x64xf32, #tpu.memory_space<hbm>> -> memref<128x64xf32, #tpu.memory_space<hbm>>
    %dma_wait3A_91 = arith.constant 0 : i32
    %dma_wait3A_92 = tpu.memref_slice %arg4[%add3A_28, %dma_wait3A_91] : memref<16384x64xf32, #tpu.memory_space<hbm>> -> memref<128x64xf32, #tpu.memory_space<hbm>>
    %dma_wait3A_93 = arith.constant 128 : i32
    %dma_wait3A_94 = arith.constant 0 : i32
    %dma_wait3A_95 = tpu.memref_slice %arg7[%dma_wait3A_93, %dma_wait3A_94] : memref<512x64xf32, #tpu.memory_space<vmem>> -> memref<128x64xf32, #tpu.memory_space<vmem>>
    tpu.wait_dma2 semaphore(%arg8 : memref<!tpu.dma_semaphore, #tpu.memory_space<semaphore_mem>>) src(%dma_wait3A_95 : memref<128x64xf32, #tpu.memory_space<vmem>>) dst(%dma_wait3A_92 : memref<128x64xf32, #tpu.memory_space<hbm>>)
    %dma_wait3A_96 = arith.constant 256 : i32
    %dma_wait3A_97 = arith.constant 0 : i32
    %dma_wait3A_98 = tpu.memref_slice %arg7[%dma_wait3A_96, %dma_wait3A_97] : memref<512x64xf32, #tpu.memory_space<vmem>> -> memref<128x64xf32, #tpu.memory_space<vmem>>
    %dma_wait3A_99 = arith.constant 0 : i32
    %dma_wait3A_100 = tpu.memref_slice %arg4[%add3A_47, %dma_wait3A_99] : memref<16384x64xf32, #tpu.memory_space<hbm>> -> memref<128x64xf32, #tpu.memory_space<hbm>>
    %dma_wait3A_101 = arith.constant 0 : i32
    %dma_wait3A_102 = tpu.memref_slice %arg4[%add3A_47, %dma_wait3A_101] : memref<16384x64xf32, #tpu.memory_space<hbm>> -> memref<128x64xf32, #tpu.memory_space<hbm>>
    %dma_wait3A_103 = arith.constant 256 : i32
    %dma_wait3A_104 = arith.constant 0 : i32
    %dma_wait3A_105 = tpu.memref_slice %arg7[%dma_wait3A_103, %dma_wait3A_104] : memref<512x64xf32, #tpu.memory_space<vmem>> -> memref<128x64xf32, #tpu.memory_space<vmem>>
    tpu.wait_dma2 semaphore(%arg8 : memref<!tpu.dma_semaphore, #tpu.memory_space<semaphore_mem>>) src(%dma_wait3A_105 : memref<128x64xf32, #tpu.memory_space<vmem>>) dst(%dma_wait3A_102 : memref<128x64xf32, #tpu.memory_space<hbm>>)
    %dma_wait3A_106 = arith.constant 384 : i32
    %dma_wait3A_107 = arith.constant 0 : i32
    %dma_wait3A_108 = tpu.memref_slice %arg7[%dma_wait3A_106, %dma_wait3A_107] : memref<512x64xf32, #tpu.memory_space<vmem>> -> memref<128x64xf32, #tpu.memory_space<vmem>>
    %dma_wait3A_109 = arith.constant 0 : i32
    %dma_wait3A_110 = tpu.memref_slice %arg4[%add3A_66, %dma_wait3A_109] : memref<16384x64xf32, #tpu.memory_space<hbm>> -> memref<128x64xf32, #tpu.memory_space<hbm>>
    %dma_wait3A_111 = arith.constant 0 : i32
    %dma_wait3A_112 = tpu.memref_slice %arg4[%add3A_66, %dma_wait3A_111] : memref<16384x64xf32, #tpu.memory_space<hbm>> -> memref<128x64xf32, #tpu.memory_space<hbm>>
    %dma_wait3A_113 = arith.constant 384 : i32
    %dma_wait3A_114 = arith.constant 0 : i32
    %dma_wait3A_115 = tpu.memref_slice %arg7[%dma_wait3A_113, %dma_wait3A_114] : memref<512x64xf32, #tpu.memory_space<vmem>> -> memref<128x64xf32, #tpu.memory_space<vmem>>
    tpu.wait_dma2 semaphore(%arg8 : memref<!tpu.dma_semaphore, #tpu.memory_space<semaphore_mem>>) src(%dma_wait3A_115 : memref<128x64xf32, #tpu.memory_space<vmem>>) dst(%dma_wait3A_112 : memref<128x64xf32, #tpu.memory_space<hbm>>)
    return
  }
}

</mosaic_0001>

<sc_bundles>
// kernel: kernel.3.cloned.1.call-start
scs
__scs_entry_jumppad:
0x0: {  	(pc) =	sbr.rel $0x88, $3  }
0x1: {  	(tag) =	ssettag $0x0;
	lr =	simm.s32 $0x1  }
0x2: {  	[smem:$0x3F9F] =	sst lr;
	_ =	strace $0xD0000000  }
0x3: {  	_ = 	snop  }
0x4: {  	_ = 	snop  }
0x5: {  	_ = 	snop  }
0x6: {  	_ = 	snop  }
0x7: {  	_ = 	snop  }
__scs_overlays_trampoline_lowered:
0x8: {  	[smem:$0x3FAE] =	sst s0  }
0x9: {  	[smem:$0x3FAF] =	sst s1  }
0xa: {  	[smem:$0x3FB0] =	sst s2  }
0xb: {  	[smem:$0x3FB1] =	sst s3  }
0xc: {  	[smem:$0x3FB2] =	sst s4  }
0xd: {  	[smem:$0x3FB3] =	sst s5  }
0xe: {  	[smem:$0x3FB4] =	sst s6  }
0xf: {  	[smem:$0x3FB5] =	sst s7  }
0x10: {  	[smem:$0x3FB6] =	sst s8  }
0x11: {  	[smem:$0x3FB7] =	sst s9;
	s0 =	simm.s32 @!p0 $0x0  }
0x12: {  	s1 =	sld [smem:$0x3F9D];
	s0 =	simm.s32 @p0 $0x1  }
0x13: {  	[smem:$0x3FB8] =	sst s0;
	s0 =	simm.s32 @!p1 $0x0  }
0x14: {  	s2 =	sld [smem:$0x3F9C];
	s0 =	simm.s32 @p1 $0x1  }
0x15: {  	[smem:$0x3FB9] =	sst s0;
	s0 =	simm.s32 @!p2 $0x0  }
0x16: {  	s3 =	sld [smem:$0x3FDB];
	s0 =	simm.s32 @p2 $0x1  }
0x17: {  	s4 =	simm.s32 $0x1BF5;
	[smem:$0x3FBB] =	sst s0  }
0x18: {  	s0 =	sld [smem:$0x3F9E];
	_ =	swait.ge [sflag:s4], $0x0  }
0x19: {  	s7 =	sld [smem:$0x3F9F]  }
0x1a: {  	s8 =	sadd.s32 $0xFFFFE003, lr  }
0x1b: {  	s9 =	sadd.s32 $0xFFFFFEF7, lr;
	s5 =	simm.s32 $0xFFFFFFFF;
	p2 =	slt.u32 s8, $0xFFFFF086  }
0x1c: {  	p1 =	slt.u32 s9, $0xF7A;
	s5 =	simm.s32 @!p2 $0x0  }
0x1d: {  	s5 =	simm.s32 @p1 $0x1;
	p0 =	seq.s32 s7, s2  }
0x1e: {  	s7 =	smul.u32 @!p0 $0xF7A, s2;
	p2 =	seq.s32 @!p0 s5, $0x0  }
0x1f: {  	s9 =	smul.u32 $0xF7A, s1;
	s8 =	simm.s32 @!p0 $0x1BF5;
	p2 =	por !p2, p0  }
0x20: {  	[sflag:s8] =	ssyncset.s32 @!p0 $0xFFFFF086;
	s6 =	sadd.s32 @!p0 s3, s7;
	s7 =	simm.s32 @!p0 $0x108  }
0x21: {  	s3 =	sadd.s32 s3, s9;
	s6 =	sadd.s32 @!p0 $0x88, s6;
	s7 =	simm.s32 @p2 $0x1082  }
0x22: {  	[simem:s7], [sflag:s8] =	dma.local @!p0 [hbm:s6], $0xF7A  }
0x23: {  	s9 =	sor.u32 $0xD0000000, s2;
	s6 =	simm.s32 $0x108;
	_ =	swait.ge @!p0 [sflag:s8], $0x0  }
0x24: {  	s3 =	sadd.s32 $0x88, s3;
	s6 =	simm.s32 @!p1 $0x1082;
	[sflag:s4] =	ssyncset.s32 $0xFFFFF086  }
0x25: {  	[simem:s6], [sflag:s4] =	dma.local [hbm:s3], $0xF7A  }
0x26: {  	[smem:$0x3F9F] =	sst s1;
	(tag) =	ssettag s2;
	_ =	strace s9  }
0x27: {  	s1 =	sld [smem:$0x3FAF]  }
0x28: {  	s2 =	sld [smem:$0x3FB0]  }
0x29: {  	s4 =	sld [smem:$0x3FB2]  }
0x2a: {  	p0 =	seq.s32 s5, $0x0;
	s5 =	sld [smem:$0x3FB3]  }
0x2b: {  	s6 =	sld [smem:$0x3FB4]  }
0x2c: {  	s7 =	sld [smem:$0x3FB5]  }
0x2d: {  	s3 =	simm.s32 $0x108;
	s8 =	sld [smem:$0x3FB6]  }
0x2e: {  	s3 =	simm.s32 @!p0 $0x1082;
	s9 =	sld [smem:$0x3FB7]  }
0x2f: {  	lr =	sadd.s32 s0, s3;
	s0 =	sld [smem:$0x3FAE]  }
0x30: {  	s3 =	sld [smem:$0x3FB1]  }
0x31: {  	[smem:$0x3FBA] =	sst s10  }
0x32: {  	s10 =	sld [smem:$0x3FB8];
	_ =	sdelay $0x3  }
0x33: {  	p0 =	seq.s32 s10, $0x1;
	s10 =	sld [smem:$0x3FBA];
	_ =	sdelay $0x3  }
0x34: {  	[smem:$0x3FBA] =	sst s10  }
0x35: {  	s10 =	sld [smem:$0x3FB9];
	_ =	sdelay $0x3  }
0x36: {  	p1 =	seq.s32 s10, $0x1;
	s10 =	sld [smem:$0x3FBA];
	_ =	sdelay $0x3  }
0x37: {  	[smem:$0x3FBA] =	sst s10  }
0x38: {  	s10 =	sld [smem:$0x3FBB]  }
0x39: {  	_ = 	snop;
	(pc) =	sbr.ind lr, $3  }
0x3a: {  	_ = 	snop  }
0x3b: {  	_ = 	snop  }
0x3c: {  	p2 =	seq.s32 s10, $0x1;
	s10 =	sld [smem:$0x3FBA]  }
0x3d: {  	_ =	shalt  }
0x3e: {  	_ =	shalt  }
0x3f: {  	_ =	shalt  }
0x40: {  	_ =	shalt  }
0x41: {  	_ =	shalt  }
0x42: {  	_ =	shalt  }
0x43: {  	_ =	shalt  }
0x44: {  	_ =	shalt  }
0x45: {  	_ =	shalt  }
0x46: {  	_ =	shalt  }
0x47: {  	_ =	shalt  }
0x48: {  	_ =	shalt  }
0x49: {  	_ =	shalt  }
0x4a: {  	_ =	shalt  }
0x4b: {  	_ =	shalt  }
0x4c: {  	_ =	shalt  }
0x4d: {  	_ =	shalt  }
0x4e: {  	_ =	shalt  }
0x4f: {  	_ =	shalt  }
0x50: {  	_ =	shalt  }
0x51: {  	_ =	shalt  }
0x52: {  	_ =	shalt  }
0x53: {  	_ =	shalt  }
0x54: {  	_ =	shalt  }
0x55: {  	_ =	shalt  }
0x56: {  	_ =	shalt  }
0x57: {  	_ =	shalt  }
0x58: {  	_ =	shalt  }
0x59: {  	_ =	shalt  }
0x5a: {  	_ =	shalt  }
0x5b: {  	_ =	shalt  }
0x5c: {  	_ =	shalt  }
0x5d: {  	_ =	shalt  }
0x5e: {  	_ =	shalt  }
0x5f: {  	_ =	shalt  }
0x60: {  	_ =	shalt  }
0x61: {  	_ =	shalt  }
0x62: {  	_ =	shalt  }
0x63: {  	_ =	shalt  }
0x64: {  	_ =	shalt  }
0x65: {  	_ =	shalt  }
0x66: {  	_ =	shalt  }
0x67: {  	_ =	shalt  }
0x68: {  	_ =	shalt  }
0x69: {  	_ =	shalt  }
0x6a: {  	_ =	shalt  }
0x6b: {  	_ =	shalt  }
0x6c: {  	_ =	shalt  }
0x6d: {  	_ =	shalt  }
0x6e: {  	_ =	shalt  }
0x6f: {  	_ =	shalt  }
0x70: {  	_ =	shalt  }
0x71: {  	_ =	shalt  }
0x72: {  	_ =	shalt  }
0x73: {  	_ =	shalt  }
0x74: {  	_ =	shalt  }
0x75: {  	_ =	shalt  }
0x76: {  	_ =	shalt  }
0x77: {  	_ =	shalt  }
0x78: {  	_ =	shalt  }
0x79: {  	_ =	shalt  }
0x7a: {  	_ =	shalt  }
0x7b: {  	_ =	shalt  }
0x7c: {  	_ =	shalt  }
0x7d: {  	_ =	shalt  }
0x7e: {  	_ =	shalt  }
0x7f: {  	_ =	shalt  }
0x80: {  	_ =	shalt  }
0x81: {  	_ =	shalt  }
0x82: {  	_ =	shalt  }
0x83: {  	_ =	shalt  }
0x84: {  	_ =	shalt  }
0x85: {  	_ =	shalt  }
0x86: {  	_ =	shalt  }
0x87: {  	_ =	shalt  }
.Lfunc_end0:
.L_simem_size_0:
called_computation_lowered:
.L_overlay_start_0:
0x88: {  	s2 =	sld [smem:$0x3FD9]  }
0x89: {  	s3 =	sld [smem:$0x3FFE];
	_ =	sdelay $0x1  }
0x8a: {  	s1 =	srdreg.scid  }
0x8b: {  	s0 =	sand.u32 $0x1, s1  }
0x8c: {  	s17 =	sshll.u32 s0, $0xA;
	s2 =	sadd.s32 s3, s2  }
0x8d: {  	s2 =	sadd.s32 s2, s17  }
0x8e: {  	[smem:$0x3FC6] =	sst s2  }
0x8f: {  	_ = 	snop  }
0x90: {  	s2 =	sld [smem:$0x3FC9]  }
0x91: {  	s18 =	sld [smem:$0x3FC8];
	(tm) =	ssettm $0x1  }
0x92: {  	s4 =	sld [smem:$0x3FFB];
	_ =	sdelay $0x3  }
0x93: {  	_ =	strace s4  }
0x94: {  	s4 =	sld [smem:$0x3FFC];
	_ =	sdelay $0x3  }
0x95: {  	_ =	strace s4  }
0x96: {  	s4 =	sld [smem:$0x3FFD];
	_ =	sdelay $0x3  }
0x97: {  	_ =	strace s4  }
0x98: {  	_ =	strace $0x8FFFFFFF  }
0x99: {  	s19 =	sld [smem:$0x3FDB];
	_ =	sdelay $0x1  }
0x9a: {  	s5 =	simm.s32 $_scs_section_size  }
0x9b: {  	s6 =	simm.s32 $_size__tile_overlayer_lowered;
	s7 =	simm.s32 $_tile_overlayer_lowered  }
0x9c: {  	s22 =	simm.s32 $0x1BFF;
	s21 =	sshll.u32 s7, $0x1;
	s4 =	sadd.s32 s5, s19  }
0x9d: {  	s8 =	simm.s32 $0x0;
	s20 =	sshll.u32 s6, $0x1;
	s6 =	sadd.s32 s21, s4  }
0x9e: {  	[timem:s8], [sflag:s22] =	dma.local [hbm:s6], s20  }
0x9f: {  	_ =	swait.ge [sflag:s22], s20  }
0xa0: {  	s5 =	ssub.s32 $0x0, s20;
	[sflag:s22] =	ssyncset.done $0x0  }
0xa1: {  	[sflag:s22] =	ssyncadd.s32 s5;
	_ =	sdelay $0x1  }
0xa2: {  	s23 =	simm.s32 $0x1B8B  }
0xa3: {  	_ =	swait.ge [sflag:s23], $0x1  }
0xa4: {  	[sflag:s23] =	ssyncset.done $0x0  }
0xa5: {  	s25 =	simm.s32 $0x1B8E;
	s24 =	sld [smem:$0x3FFE];
	[sflag:s23] =	ssyncadd.s32 $0xFFFFFFFF  }
0xa6: {  	s26 =	simm.s32 $execute0_lowered;
	[smem:$0x3FD2] =	sst s25  }
0xa7: {  	s6 =	sshll.u32 s26, $0x1;
	_ =	strace $0x80000046;
	[dreg:$0x1] =	wrdreg $0xFFFFFFFF  }
0xa8: {  	s28 =	simm.s32 $_size_execute0_lowered;
	s4 =	sadd.s32 s4, s6;
	[dreg:$0x0] =	wrdreg $0x0  }
0xa9: {  	s6 =	sshll.u32 s28, $0x1;
	[dreg:$0x2] =	wrdreg s4  }
0xaa: {  	[dreg:$0x3] =	wrdreg s6  }
0xab: {  	[dreg:$0x4] =	wrdreg $0xC0  }
0xac: {  	_ =	task [dreg:s8], $0x5FFFF  }
0xad: {  	[dreg:$0x1] =	wrdreg $0xFFFFFFFF  }
0xae: {  	[dreg:$0x0] =	wrdreg $0x60  }
0xaf: {  	[dreg:$0x2] =	wrdreg s18  }
0xb0: {  	[dreg:$0x3] =	wrdreg s2  }
0xb1: {  	[dreg:$0x4] =	wrdreg s24  }
0xb2: {  	[dreg:$0x5] =	wrdreg $0x9  }
0xb3: {  	_ =	task.clear_ibuf [dreg:s8], $0x6FFFF;
	_ =	strace $0x90000046  }
0xb4: {  	s29 =	simm.s32 $0x9;
	_ =	strace $0x80000048  }
0xb5: {  	_ =	swait.ge [sflag:s29], $0x1  }
0xb6: {  	[sflag:s29] =	ssyncadd.s32 $0xFFFFFFFF  }
0xb7: {  	_ =	strace $0x90000048  }
0xb8: {  	_ =	sfence  }
0xb9: {  	s30 =	sld [smem:$0x0];
	_ =	sdelay $0x2  }
0xba: {  	s31 =	sshll.u32 s1, $0xD;
	s1 =	sshrl.u32 s1, $0x2  }
0xbb: {  	s3 =	sand.u32 $0x4000, s31;
	s1 =	sadd.s32 s1, s30  }
0xbc: {  	s0 =	sor.u32 s3, s0;
	s1 =	sshll.u32 s1, $0x11  }
0xbd: {  	s0 =	sor.u32 s1, s0  }
0xbe: {  	s0 =	sadd.s32 $0x8F2B, s0  }
0xbf: {  	[sflag:s0] =	ssyncadd.remote.s32 $0x1  }
0xc0: {  	_ =	sfence.sel $0xFFFF  }
0xc1: {  	[dreg:$0x0] =	wrdreg $0xFFFFFFFF;
	(pc) =	sbr.abs _section_cstart, $3  }
0xc2: {  	[dreg:$0x1] =	wrdreg $0xFFFFFFFF  }
0xc3: {  	_ =	task.clear_ibuf [dreg:s8], $0x2FFFF;
	_ =	strace $0x9FFFFFFF  }
0xc4: {  	(tm) =	ssettm $0x7FFFFFFF  }
0xc5: {  	_ =	shalt  }
tec
execute0_lowered:
.L_overlay_start_1:
0x0: {  	(tag) =	ssettag $0x1  }
0x1: {  	s1 =	rddreg [dreg:$0x0]  }
0x2: {  	s4 =	rddreg [dreg:$0x1]  }
0x3: {  	s5 =	rddreg [dreg:$0x2]  }
0x4: {  	s0 =	rddreg [dreg:$0x3];
	s6 =	srdreg.scid  }
0x5: {  	s3 =	simm.s32 $0x0;
	s2 =	stileid.u32;
	s10 =	simm.s32 $0x2  }
0x6: {  	s11 =	simm.s32 $0x300;
	s12 =	simm.s32 $0x4300;
	s13 =	simm.s32 $0x8300  }
0x7: {  	s14 =	simm.s32 $0xC300;
	s15 =	simm.s32 $0x1;
	s6 =	sand.u32 $0x1, s6  }
0x8: {  	s16 =	simm.s32 $0x0;
	s7 =	sshll.u32 s2, $0xA;
	s8 =	sshll.u32 s6, $0x9  }
0x9: {  	[smem:$0x7FF] =	sst s3;
	s6 =	ssub.s32 $0x2, s6;
	s7 =	sor.u32 s8, s7  }
0xa: {  	_ =	strace $0x80000047;
	s9 =	sshrl.u32 s6, $0x1;
	s8 =	sshll.u32 s7, $0x4  }
0xb: {  	s7 =	sshrl.u32 s7, $0x3;
	s9 =	ssub.s32 s6, s9;
	s8 =	sadd.s32 s8, s5  }
0xc: {  	v0 =	vlaneseq.u32;
	s4 =	sadd.s32 s4, s7;
	s9 =	smax.u32 s9, $0x1;
	s5 =	sadd.s32 $0x400, s8  }
0xd: {  	v0 =	vmul.u32 $0x80, v0;
	s6 =	sadd.s32 $0xC00, s8;
	s7 =	sadd.s32 $0x1400, s8;
	s8 =	sadd.s32 $0x1C00, s8  }
.LBB2_1:
0xe: {  	[tilespmem:s3], [sflag:$0x2] =	stream.linear.gather [hbm4b:s1+s3], $0x100, $0x38;
	[tilespmem:$0x10300] =	vst v63  }
0xf: {  	_ =	swait.ge [sflag:s10], $0x100  }
0x10: {  	[sflag:s10] =	ssyncset.done $0x0  }
0x11: {  	s17 =	simm.s32 $0x100;
	[sflag:s10] =	ssyncadd.s32 $0xFFFFFF00  }
0x12: {  	[tilespmem:s17], [sflag:$0x2] =	stream.linear.gather [hbm4b:s4+s3], $0x200, $0x38;
	[tilespmem:$0x10300] =	vst v63  }
0x13: {  	_ =	swait.ge [sflag:s10], $0x200  }
0x14: {  	[sflag:s10] =	ssyncset.done $0x0  }
0x15: {  	s18 =	simm.s32 $0x0;
	[sflag:s10] =	ssyncadd.s32 $0xFFFFFE00  }
.LBB2_2:
0x16: {  	v1 =	vld [tilespmem:s17+$0x0];
	_ =	sdelay $0x4  }
0x17: {  	v1 =	vshll.u32 v1, $0x7;
	_ =	sdelay $0x2  }
0x18: {  	v2 =	vmov s18  }
0x19: {  	v2 =	vshll.u32 v2, $0x7  }
0x1a: {  	v2 =	vor.u32 v0, v2;
	v3 =	vld.idx.msk [tilespmem:v1+s3+$0x0], $0xffff  }
0x1b: {  	v4 =	vor.u32 $0x1, v1;
	_ =	sdelay $0x3  }
0x1c: {  	[tilespmem:v2+s11+$0x0] =	vst.idx.msk $0xffff, v3  }
0x1d: {  	v54 =	vor.u32 $0x1, v2;
	v3 =	vld.idx.msk [tilespmem:v4+s3+$0x0], $0xffff  }
0x1e: {  	v5 =	vor.u32 $0x2, v1;
	_ =	sdelay $0x3  }
0x1f: {  	[tilespmem:v54+s11+$0x0] =	vst.idx.msk $0xffff, v3  }
0x20: {  	v55 =	vor.u32 $0x2, v2;
	v3 =	vld.idx.msk [tilespmem:v5+s3+$0x0], $0xffff  }
0x21: {  	v56 =	vor.u32 $0x3, v1;
	_ =	sdelay $0x3  }
0x22: {  	[tilespmem:v55+s11+$0x0] =	vst.idx.msk $0xffff, v3  }
0x23: {  	v57 =	vor.u32 $0x3, v2;
	v3 =	vld.idx.msk [tilespmem:v56+s3+$0x0], $0xffff  }
0x24: {  	v58 =	vor.u32 $0x4, v1;
	_ =	sdelay $0x3  }
0x25: {  	[tilespmem:v57+s11+$0x0] =	vst.idx.msk $0xffff, v3  }
0x26: {  	v59 =	vor.u32 $0x4, v2;
	v3 =	vld.idx.msk [tilespmem:v58+s3+$0x0], $0xffff  }
0x27: {  	v60 =	vor.u32 $0x5, v1;
	_ =	sdelay $0x3  }
0x28: {  	[tilespmem:v59+s11+$0x0] =	vst.idx.msk $0xffff, v3  }
0x29: {  	v61 =	vor.u32 $0x5, v2;
	v3 =	vld.idx.msk [tilespmem:v60+s3+$0x0], $0xffff  }
0x2a: {  	v62 =	vor.u32 $0x6, v1;
	_ =	sdelay $0x3  }
0x2b: {  	[tilespmem:v61+s11+$0x0] =	vst.idx.msk $0xffff, v3  }
0x2c: {  	v63 =	vor.u32 $0x6, v2;
	v3 =	vld.idx.msk [tilespmem:v62+s3+$0x0], $0xffff  }
0x2d: {  	v8 =	vor.u32 $0x7, v1;
	_ =	sdelay $0x3  }
0x2e: {  	[tilespmem:v63+s11+$0x0] =	vst.idx.msk $0xffff, v3  }
0x2f: {  	v9 =	vor.u32 $0x7, v2;
	v3 =	vld.idx.msk [tilespmem:v8+s3+$0x0], $0xffff  }
0x30: {  	v10 =	vor.u32 $0x8, v1;
	_ =	sdelay $0x3  }
0x31: {  	[tilespmem:v9+s11+$0x0] =	vst.idx.msk $0xffff, v3  }
0x32: {  	v11 =	vor.u32 $0x8, v2;
	v3 =	vld.idx.msk [tilespmem:v10+s3+$0x0], $0xffff  }
0x33: {  	v12 =	vor.u32 $0x9, v1;
	_ =	sdelay $0x3  }
0x34: {  	[tilespmem:v11+s11+$0x0] =	vst.idx.msk $0xffff, v3  }
0x35: {  	v13 =	vor.u32 $0x9, v2;
	v3 =	vld.idx.msk [tilespmem:v12+s3+$0x0], $0xffff  }
0x36: {  	v14 =	vor.u32 $0xA, v1;
	_ =	sdelay $0x3  }
0x37: {  	[tilespmem:v13+s11+$0x0] =	vst.idx.msk $0xffff, v3  }
0x38: {  	v15 =	vor.u32 $0xA, v2;
	v3 =	vld.idx.msk [tilespmem:v14+s3+$0x0], $0xffff  }
0x39: {  	v16 =	vor.u32 $0xB, v1;
	_ =	sdelay $0x3  }
0x3a: {  	[tilespmem:v15+s11+$0x0] =	vst.idx.msk $0xffff, v3  }
0x3b: {  	v17 =	vor.u32 $0xB, v2;
	v3 =	vld.idx.msk [tilespmem:v16+s3+$0x0], $0xffff  }
0x3c: {  	v18 =	vor.u32 $0xC, v1;
	_ =	sdelay $0x3  }
0x3d: {  	[tilespmem:v17+s11+$0x0] =	vst.idx.msk $0xffff, v3  }
0x3e: {  	v19 =	vor.u32 $0xC, v2;
	v3 =	vld.idx.msk [tilespmem:v18+s3+$0x0], $0xffff  }
0x3f: {  	v20 =	vor.u32 $0xD, v1;
	_ =	sdelay $0x3  }
0x40: {  	[tilespmem:v19+s11+$0x0] =	vst.idx.msk $0xffff, v3  }
0x41: {  	v21 =	vor.u32 $0xD, v2;
	v3 =	vld.idx.msk [tilespmem:v20+s3+$0x0], $0xffff  }
0x42: {  	v22 =	vor.u32 $0xE, v1;
	_ =	sdelay $0x3  }
0x43: {  	[tilespmem:v21+s11+$0x0] =	vst.idx.msk $0xffff, v3  }
0x44: {  	v23 =	vor.u32 $0xE, v2;
	v3 =	vld.idx.msk [tilespmem:v22+s3+$0x0], $0xffff  }
0x45: {  	v24 =	vor.u32 $0xF, v1;
	_ =	sdelay $0x3  }
0x46: {  	[tilespmem:v23+s11+$0x0] =	vst.idx.msk $0xffff, v3  }
0x47: {  	v25 =	vor.u32 $0xF, v2;
	v3 =	vld.idx.msk [tilespmem:v24+s3+$0x0], $0xffff  }
0x48: {  	v26 =	vor.u32 $0x10, v1;
	_ =	sdelay $0x3  }
0x49: {  	[tilespmem:v25+s11+$0x0] =	vst.idx.msk $0xffff, v3  }
0x4a: {  	v27 =	vor.u32 $0x10, v2;
	v3 =	vld.idx.msk [tilespmem:v26+s3+$0x0], $0xffff  }
0x4b: {  	v28 =	vor.u32 $0x11, v1;
	_ =	sdelay $0x3  }
0x4c: {  	[tilespmem:v27+s11+$0x0] =	vst.idx.msk $0xffff, v3  }
0x4d: {  	v29 =	vor.u32 $0x11, v2;
	v3 =	vld.idx.msk [tilespmem:v28+s3+$0x0], $0xffff  }
0x4e: {  	v30 =	vor.u32 $0x12, v1;
	_ =	sdelay $0x3  }
0x4f: {  	[tilespmem:v29+s11+$0x0] =	vst.idx.msk $0xffff, v3  }
0x50: {  	v31 =	vor.u32 $0x12, v2;
	v3 =	vld.idx.msk [tilespmem:v30+s3+$0x0], $0xffff  }
0x51: {  	v32 =	vor.u32 $0x13, v1;
	_ =	sdelay $0x3  }
0x52: {  	[tilespmem:v31+s11+$0x0] =	vst.idx.msk $0xffff, v3  }
0x53: {  	v33 =	vor.u32 $0x13, v2;
	v3 =	vld.idx.msk [tilespmem:v32+s3+$0x0], $0xffff  }
0x54: {  	v34 =	vor.u32 $0x14, v1;
	_ =	sdelay $0x3  }
0x55: {  	[tilespmem:v33+s11+$0x0] =	vst.idx.msk $0xffff, v3  }
0x56: {  	v35 =	vor.u32 $0x14, v2;
	v3 =	vld.idx.msk [tilespmem:v34+s3+$0x0], $0xffff  }
0x57: {  	v36 =	vor.u32 $0x15, v1;
	_ =	sdelay $0x3  }
0x58: {  	[tilespmem:v35+s11+$0x0] =	vst.idx.msk $0xffff, v3  }
0x59: {  	v37 =	vor.u32 $0x15, v2;
	v3 =	vld.idx.msk [tilespmem:v36+s3+$0x0], $0xffff  }
0x5a: {  	v38 =	vor.u32 $0x16, v1;
	_ =	sdelay $0x3  }
0x5b: {  	[tilespmem:v37+s11+$0x0] =	vst.idx.msk $0xffff, v3  }
0x5c: {  	v39 =	vor.u32 $0x16, v2;
	v3 =	vld.idx.msk [tilespmem:v38+s3+$0x0], $0xffff  }
0x5d: {  	v40 =	vor.u32 $0x17, v1;
	_ =	sdelay $0x3  }
0x5e: {  	[tilespmem:v39+s11+$0x0] =	vst.idx.msk $0xffff, v3  }
0x5f: {  	v41 =	vor.u32 $0x17, v2;
	v3 =	vld.idx.msk [tilespmem:v40+s3+$0x0], $0xffff  }
0x60: {  	v42 =	vor.u32 $0x18, v1;
	_ =	sdelay $0x3  }
0x61: {  	[tilespmem:v41+s11+$0x0] =	vst.idx.msk $0xffff, v3  }
0x62: {  	v43 =	vor.u32 $0x18, v2;
	v3 =	vld.idx.msk [tilespmem:v42+s3+$0x0], $0xffff  }
0x63: {  	v44 =	vor.u32 $0x19, v1;
	_ =	sdelay $0x3  }
0x64: {  	[tilespmem:v43+s11+$0x0] =	vst.idx.msk $0xffff, v3  }
0x65: {  	v45 =	vor.u32 $0x19, v2;
	v3 =	vld.idx.msk [tilespmem:v44+s3+$0x0], $0xffff  }
0x66: {  	v46 =	vor.u32 $0x1A, v1;
	_ =	sdelay $0x3  }
0x67: {  	[tilespmem:v45+s11+$0x0] =	vst.idx.msk $0xffff, v3  }
0x68: {  	v47 =	vor.u32 $0x1A, v2;
	v3 =	vld.idx.msk [tilespmem:v46+s3+$0x0], $0xffff  }
0x69: {  	v48 =	vor.u32 $0x1B, v1;
	_ =	sdelay $0x3  }
0x6a: {  	[tilespmem:v47+s11+$0x0] =	vst.idx.msk $0xffff, v3  }
0x6b: {  	v49 =	vor.u32 $0x1B, v2;
	v3 =	vld.idx.msk [tilespmem:v48+s3+$0x0], $0xffff  }
0x6c: {  	v50 =	vor.u32 $0x1C, v1;
	_ =	sdelay $0x3  }
0x6d: {  	[tilespmem:v49+s11+$0x0] =	vst.idx.msk $0xffff, v3  }
0x6e: {  	v51 =	vor.u32 $0x1C, v2;
	v3 =	vld.idx.msk [tilespmem:v50+s3+$0x0], $0xffff  }
0x6f: {  	v52 =	vor.u32 $0x1D, v1;
	_ =	sdelay $0x3  }
0x70: {  	[tilespmem:v51+s11+$0x0] =	vst.idx.msk $0xffff, v3  }
0x71: {  	v53 =	vor.u32 $0x1D, v2;
	v3 =	vld.idx.msk [tilespmem:v52+s3+$0x0], $0xffff  }
0x72: {  	v54 =	vor.u32 $0x1E, v1;
	_ =	sdelay $0x3  }
0x73: {  	[tilespmem:v53+s11+$0x0] =	vst.idx.msk $0xffff, v3  }
0x74: {  	v55 =	vor.u32 $0x1E, v2;
	v3 =	vld.idx.msk [tilespmem:v54+s3+$0x0], $0xffff  }
0x75: {  	v56 =	vor.u32 $0x1F, v1;
	_ =	sdelay $0x3  }
0x76: {  	[tilespmem:v55+s11+$0x0] =	vst.idx.msk $0xffff, v3  }
0x77: {  	v57 =	vor.u32 $0x1F, v2;
	v3 =	vld.idx.msk [tilespmem:v56+s3+$0x0], $0xffff  }
0x78: {  	v58 =	vor.u32 $0x20, v1;
	_ =	sdelay $0x3  }
0x79: {  	[tilespmem:v57+s11+$0x0] =	vst.idx.msk $0xffff, v3  }
0x7a: {  	v59 =	vor.u32 $0x20, v2;
	v3 =	vld.idx.msk [tilespmem:v58+s3+$0x0], $0xffff  }
0x7b: {  	v60 =	vor.u32 $0x21, v1;
	_ =	sdelay $0x3  }
0x7c: {  	[tilespmem:v59+s11+$0x0] =	vst.idx.msk $0xffff, v3  }
0x7d: {  	v61 =	vor.u32 $0x21, v2;
	v3 =	vld.idx.msk [tilespmem:v60+s3+$0x0], $0xffff  }
0x7e: {  	v62 =	vor.u32 $0x22, v1;
	_ =	sdelay $0x3  }
0x7f: {  	[tilespmem:v61+s11+$0x0] =	vst.idx.msk $0xffff, v3  }
0x80: {  	v63 =	vor.u32 $0x22, v2;
	v3 =	vld.idx.msk [tilespmem:v62+s3+$0x0], $0xffff  }
0x81: {  	v8 =	vor.u32 $0x23, v1;
	_ =	sdelay $0x3  }
0x82: {  	[tilespmem:v63+s11+$0x0] =	vst.idx.msk $0xffff, v3  }
0x83: {  	v9 =	vor.u32 $0x23, v2;
	v3 =	vld.idx.msk [tilespmem:v8+s3+$0x0], $0xffff  }
0x84: {  	v10 =	vor.u32 $0x24, v1;
	_ =	sdelay $0x3  }
0x85: {  	[tilespmem:v9+s11+$0x0] =	vst.idx.msk $0xffff, v3  }
0x86: {  	v11 =	vor.u32 $0x24, v2;
	v3 =	vld.idx.msk [tilespmem:v10+s3+$0x0], $0xffff  }
0x87: {  	v12 =	vor.u32 $0x25, v1;
	_ =	sdelay $0x3  }
0x88: {  	[tilespmem:v11+s11+$0x0] =	vst.idx.msk $0xffff, v3  }
0x89: {  	v13 =	vor.u32 $0x25, v2;
	v3 =	vld.idx.msk [tilespmem:v12+s3+$0x0], $0xffff  }
0x8a: {  	v14 =	vor.u32 $0x26, v1;
	_ =	sdelay $0x3  }
0x8b: {  	[tilespmem:v13+s11+$0x0] =	vst.idx.msk $0xffff, v3  }
0x8c: {  	v15 =	vor.u32 $0x26, v2;
	v3 =	vld.idx.msk [tilespmem:v14+s3+$0x0], $0xffff  }
0x8d: {  	v16 =	vor.u32 $0x27, v1;
	_ =	sdelay $0x3  }
0x8e: {  	[tilespmem:v15+s11+$0x0] =	vst.idx.msk $0xffff, v3  }
0x8f: {  	v17 =	vor.u32 $0x27, v2;
	v3 =	vld.idx.msk [tilespmem:v16+s3+$0x0], $0xffff  }
0x90: {  	v18 =	vor.u32 $0x28, v1;
	_ =	sdelay $0x3  }
0x91: {  	[tilespmem:v17+s11+$0x0] =	vst.idx.msk $0xffff, v3  }
0x92: {  	v19 =	vor.u32 $0x28, v2;
	v3 =	vld.idx.msk [tilespmem:v18+s3+$0x0], $0xffff  }
0x93: {  	v20 =	vor.u32 $0x29, v1;
	_ =	sdelay $0x3  }
0x94: {  	[tilespmem:v19+s11+$0x0] =	vst.idx.msk $0xffff, v3  }
0x95: {  	v21 =	vor.u32 $0x29, v2;
	v3 =	vld.idx.msk [tilespmem:v20+s3+$0x0], $0xffff  }
0x96: {  	v22 =	vor.u32 $0x2A, v1;
	_ =	sdelay $0x3  }
0x97: {  	[tilespmem:v21+s11+$0x0] =	vst.idx.msk $0xffff, v3  }
0x98: {  	v23 =	vor.u32 $0x2A, v2;
	v3 =	vld.idx.msk [tilespmem:v22+s3+$0x0], $0xffff  }
0x99: {  	v24 =	vor.u32 $0x2B, v1;
	_ =	sdelay $0x3  }
0x9a: {  	[tilespmem:v23+s11+$0x0] =	vst.idx.msk $0xffff, v3  }
0x9b: {  	v25 =	vor.u32 $0x2B, v2;
	v3 =	vld.idx.msk [tilespmem:v24+s3+$0x0], $0xffff  }
0x9c: {  	v26 =	vor.u32 $0x2C, v1;
	_ =	sdelay $0x3  }
0x9d: {  	[tilespmem:v25+s11+$0x0] =	vst.idx.msk $0xffff, v3  }
0x9e: {  	v27 =	vor.u32 $0x2C, v2;
	v3 =	vld.idx.msk [tilespmem:v26+s3+$0x0], $0xffff  }
0x9f: {  	v28 =	vor.u32 $0x2D, v1;
	_ =	sdelay $0x3  }
0xa0: {  	[tilespmem:v27+s11+$0x0] =	vst.idx.msk $0xffff, v3  }
0xa1: {  	v29 =	vor.u32 $0x2D, v2;
	v3 =	vld.idx.msk [tilespmem:v28+s3+$0x0], $0xffff  }
0xa2: {  	v30 =	vor.u32 $0x2E, v1;
	_ =	sdelay $0x3  }
0xa3: {  	[tilespmem:v29+s11+$0x0] =	vst.idx.msk $0xffff, v3  }
0xa4: {  	v31 =	vor.u32 $0x2E, v2;
	v3 =	vld.idx.msk [tilespmem:v30+s3+$0x0], $0xffff  }
0xa5: {  	v32 =	vor.u32 $0x2F, v1;
	_ =	sdelay $0x3  }
0xa6: {  	[tilespmem:v31+s11+$0x0] =	vst.idx.msk $0xffff, v3  }
0xa7: {  	v33 =	vor.u32 $0x2F, v2;
	v3 =	vld.idx.msk [tilespmem:v32+s3+$0x0], $0xffff  }
0xa8: {  	v34 =	vor.u32 $0x30, v1;
	_ =	sdelay $0x3  }
0xa9: {  	[tilespmem:v33+s11+$0x0] =	vst.idx.msk $0xffff, v3  }
0xaa: {  	v35 =	vor.u32 $0x30, v2;
	v3 =	vld.idx.msk [tilespmem:v34+s3+$0x0], $0xffff  }
0xab: {  	v36 =	vor.u32 $0x31, v1;
	_ =	sdelay $0x3  }
0xac: {  	[tilespmem:v35+s11+$0x0] =	vst.idx.msk $0xffff, v3  }
0xad: {  	v37 =	vor.u32 $0x31, v2;
	v3 =	vld.idx.msk [tilespmem:v36+s3+$0x0], $0xffff  }
0xae: {  	v38 =	vor.u32 $0x32, v1;
	_ =	sdelay $0x3  }
0xaf: {  	[tilespmem:v37+s11+$0x0] =	vst.idx.msk $0xffff, v3  }
0xb0: {  	v39 =	vor.u32 $0x32, v2;
	v3 =	vld.idx.msk [tilespmem:v38+s3+$0x0], $0xffff  }
0xb1: {  	v40 =	vor.u32 $0x33, v1;
	_ =	sdelay $0x3  }
0xb2: {  	[tilespmem:v39+s11+$0x0] =	vst.idx.msk $0xffff, v3  }
0xb3: {  	v41 =	vor.u32 $0x33, v2;
	v3 =	vld.idx.msk [tilespmem:v40+s3+$0x0], $0xffff  }
0xb4: {  	v42 =	vor.u32 $0x34, v1;
	_ =	sdelay $0x3  }
0xb5: {  	[tilespmem:v41+s11+$0x0] =	vst.idx.msk $0xffff, v3  }
0xb6: {  	v43 =	vor.u32 $0x34, v2;
	v3 =	vld.idx.msk [tilespmem:v42+s3+$0x0], $0xffff  }
0xb7: {  	v44 =	vor.u32 $0x35, v1;
	_ =	sdelay $0x3  }
0xb8: {  	[tilespmem:v43+s11+$0x0] =	vst.idx.msk $0xffff, v3  }
0xb9: {  	v45 =	vor.u32 $0x35, v2;
	v3 =	vld.idx.msk [tilespmem:v44+s3+$0x0], $0xffff  }
0xba: {  	v46 =	vor.u32 $0x36, v1;
	_ =	sdelay $0x3  }
0xbb: {  	[tilespmem:v45+s11+$0x0] =	vst.idx.msk $0xffff, v3  }
0xbc: {  	v47 =	vor.u32 $0x36, v2;
	v3 =	vld.idx.msk [tilespmem:v46+s3+$0x0], $0xffff  }
0xbd: {  	v48 =	vor.u32 $0x37, v1;
	_ =	sdelay $0x3  }
0xbe: {  	[tilespmem:v47+s11+$0x0] =	vst.idx.msk $0xffff, v3  }
0xbf: {  	v49 =	vor.u32 $0x37, v2;
	v3 =	vld.idx.msk [tilespmem:v48+s3+$0x0], $0xffff  }
0xc0: {  	v50 =	vor.u32 $0x38, v1;
	_ =	sdelay $0x3  }
0xc1: {  	[tilespmem:v49+s11+$0x0] =	vst.idx.msk $0xffff, v3  }
0xc2: {  	v51 =	vor.u32 $0x38, v2;
	v3 =	vld.idx.msk [tilespmem:v50+s3+$0x0], $0xffff  }
0xc3: {  	v52 =	vor.u32 $0x39, v1;
	_ =	sdelay $0x3  }
0xc4: {  	[tilespmem:v51+s11+$0x0] =	vst.idx.msk $0xffff, v3  }
0xc5: {  	v53 =	vor.u32 $0x39, v2;
	v3 =	vld.idx.msk [tilespmem:v52+s3+$0x0], $0xffff  }
0xc6: {  	v54 =	vor.u32 $0x3A, v1;
	_ =	sdelay $0x3  }
0xc7: {  	[tilespmem:v53+s11+$0x0] =	vst.idx.msk $0xffff, v3  }
0xc8: {  	v55 =	vor.u32 $0x3A, v2;
	v3 =	vld.idx.msk [tilespmem:v54+s3+$0x0], $0xffff  }
0xc9: {  	v56 =	vor.u32 $0x3B, v1;
	_ =	sdelay $0x3  }
0xca: {  	[tilespmem:v55+s11+$0x0] =	vst.idx.msk $0xffff, v3  }
0xcb: {  	v57 =	vor.u32 $0x3B, v2;
	v3 =	vld.idx.msk [tilespmem:v56+s3+$0x0], $0xffff  }
0xcc: {  	v58 =	vor.u32 $0x3C, v1;
	_ =	sdelay $0x3  }
0xcd: {  	[tilespmem:v57+s11+$0x0] =	vst.idx.msk $0xffff, v3  }
0xce: {  	v59 =	vor.u32 $0x3C, v2;
	v3 =	vld.idx.msk [tilespmem:v58+s3+$0x0], $0xffff  }
0xcf: {  	v60 =	vor.u32 $0x3D, v1;
	_ =	sdelay $0x3  }
0xd0: {  	[tilespmem:v59+s11+$0x0] =	vst.idx.msk $0xffff, v3  }
0xd1: {  	v61 =	vor.u32 $0x3D, v2;
	v3 =	vld.idx.msk [tilespmem:v60+s3+$0x0], $0xffff  }
0xd2: {  	v62 =	vor.u32 $0x3E, v1;
	_ =	sdelay $0x3  }
0xd3: {  	[tilespmem:v61+s11+$0x0] =	vst.idx.msk $0xffff, v3  }
0xd4: {  	v63 =	vor.u32 $0x3E, v2;
	v3 =	vld.idx.msk [tilespmem:v62+s3+$0x0], $0xffff  }
0xd5: {  	v1 =	vor.u32 $0x3F, v1;
	_ =	sdelay $0x3  }
0xd6: {  	[tilespmem:v63+s11+$0x0] =	vst.idx.msk $0xffff, v3  }
0xd7: {  	p0 =	sne.s32 s18, $0x70;
	v2 =	vor.u32 $0x3F, v2;
	v1 =	vld.idx.msk [tilespmem:v1+s3+$0x0], $0xffff  }
.Ltmp0:
0xd8: {  	_ = 	snop;
	(pc) =	sbr.rel @p0 .LBB2_2-.Ltmp0, $2  }
0xd9: {  	_ =	sdelay $0x2  }
0xda: {  	s17 =	sadd.s32 $0x10, s17;
	s18 =	sadd.s32 $0x10, s18;
	[tilespmem:v2+s11+$0x0] =	vst.idx.msk $0xffff, v1  }
0xdb: {  	[hbm4b:s5+s3] =	stream.linear.scatter [tilespmem:s11], [sflag:$0x1], $0x4000, $0x38;
	[tilespmem:$0x10300] =	vst v63  }
0xdc: {  	s17 =	simm.s32 $0x80;
	s18 =	simm.s32 $0x180  }
.LBB2_4:
0xdd: {  	v1 =	vld [tilespmem:s18+$0x0];
	_ =	sdelay $0x4  }
0xde: {  	v1 =	vshll.u32 v1, $0x7;
	_ =	sdelay $0x2  }
0xdf: {  	v2 =	vmov s17  }
0xe0: {  	v2 =	vshll.u32 v2, $0x7  }
0xe1: {  	v2 =	vor.u32 v0, v2;
	v3 =	vld.idx.msk [tilespmem:v1+s3+$0x0], $0xffff  }
0xe2: {  	v4 =	vor.u32 $0x1, v1;
	_ =	sdelay $0x3  }
0xe3: {  	[tilespmem:v2+s11+$0x0] =	vst.idx.msk $0xffff, v3  }
0xe4: {  	v54 =	vor.u32 $0x1, v2;
	v3 =	vld.idx.msk [tilespmem:v4+s3+$0x0], $0xffff  }
0xe5: {  	v5 =	vor.u32 $0x2, v1;
	_ =	sdelay $0x3  }
0xe6: {  	[tilespmem:v54+s11+$0x0] =	vst.idx.msk $0xffff, v3  }
0xe7: {  	v55 =	vor.u32 $0x2, v2;
	v3 =	vld.idx.msk [tilespmem:v5+s3+$0x0], $0xffff  }
0xe8: {  	v56 =	vor.u32 $0x3, v1;
	_ =	sdelay $0x3  }
0xe9: {  	[tilespmem:v55+s11+$0x0] =	vst.idx.msk $0xffff, v3  }
0xea: {  	v57 =	vor.u32 $0x3, v2;
	v3 =	vld.idx.msk [tilespmem:v56+s3+$0x0], $0xffff  }
0xeb: {  	v58 =	vor.u32 $0x4, v1;
	_ =	sdelay $0x3  }
0xec: {  	[tilespmem:v57+s11+$0x0] =	vst.idx.msk $0xffff, v3  }
0xed: {  	v59 =	vor.u32 $0x4, v2;
	v3 =	vld.idx.msk [tilespmem:v58+s3+$0x0], $0xffff  }
0xee: {  	v60 =	vor.u32 $0x5, v1;
	_ =	sdelay $0x3  }
0xef: {  	[tilespmem:v59+s11+$0x0] =	vst.idx.msk $0xffff, v3  }
0xf0: {  	v61 =	vor.u32 $0x5, v2;
	v3 =	vld.idx.msk [tilespmem:v60+s3+$0x0], $0xffff  }
0xf1: {  	v62 =	vor.u32 $0x6, v1;
	_ =	sdelay $0x3  }
0xf2: {  	[tilespmem:v61+s11+$0x0] =	vst.idx.msk $0xffff, v3  }
0xf3: {  	v63 =	vor.u32 $0x6, v2;
	v3 =	vld.idx.msk [tilespmem:v62+s3+$0x0], $0xffff  }
0xf4: {  	v8 =	vor.u32 $0x7, v1;
	_ =	sdelay $0x3  }
0xf5: {  	[tilespmem:v63+s11+$0x0] =	vst.idx.msk $0xffff, v3  }
0xf6: {  	v9 =	vor.u32 $0x7, v2;
	v3 =	vld.idx.msk [tilespmem:v8+s3+$0x0], $0xffff  }
0xf7: {  	v10 =	vor.u32 $0x8, v1;
	_ =	sdelay $0x3  }
0xf8: {  	[tilespmem:v9+s11+$0x0] =	vst.idx.msk $0xffff, v3  }
0xf9: {  	v11 =	vor.u32 $0x8, v2;
	v3 =	vld.idx.msk [tilespmem:v10+s3+$0x0], $0xffff  }
0xfa: {  	v12 =	vor.u32 $0x9, v1;
	_ =	sdelay $0x3  }
0xfb: {  	[tilespmem:v11+s11+$0x0] =	vst.idx.msk $0xffff, v3  }
0xfc: {  	v13 =	vor.u32 $0x9, v2;
	v3 =	vld.idx.msk [tilespmem:v12+s3+$0x0], $0xffff  }
0xfd: {  	v14 =	vor.u32 $0xA, v1;
	_ =	sdelay $0x3  }
0xfe: {  	[tilespmem:v13+s11+$0x0] =	vst.idx.msk $0xffff, v3  }
0xff: {  	v15 =	vor.u32 $0xA, v2;
	v3 =	vld.idx.msk [tilespmem:v14+s3+$0x0], $0xffff  }
0x100: {  	v16 =	vor.u32 $0xB, v1;
	_ =	sdelay $0x3  }
0x101: {  	[tilespmem:v15+s11+$0x0] =	vst.idx.msk $0xffff, v3  }
0x102: {  	v17 =	vor.u32 $0xB, v2;
	v3 =	vld.idx.msk [tilespmem:v16+s3+$0x0], $0xffff  }
0x103: {  	v18 =	vor.u32 $0xC, v1;
	_ =	sdelay $0x3  }
0x104: {  	[tilespmem:v17+s11+$0x0] =	vst.idx.msk $0xffff, v3  }
0x105: {  	v19 =	vor.u32 $0xC, v2;
	v3 =	vld.idx.msk [tilespmem:v18+s3+$0x0], $0xffff  }
0x106: {  	v20 =	vor.u32 $0xD, v1;
	_ =	sdelay $0x3  }
0x107: {  	[tilespmem:v19+s11+$0x0] =	vst.idx.msk $0xffff, v3  }
0x108: {  	v21 =	vor.u32 $0xD, v2;
	v3 =	vld.idx.msk [tilespmem:v20+s3+$0x0], $0xffff  }
0x109: {  	v22 =	vor.u32 $0xE, v1;
	_ =	sdelay $0x3  }
0x10a: {  	[tilespmem:v21+s11+$0x0] =	vst.idx.msk $0xffff, v3  }
0x10b: {  	v23 =	vor.u32 $0xE, v2;
	v3 =	vld.idx.msk [tilespmem:v22+s3+$0x0], $0xffff  }
0x10c: {  	v24 =	vor.u32 $0xF, v1;
	_ =	sdelay $0x3  }
0x10d: {  	[tilespmem:v23+s11+$0x0] =	vst.idx.msk $0xffff, v3  }
0x10e: {  	v25 =	vor.u32 $0xF, v2;
	v3 =	vld.idx.msk [tilespmem:v24+s3+$0x0], $0xffff  }
0x10f: {  	v26 =	vor.u32 $0x10, v1;
	_ =	sdelay $0x3  }
0x110: {  	[tilespmem:v25+s11+$0x0] =	vst.idx.msk $0xffff, v3  }
0x111: {  	v27 =	vor.u32 $0x10, v2;
	v3 =	vld.idx.msk [tilespmem:v26+s3+$0x0], $0xffff  }
0x112: {  	v28 =	vor.u32 $0x11, v1;
	_ =	sdelay $0x3  }
0x113: {  	[tilespmem:v27+s11+$0x0] =	vst.idx.msk $0xffff, v3  }
0x114: {  	v29 =	vor.u32 $0x11, v2;
	v3 =	vld.idx.msk [tilespmem:v28+s3+$0x0], $0xffff  }
0x115: {  	v30 =	vor.u32 $0x12, v1;
	_ =	sdelay $0x3  }
0x116: {  	[tilespmem:v29+s11+$0x0] =	vst.idx.msk $0xffff, v3  }
0x117: {  	v31 =	vor.u32 $0x12, v2;
	v3 =	vld.idx.msk [tilespmem:v30+s3+$0x0], $0xffff  }
0x118: {  	v32 =	vor.u32 $0x13, v1;
	_ =	sdelay $0x3  }
0x119: {  	[tilespmem:v31+s11+$0x0] =	vst.idx.msk $0xffff, v3  }
0x11a: {  	v33 =	vor.u32 $0x13, v2;
	v3 =	vld.idx.msk [tilespmem:v32+s3+$0x0], $0xffff  }
0x11b: {  	v34 =	vor.u32 $0x14, v1;
	_ =	sdelay $0x3  }
0x11c: {  	[tilespmem:v33+s11+$0x0] =	vst.idx.msk $0xffff, v3  }
0x11d: {  	v35 =	vor.u32 $0x14, v2;
	v3 =	vld.idx.msk [tilespmem:v34+s3+$0x0], $0xffff  }
0x11e: {  	v36 =	vor.u32 $0x15, v1;
	_ =	sdelay $0x3  }
0x11f: {  	[tilespmem:v35+s11+$0x0] =	vst.idx.msk $0xffff, v3  }
0x120: {  	v37 =	vor.u32 $0x15, v2;
	v3 =	vld.idx.msk [tilespmem:v36+s3+$0x0], $0xffff  }
0x121: {  	v38 =	vor.u32 $0x16, v1;
	_ =	sdelay $0x3  }
0x122: {  	[tilespmem:v37+s11+$0x0] =	vst.idx.msk $0xffff, v3  }
0x123: {  	v39 =	vor.u32 $0x16, v2;
	v3 =	vld.idx.msk [tilespmem:v38+s3+$0x0], $0xffff  }
0x124: {  	v40 =	vor.u32 $0x17, v1;
	_ =	sdelay $0x3  }
0x125: {  	[tilespmem:v39+s11+$0x0] =	vst.idx.msk $0xffff, v3  }
0x126: {  	v41 =	vor.u32 $0x17, v2;
	v3 =	vld.idx.msk [tilespmem:v40+s3+$0x0], $0xffff  }
0x127: {  	v42 =	vor.u32 $0x18, v1;
	_ =	sdelay $0x3  }
0x128: {  	[tilespmem:v41+s11+$0x0] =	vst.idx.msk $0xffff, v3  }
0x129: {  	v43 =	vor.u32 $0x18, v2;
	v3 =	vld.idx.msk [tilespmem:v42+s3+$0x0], $0xffff  }
0x12a: {  	v44 =	vor.u32 $0x19, v1;
	_ =	sdelay $0x3  }
0x12b: {  	[tilespmem:v43+s11+$0x0] =	vst.idx.msk $0xffff, v3  }
0x12c: {  	v45 =	vor.u32 $0x19, v2;
	v3 =	vld.idx.msk [tilespmem:v44+s3+$0x0], $0xffff  }
0x12d: {  	v46 =	vor.u32 $0x1A, v1;
	_ =	sdelay $0x3  }
0x12e: {  	[tilespmem:v45+s11+$0x0] =	vst.idx.msk $0xffff, v3  }
0x12f: {  	v47 =	vor.u32 $0x1A, v2;
	v3 =	vld.idx.msk [tilespmem:v46+s3+$0x0], $0xffff  }
0x130: {  	v48 =	vor.u32 $0x1B, v1;
	_ =	sdelay $0x3  }
0x131: {  	[tilespmem:v47+s11+$0x0] =	vst.idx.msk $0xffff, v3  }
0x132: {  	v49 =	vor.u32 $0x1B, v2;
	v3 =	vld.idx.msk [tilespmem:v48+s3+$0x0], $0xffff  }
0x133: {  	v50 =	vor.u32 $0x1C, v1;
	_ =	sdelay $0x3  }
0x134: {  	[tilespmem:v49+s11+$0x0] =	vst.idx.msk $0xffff, v3  }
0x135: {  	v51 =	vor.u32 $0x1C, v2;
	v3 =	vld.idx.msk [tilespmem:v50+s3+$0x0], $0xffff  }
0x136: {  	v52 =	vor.u32 $0x1D, v1;
	_ =	sdelay $0x3  }
0x137: {  	[tilespmem:v51+s11+$0x0] =	vst.idx.msk $0xffff, v3  }
0x138: {  	v53 =	vor.u32 $0x1D, v2;
	v3 =	vld.idx.msk [tilespmem:v52+s3+$0x0], $0xffff  }
0x139: {  	v54 =	vor.u32 $0x1E, v1;
	_ =	sdelay $0x3  }
0x13a: {  	[tilespmem:v53+s11+$0x0] =	vst.idx.msk $0xffff, v3  }
0x13b: {  	v55 =	vor.u32 $0x1E, v2;
	v3 =	vld.idx.msk [tilespmem:v54+s3+$0x0], $0xffff  }
0x13c: {  	v56 =	vor.u32 $0x1F, v1;
	_ =	sdelay $0x3  }
0x13d: {  	[tilespmem:v55+s11+$0x0] =	vst.idx.msk $0xffff, v3  }
0x13e: {  	v57 =	vor.u32 $0x1F, v2;
	v3 =	vld.idx.msk [tilespmem:v56+s3+$0x0], $0xffff  }
0x13f: {  	v58 =	vor.u32 $0x20, v1;
	_ =	sdelay $0x3  }
0x140: {  	[tilespmem:v57+s11+$0x0] =	vst.idx.msk $0xffff, v3  }
0x141: {  	v59 =	vor.u32 $0x20, v2;
	v3 =	vld.idx.msk [tilespmem:v58+s3+$0x0], $0xffff  }
0x142: {  	v60 =	vor.u32 $0x21, v1;
	_ =	sdelay $0x3  }
0x143: {  	[tilespmem:v59+s11+$0x0] =	vst.idx.msk $0xffff, v3  }
0x144: {  	v61 =	vor.u32 $0x21, v2;
	v3 =	vld.idx.msk [tilespmem:v60+s3+$0x0], $0xffff  }
0x145: {  	v62 =	vor.u32 $0x22, v1;
	_ =	sdelay $0x3  }
0x146: {  	[tilespmem:v61+s11+$0x0] =	vst.idx.msk $0xffff, v3  }
0x147: {  	v63 =	vor.u32 $0x22, v2;
	v3 =	vld.idx.msk [tilespmem:v62+s3+$0x0], $0xffff  }
0x148: {  	v8 =	vor.u32 $0x23, v1;
	_ =	sdelay $0x3  }
0x149: {  	[tilespmem:v63+s11+$0x0] =	vst.idx.msk $0xffff, v3  }
0x14a: {  	v9 =	vor.u32 $0x23, v2;
	v3 =	vld.idx.msk [tilespmem:v8+s3+$0x0], $0xffff  }
0x14b: {  	v10 =	vor.u32 $0x24, v1;
	_ =	sdelay $0x3  }
0x14c: {  	[tilespmem:v9+s11+$0x0] =	vst.idx.msk $0xffff, v3  }
0x14d: {  	v11 =	vor.u32 $0x24, v2;
	v3 =	vld.idx.msk [tilespmem:v10+s3+$0x0], $0xffff  }
0x14e: {  	v12 =	vor.u32 $0x25, v1;
	_ =	sdelay $0x3  }
0x14f: {  	[tilespmem:v11+s11+$0x0] =	vst.idx.msk $0xffff, v3  }
0x150: {  	v13 =	vor.u32 $0x25, v2;
	v3 =	vld.idx.msk [tilespmem:v12+s3+$0x0], $0xffff  }
0x151: {  	v14 =	vor.u32 $0x26, v1;
	_ =	sdelay $0x3  }
0x152: {  	[tilespmem:v13+s11+$0x0] =	vst.idx.msk $0xffff, v3  }
0x153: {  	v15 =	vor.u32 $0x26, v2;
	v3 =	vld.idx.msk [tilespmem:v14+s3+$0x0], $0xffff  }
0x154: {  	v16 =	vor.u32 $0x27, v1;
	_ =	sdelay $0x3  }
0x155: {  	[tilespmem:v15+s11+$0x0] =	vst.idx.msk $0xffff, v3  }
0x156: {  	v17 =	vor.u32 $0x27, v2;
	v3 =	vld.idx.msk [tilespmem:v16+s3+$0x0], $0xffff  }
0x157: {  	v18 =	vor.u32 $0x28, v1;
	_ =	sdelay $0x3  }
0x158: {  	[tilespmem:v17+s11+$0x0] =	vst.idx.msk $0xffff, v3  }
0x159: {  	v19 =	vor.u32 $0x28, v2;
	v3 =	vld.idx.msk [tilespmem:v18+s3+$0x0], $0xffff  }
0x15a: {  	v20 =	vor.u32 $0x29, v1;
	_ =	sdelay $0x3  }
0x15b: {  	[tilespmem:v19+s11+$0x0] =	vst.idx.msk $0xffff, v3  }
0x15c: {  	v21 =	vor.u32 $0x29, v2;
	v3 =	vld.idx.msk [tilespmem:v20+s3+$0x0], $0xffff  }
0x15d: {  	v22 =	vor.u32 $0x2A, v1;
	_ =	sdelay $0x3  }
0x15e: {  	[tilespmem:v21+s11+$0x0] =	vst.idx.msk $0xffff, v3  }
0x15f: {  	v23 =	vor.u32 $0x2A, v2;
	v3 =	vld.idx.msk [tilespmem:v22+s3+$0x0], $0xffff  }
0x160: {  	v24 =	vor.u32 $0x2B, v1;
	_ =	sdelay $0x3  }
0x161: {  	[tilespmem:v23+s11+$0x0] =	vst.idx.msk $0xffff, v3  }
0x162: {  	v25 =	vor.u32 $0x2B, v2;
	v3 =	vld.idx.msk [tilespmem:v24+s3+$0x0], $0xffff  }
0x163: {  	v26 =	vor.u32 $0x2C, v1;
	_ =	sdelay $0x3  }
0x164: {  	[tilespmem:v25+s11+$0x0] =	vst.idx.msk $0xffff, v3  }
0x165: {  	v27 =	vor.u32 $0x2C, v2;
	v3 =	vld.idx.msk [tilespmem:v26+s3+$0x0], $0xffff  }
0x166: {  	v28 =	vor.u32 $0x2D, v1;
	_ =	sdelay $0x3  }
0x167: {  	[tilespmem:v27+s11+$0x0] =	vst.idx.msk $0xffff, v3  }
0x168: {  	v29 =	vor.u32 $0x2D, v2;
	v3 =	vld.idx.msk [tilespmem:v28+s3+$0x0], $0xffff  }
0x169: {  	v30 =	vor.u32 $0x2E, v1;
	_ =	sdelay $0x3  }
0x16a: {  	[tilespmem:v29+s11+$0x0] =	vst.idx.msk $0xffff, v3  }
0x16b: {  	v31 =	vor.u32 $0x2E, v2;
	v3 =	vld.idx.msk [tilespmem:v30+s3+$0x0], $0xffff  }
0x16c: {  	v32 =	vor.u32 $0x2F, v1;
	_ =	sdelay $0x3  }
0x16d: {  	[tilespmem:v31+s11+$0x0] =	vst.idx.msk $0xffff, v3  }
0x16e: {  	v33 =	vor.u32 $0x2F, v2;
	v3 =	vld.idx.msk [tilespmem:v32+s3+$0x0], $0xffff  }
0x16f: {  	v34 =	vor.u32 $0x30, v1;
	_ =	sdelay $0x3  }
0x170: {  	[tilespmem:v33+s11+$0x0] =	vst.idx.msk $0xffff, v3  }
0x171: {  	v35 =	vor.u32 $0x30, v2;
	v3 =	vld.idx.msk [tilespmem:v34+s3+$0x0], $0xffff  }
0x172: {  	v36 =	vor.u32 $0x31, v1;
	_ =	sdelay $0x3  }
0x173: {  	[tilespmem:v35+s11+$0x0] =	vst.idx.msk $0xffff, v3  }
0x174: {  	v37 =	vor.u32 $0x31, v2;
	v3 =	vld.idx.msk [tilespmem:v36+s3+$0x0], $0xffff  }
0x175: {  	v38 =	vor.u32 $0x32, v1;
	_ =	sdelay $0x3  }
0x176: {  	[tilespmem:v37+s11+$0x0] =	vst.idx.msk $0xffff, v3  }
0x177: {  	v39 =	vor.u32 $0x32, v2;
	v3 =	vld.idx.msk [tilespmem:v38+s3+$0x0], $0xffff  }
0x178: {  	v40 =	vor.u32 $0x33, v1;
	_ =	sdelay $0x3  }
0x179: {  	[tilespmem:v39+s11+$0x0] =	vst.idx.msk $0xffff, v3  }
0x17a: {  	v41 =	vor.u32 $0x33, v2;
	v3 =	vld.idx.msk [tilespmem:v40+s3+$0x0], $0xffff  }
0x17b: {  	v42 =	vor.u32 $0x34, v1;
	_ =	sdelay $0x3  }
0x17c: {  	[tilespmem:v41+s11+$0x0] =	vst.idx.msk $0xffff, v3  }
0x17d: {  	v43 =	vor.u32 $0x34, v2;
	v3 =	vld.idx.msk [tilespmem:v42+s3+$0x0], $0xffff  }
0x17e: {  	v44 =	vor.u32 $0x35, v1;
	_ =	sdelay $0x3  }
0x17f: {  	[tilespmem:v43+s11+$0x0] =	vst.idx.msk $0xffff, v3  }
0x180: {  	v45 =	vor.u32 $0x35, v2;
	v3 =	vld.idx.msk [tilespmem:v44+s3+$0x0], $0xffff  }
0x181: {  	v46 =	vor.u32 $0x36, v1;
	_ =	sdelay $0x3  }
0x182: {  	[tilespmem:v45+s11+$0x0] =	vst.idx.msk $0xffff, v3  }
0x183: {  	v47 =	vor.u32 $0x36, v2;
	v3 =	vld.idx.msk [tilespmem:v46+s3+$0x0], $0xffff  }
0x184: {  	v48 =	vor.u32 $0x37, v1;
	_ =	sdelay $0x3  }
0x185: {  	[tilespmem:v47+s11+$0x0] =	vst.idx.msk $0xffff, v3  }
0x186: {  	v49 =	vor.u32 $0x37, v2;
	v3 =	vld.idx.msk [tilespmem:v48+s3+$0x0], $0xffff  }
0x187: {  	v50 =	vor.u32 $0x38, v1;
	_ =	sdelay $0x3  }
0x188: {  	[tilespmem:v49+s11+$0x0] =	vst.idx.msk $0xffff, v3  }
0x189: {  	v51 =	vor.u32 $0x38, v2;
	v3 =	vld.idx.msk [tilespmem:v50+s3+$0x0], $0xffff  }
0x18a: {  	v52 =	vor.u32 $0x39, v1;
	_ =	sdelay $0x3  }
0x18b: {  	[tilespmem:v51+s11+$0x0] =	vst.idx.msk $0xffff, v3  }
0x18c: {  	v53 =	vor.u32 $0x39, v2;
	v3 =	vld.idx.msk [tilespmem:v52+s3+$0x0], $0xffff  }
0x18d: {  	v54 =	vor.u32 $0x3A, v1;
	_ =	sdelay $0x3  }
0x18e: {  	[tilespmem:v53+s11+$0x0] =	vst.idx.msk $0xffff, v3  }
0x18f: {  	v55 =	vor.u32 $0x3A, v2;
	v3 =	vld.idx.msk [tilespmem:v54+s3+$0x0], $0xffff  }
0x190: {  	v56 =	vor.u32 $0x3B, v1;
	_ =	sdelay $0x3  }
0x191: {  	[tilespmem:v55+s11+$0x0] =	vst.idx.msk $0xffff, v3  }
0x192: {  	v57 =	vor.u32 $0x3B, v2;
	v3 =	vld.idx.msk [tilespmem:v56+s3+$0x0], $0xffff  }
0x193: {  	v58 =	vor.u32 $0x3C, v1;
	_ =	sdelay $0x3  }
0x194: {  	[tilespmem:v57+s11+$0x0] =	vst.idx.msk $0xffff, v3  }
0x195: {  	v59 =	vor.u32 $0x3C, v2;
	v3 =	vld.idx.msk [tilespmem:v58+s3+$0x0], $0xffff  }
0x196: {  	v60 =	vor.u32 $0x3D, v1;
	_ =	sdelay $0x3  }
0x197: {  	[tilespmem:v59+s11+$0x0] =	vst.idx.msk $0xffff, v3  }
0x198: {  	v61 =	vor.u32 $0x3D, v2;
	v3 =	vld.idx.msk [tilespmem:v60+s3+$0x0], $0xffff  }
0x199: {  	v62 =	vor.u32 $0x3E, v1;
	_ =	sdelay $0x3  }
0x19a: {  	[tilespmem:v61+s11+$0x0] =	vst.idx.msk $0xffff, v3  }
0x19b: {  	v63 =	vor.u32 $0x3E, v2;
	v3 =	vld.idx.msk [tilespmem:v62+s3+$0x0], $0xffff  }
0x19c: {  	v1 =	vor.u32 $0x3F, v1;
	_ =	sdelay $0x3  }
0x19d: {  	[tilespmem:v63+s11+$0x0] =	vst.idx.msk $0xffff, v3  }
0x19e: {  	p0 =	sne.s32 s17, $0xF0;
	v2 =	vor.u32 $0x3F, v2;
	v1 =	vld.idx.msk [tilespmem:v1+s3+$0x0], $0xffff  }
.Ltmp1:
0x19f: {  	_ = 	snop;
	(pc) =	sbr.rel @p0 .LBB2_4-.Ltmp1, $2  }
0x1a0: {  	_ =	sdelay $0x2  }
0x1a1: {  	s18 =	sadd.s32 $0x10, s18;
	s17 =	sadd.s32 $0x10, s17;
	[tilespmem:v2+s11+$0x0] =	vst.idx.msk $0xffff, v1  }
0x1a2: {  	[hbm4b:s6+s3] =	stream.linear.scatter [tilespmem:s12], [sflag:$0x1], $0x4000, $0x38;
	[tilespmem:$0x10300] =	vst v63  }
0x1a3: {  	s17 =	simm.s32 $0x100;
	s18 =	simm.s32 $0x200  }
.LBB2_6:
0x1a4: {  	v1 =	vld [tilespmem:s18+$0x0];
	_ =	sdelay $0x4  }
0x1a5: {  	v1 =	vshll.u32 v1, $0x7;
	_ =	sdelay $0x2  }
0x1a6: {  	v2 =	vmov s17  }
0x1a7: {  	v2 =	vshll.u32 v2, $0x7  }
0x1a8: {  	v2 =	vor.u32 v0, v2;
	v3 =	vld.idx.msk [tilespmem:v1+s3+$0x0], $0xffff  }
0x1a9: {  	v4 =	vor.u32 $0x1, v1;
	_ =	sdelay $0x3  }
0x1aa: {  	[tilespmem:v2+s11+$0x0] =	vst.idx.msk $0xffff, v3  }
0x1ab: {  	v54 =	vor.u32 $0x1, v2;
	v3 =	vld.idx.msk [tilespmem:v4+s3+$0x0], $0xffff  }
0x1ac: {  	v5 =	vor.u32 $0x2, v1;
	_ =	sdelay $0x3  }
0x1ad: {  	[tilespmem:v54+s11+$0x0] =	vst.idx.msk $0xffff, v3  }
0x1ae: {  	v55 =	vor.u32 $0x2, v2;
	v3 =	vld.idx.msk [tilespmem:v5+s3+$0x0], $0xffff  }
0x1af: {  	v56 =	vor.u32 $0x3, v1;
	_ =	sdelay $0x3  }
0x1b0: {  	[tilespmem:v55+s11+$0x0] =	vst.idx.msk $0xffff, v3  }
0x1b1: {  	v57 =	vor.u32 $0x3, v2;
	v3 =	vld.idx.msk [tilespmem:v56+s3+$0x0], $0xffff  }
0x1b2: {  	v58 =	vor.u32 $0x4, v1;
	_ =	sdelay $0x3  }
0x1b3: {  	[tilespmem:v57+s11+$0x0] =	vst.idx.msk $0xffff, v3  }
0x1b4: {  	v59 =	vor.u32 $0x4, v2;
	v3 =	vld.idx.msk [tilespmem:v58+s3+$0x0], $0xffff  }
0x1b5: {  	v60 =	vor.u32 $0x5, v1;
	_ =	sdelay $0x3  }
0x1b6: {  	[tilespmem:v59+s11+$0x0] =	vst.idx.msk $0xffff, v3  }
0x1b7: {  	v61 =	vor.u32 $0x5, v2;
	v3 =	vld.idx.msk [tilespmem:v60+s3+$0x0], $0xffff  }
0x1b8: {  	v62 =	vor.u32 $0x6, v1;
	_ =	sdelay $0x3  }
0x1b9: {  	[tilespmem:v61+s11+$0x0] =	vst.idx.msk $0xffff, v3  }
0x1ba: {  	v63 =	vor.u32 $0x6, v2;
	v3 =	vld.idx.msk [tilespmem:v62+s3+$0x0], $0xffff  }
0x1bb: {  	v8 =	vor.u32 $0x7, v1;
	_ =	sdelay $0x3  }
0x1bc: {  	[tilespmem:v63+s11+$0x0] =	vst.idx.msk $0xffff, v3  }
0x1bd: {  	v9 =	vor.u32 $0x7, v2;
	v3 =	vld.idx.msk [tilespmem:v8+s3+$0x0], $0xffff  }
0x1be: {  	v10 =	vor.u32 $0x8, v1;
	_ =	sdelay $0x3  }
0x1bf: {  	[tilespmem:v9+s11+$0x0] =	vst.idx.msk $0xffff, v3  }
0x1c0: {  	v11 =	vor.u32 $0x8, v2;
	v3 =	vld.idx.msk [tilespmem:v10+s3+$0x0], $0xffff  }
0x1c1: {  	v12 =	vor.u32 $0x9, v1;
	_ =	sdelay $0x3  }
0x1c2: {  	[tilespmem:v11+s11+$0x0] =	vst.idx.msk $0xffff, v3  }
0x1c3: {  	v13 =	vor.u32 $0x9, v2;
	v3 =	vld.idx.msk [tilespmem:v12+s3+$0x0], $0xffff  }
0x1c4: {  	v14 =	vor.u32 $0xA, v1;
	_ =	sdelay $0x3  }
0x1c5: {  	[tilespmem:v13+s11+$0x0] =	vst.idx.msk $0xffff, v3  }
0x1c6: {  	v15 =	vor.u32 $0xA, v2;
	v3 =	vld.idx.msk [tilespmem:v14+s3+$0x0], $0xffff  }
0x1c7: {  	v16 =	vor.u32 $0xB, v1;
	_ =	sdelay $0x3  }
0x1c8: {  	[tilespmem:v15+s11+$0x0] =	vst.idx.msk $0xffff, v3  }
0x1c9: {  	v17 =	vor.u32 $0xB, v2;
	v3 =	vld.idx.msk [tilespmem:v16+s3+$0x0], $0xffff  }
0x1ca: {  	v18 =	vor.u32 $0xC, v1;
	_ =	sdelay $0x3  }
0x1cb: {  	[tilespmem:v17+s11+$0x0] =	vst.idx.msk $0xffff, v3  }
0x1cc: {  	v19 =	vor.u32 $0xC, v2;
	v3 =	vld.idx.msk [tilespmem:v18+s3+$0x0], $0xffff  }
0x1cd: {  	v20 =	vor.u32 $0xD, v1;
	_ =	sdelay $0x3  }
0x1ce: {  	[tilespmem:v19+s11+$0x0] =	vst.idx.msk $0xffff, v3  }
0x1cf: {  	v21 =	vor.u32 $0xD, v2;
	v3 =	vld.idx.msk [tilespmem:v20+s3+$0x0], $0xffff  }
0x1d0: {  	v22 =	vor.u32 $0xE, v1;
	_ =	sdelay $0x3  }
0x1d1: {  	[tilespmem:v21+s11+$0x0] =	vst.idx.msk $0xffff, v3  }
0x1d2: {  	v23 =	vor.u32 $0xE, v2;
	v3 =	vld.idx.msk [tilespmem:v22+s3+$0x0], $0xffff  }
0x1d3: {  	v24 =	vor.u32 $0xF, v1;
	_ =	sdelay $0x3  }
0x1d4: {  	[tilespmem:v23+s11+$0x0] =	vst.idx.msk $0xffff, v3  }
0x1d5: {  	v25 =	vor.u32 $0xF, v2;
	v3 =	vld.idx.msk [tilespmem:v24+s3+$0x0], $0xffff  }
0x1d6: {  	v26 =	vor.u32 $0x10, v1;
	_ =	sdelay $0x3  }
0x1d7: {  	[tilespmem:v25+s11+$0x0] =	vst.idx.msk $0xffff, v3  }
0x1d8: {  	v27 =	vor.u32 $0x10, v2;
	v3 =	vld.idx.msk [tilespmem:v26+s3+$0x0], $0xffff  }
0x1d9: {  	v28 =	vor.u32 $0x11, v1;
	_ =	sdelay $0x3  }
0x1da: {  	[tilespmem:v27+s11+$0x0] =	vst.idx.msk $0xffff, v3  }
0x1db: {  	v29 =	vor.u32 $0x11, v2;
	v3 =	vld.idx.msk [tilespmem:v28+s3+$0x0], $0xffff  }
0x1dc: {  	v30 =	vor.u32 $0x12, v1;
	_ =	sdelay $0x3  }
0x1dd: {  	[tilespmem:v29+s11+$0x0] =	vst.idx.msk $0xffff, v3  }
0x1de: {  	v31 =	vor.u32 $0x12, v2;
	v3 =	vld.idx.msk [tilespmem:v30+s3+$0x0], $0xffff  }
0x1df: {  	v32 =	vor.u32 $0x13, v1;
	_ =	sdelay $0x3  }
0x1e0: {  	[tilespmem:v31+s11+$0x0] =	vst.idx.msk $0xffff, v3  }
0x1e1: {  	v33 =	vor.u32 $0x13, v2;
	v3 =	vld.idx.msk [tilespmem:v32+s3+$0x0], $0xffff  }
0x1e2: {  	v34 =	vor.u32 $0x14, v1;
	_ =	sdelay $0x3  }
0x1e3: {  	[tilespmem:v33+s11+$0x0] =	vst.idx.msk $0xffff, v3  }
0x1e4: {  	v35 =	vor.u32 $0x14, v2;
	v3 =	vld.idx.msk [tilespmem:v34+s3+$0x0], $0xffff  }
0x1e5: {  	v36 =	vor.u32 $0x15, v1;
	_ =	sdelay $0x3  }
0x1e6: {  	[tilespmem:v35+s11+$0x0] =	vst.idx.msk $0xffff, v3  }
0x1e7: {  	v37 =	vor.u32 $0x15, v2;
	v3 =	vld.idx.msk [tilespmem:v36+s3+$0x0], $0xffff  }
0x1e8: {  	v38 =	vor.u32 $0x16, v1;
	_ =	sdelay $0x3  }
0x1e9: {  	[tilespmem:v37+s11+$0x0] =	vst.idx.msk $0xffff, v3  }
0x1ea: {  	v39 =	vor.u32 $0x16, v2;
	v3 =	vld.idx.msk [tilespmem:v38+s3+$0x0], $0xffff  }
0x1eb: {  	v40 =	vor.u32 $0x17, v1;
	_ =	sdelay $0x3  }
0x1ec: {  	[tilespmem:v39+s11+$0x0] =	vst.idx.msk $0xffff, v3  }
0x1ed: {  	v41 =	vor.u32 $0x17, v2;
	v3 =	vld.idx.msk [tilespmem:v40+s3+$0x0], $0xffff  }
0x1ee: {  	v42 =	vor.u32 $0x18, v1;
	_ =	sdelay $0x3  }
0x1ef: {  	[tilespmem:v41+s11+$0x0] =	vst.idx.msk $0xffff, v3  }
0x1f0: {  	v43 =	vor.u32 $0x18, v2;
	v3 =	vld.idx.msk [tilespmem:v42+s3+$0x0], $0xffff  }
0x1f1: {  	v44 =	vor.u32 $0x19, v1;
	_ =	sdelay $0x3  }
0x1f2: {  	[tilespmem:v43+s11+$0x0] =	vst.idx.msk $0xffff, v3  }
0x1f3: {  	v45 =	vor.u32 $0x19, v2;
	v3 =	vld.idx.msk [tilespmem:v44+s3+$0x0], $0xffff  }
0x1f4: {  	v46 =	vor.u32 $0x1A, v1;
	_ =	sdelay $0x3  }
0x1f5: {  	[tilespmem:v45+s11+$0x0] =	vst.idx.msk $0xffff, v3  }
0x1f6: {  	v47 =	vor.u32 $0x1A, v2;
	v3 =	vld.idx.msk [tilespmem:v46+s3+$0x0], $0xffff  }
0x1f7: {  	v48 =	vor.u32 $0x1B, v1;
	_ =	sdelay $0x3  }
0x1f8: {  	[tilespmem:v47+s11+$0x0] =	vst.idx.msk $0xffff, v3  }
0x1f9: {  	v49 =	vor.u32 $0x1B, v2;
	v3 =	vld.idx.msk [tilespmem:v48+s3+$0x0], $0xffff  }
0x1fa: {  	v50 =	vor.u32 $0x1C, v1;
	_ =	sdelay $0x3  }
0x1fb: {  	[tilespmem:v49+s11+$0x0] =	vst.idx.msk $0xffff, v3  }
0x1fc: {  	v51 =	vor.u32 $0x1C, v2;
	v3 =	vld.idx.msk [tilespmem:v50+s3+$0x0], $0xffff  }
0x1fd: {  	v52 =	vor.u32 $0x1D, v1;
	_ =	sdelay $0x3  }
0x1fe: {  	[tilespmem:v51+s11+$0x0] =	vst.idx.msk $0xffff, v3  }
0x1ff: {  	v53 =	vor.u32 $0x1D, v2;
	v3 =	vld.idx.msk [tilespmem:v52+s3+$0x0], $0xffff  }
0x200: {  	v54 =	vor.u32 $0x1E, v1;
	_ =	sdelay $0x3  }
0x201: {  	[tilespmem:v53+s11+$0x0] =	vst.idx.msk $0xffff, v3  }
0x202: {  	v55 =	vor.u32 $0x1E, v2;
	v3 =	vld.idx.msk [tilespmem:v54+s3+$0x0], $0xffff  }
0x203: {  	v56 =	vor.u32 $0x1F, v1;
	_ =	sdelay $0x3  }
0x204: {  	[tilespmem:v55+s11+$0x0] =	vst.idx.msk $0xffff, v3  }
0x205: {  	v57 =	vor.u32 $0x1F, v2;
	v3 =	vld.idx.msk [tilespmem:v56+s3+$0x0], $0xffff  }
0x206: {  	v58 =	vor.u32 $0x20, v1;
	_ =	sdelay $0x3  }
0x207: {  	[tilespmem:v57+s11+$0x0] =	vst.idx.msk $0xffff, v3  }
0x208: {  	v59 =	vor.u32 $0x20, v2;
	v3 =	vld.idx.msk [tilespmem:v58+s3+$0x0], $0xffff  }
0x209: {  	v60 =	vor.u32 $0x21, v1;
	_ =	sdelay $0x3  }
0x20a: {  	[tilespmem:v59+s11+$0x0] =	vst.idx.msk $0xffff, v3  }
0x20b: {  	v61 =	vor.u32 $0x21, v2;
	v3 =	vld.idx.msk [tilespmem:v60+s3+$0x0], $0xffff  }
0x20c: {  	v62 =	vor.u32 $0x22, v1;
	_ =	sdelay $0x3  }
0x20d: {  	[tilespmem:v61+s11+$0x0] =	vst.idx.msk $0xffff, v3  }
0x20e: {  	v63 =	vor.u32 $0x22, v2;
	v3 =	vld.idx.msk [tilespmem:v62+s3+$0x0], $0xffff  }
0x20f: {  	v8 =	vor.u32 $0x23, v1;
	_ =	sdelay $0x3  }
0x210: {  	[tilespmem:v63+s11+$0x0] =	vst.idx.msk $0xffff, v3  }
0x211: {  	v9 =	vor.u32 $0x23, v2;
	v3 =	vld.idx.msk [tilespmem:v8+s3+$0x0], $0xffff  }
0x212: {  	v10 =	vor.u32 $0x24, v1;
	_ =	sdelay $0x3  }
0x213: {  	[tilespmem:v9+s11+$0x0] =	vst.idx.msk $0xffff, v3  }
0x214: {  	v11 =	vor.u32 $0x24, v2;
	v3 =	vld.idx.msk [tilespmem:v10+s3+$0x0], $0xffff  }
0x215: {  	v12 =	vor.u32 $0x25, v1;
	_ =	sdelay $0x3  }
0x216: {  	[tilespmem:v11+s11+$0x0] =	vst.idx.msk $0xffff, v3  }
0x217: {  	v13 =	vor.u32 $0x25, v2;
	v3 =	vld.idx.msk [tilespmem:v12+s3+$0x0], $0xffff  }
0x218: {  	v14 =	vor.u32 $0x26, v1;
	_ =	sdelay $0x3  }
0x219: {  	[tilespmem:v13+s11+$0x0] =	vst.idx.msk $0xffff, v3  }
0x21a: {  	v15 =	vor.u32 $0x26, v2;
	v3 =	vld.idx.msk [tilespmem:v14+s3+$0x0], $0xffff  }
0x21b: {  	v16 =	vor.u32 $0x27, v1;
	_ =	sdelay $0x3  }
0x21c: {  	[tilespmem:v15+s11+$0x0] =	vst.idx.msk $0xffff, v3  }
0x21d: {  	v17 =	vor.u32 $0x27, v2;
	v3 =	vld.idx.msk [tilespmem:v16+s3+$0x0], $0xffff  }
0x21e: {  	v18 =	vor.u32 $0x28, v1;
	_ =	sdelay $0x3  }
0x21f: {  	[tilespmem:v17+s11+$0x0] =	vst.idx.msk $0xffff, v3  }
0x220: {  	v19 =	vor.u32 $0x28, v2;
	v3 =	vld.idx.msk [tilespmem:v18+s3+$0x0], $0xffff  }
0x221: {  	v20 =	vor.u32 $0x29, v1;
	_ =	sdelay $0x3  }
0x222: {  	[tilespmem:v19+s11+$0x0] =	vst.idx.msk $0xffff, v3  }
0x223: {  	v21 =	vor.u32 $0x29, v2;
	v3 =	vld.idx.msk [tilespmem:v20+s3+$0x0], $0xffff  }
0x224: {  	v22 =	vor.u32 $0x2A, v1;
	_ =	sdelay $0x3  }
0x225: {  	[tilespmem:v21+s11+$0x0] =	vst.idx.msk $0xffff, v3  }
0x226: {  	v23 =	vor.u32 $0x2A, v2;
	v3 =	vld.idx.msk [tilespmem:v22+s3+$0x0], $0xffff  }
0x227: {  	v24 =	vor.u32 $0x2B, v1;
	_ =	sdelay $0x3  }
0x228: {  	[tilespmem:v23+s11+$0x0] =	vst.idx.msk $0xffff, v3  }
0x229: {  	v25 =	vor.u32 $0x2B, v2;
	v3 =	vld.idx.msk [tilespmem:v24+s3+$0x0], $0xffff  }
0x22a: {  	v26 =	vor.u32 $0x2C, v1;
	_ =	sdelay $0x3  }
0x22b: {  	[tilespmem:v25+s11+$0x0] =	vst.idx.msk $0xffff, v3  }
0x22c: {  	v27 =	vor.u32 $0x2C, v2;
	v3 =	vld.idx.msk [tilespmem:v26+s3+$0x0], $0xffff  }
0x22d: {  	v28 =	vor.u32 $0x2D, v1;
	_ =	sdelay $0x3  }
0x22e: {  	[tilespmem:v27+s11+$0x0] =	vst.idx.msk $0xffff, v3  }
0x22f: {  	v29 =	vor.u32 $0x2D, v2;
	v3 =	vld.idx.msk [tilespmem:v28+s3+$0x0], $0xffff  }
0x230: {  	v30 =	vor.u32 $0x2E, v1;
	_ =	sdelay $0x3  }
0x231: {  	[tilespmem:v29+s11+$0x0] =	vst.idx.msk $0xffff, v3  }
0x232: {  	v31 =	vor.u32 $0x2E, v2;
	v3 =	vld.idx.msk [tilespmem:v30+s3+$0x0], $0xffff  }
0x233: {  	v32 =	vor.u32 $0x2F, v1;
	_ =	sdelay $0x3  }
0x234: {  	[tilespmem:v31+s11+$0x0] =	vst.idx.msk $0xffff, v3  }
0x235: {  	v33 =	vor.u32 $0x2F, v2;
	v3 =	vld.idx.msk [tilespmem:v32+s3+$0x0], $0xffff  }
0x236: {  	v34 =	vor.u32 $0x30, v1;
	_ =	sdelay $0x3  }
0x237: {  	[tilespmem:v33+s11+$0x0] =	vst.idx.msk $0xffff, v3  }
0x238: {  	v35 =	vor.u32 $0x30, v2;
	v3 =	vld.idx.msk [tilespmem:v34+s3+$0x0], $0xffff  }
0x239: {  	v36 =	vor.u32 $0x31, v1;
	_ =	sdelay $0x3  }
0x23a: {  	[tilespmem:v35+s11+$0x0] =	vst.idx.msk $0xffff, v3  }
0x23b: {  	v37 =	vor.u32 $0x31, v2;
	v3 =	vld.idx.msk [tilespmem:v36+s3+$0x0], $0xffff  }
0x23c: {  	v38 =	vor.u32 $0x32, v1;
	_ =	sdelay $0x3  }
0x23d: {  	[tilespmem:v37+s11+$0x0] =	vst.idx.msk $0xffff, v3  }
0x23e: {  	v39 =	vor.u32 $0x32, v2;
	v3 =	vld.idx.msk [tilespmem:v38+s3+$0x0], $0xffff  }
0x23f: {  	v40 =	vor.u32 $0x33, v1;
	_ =	sdelay $0x3  }
0x240: {  	[tilespmem:v39+s11+$0x0] =	vst.idx.msk $0xffff, v3  }
0x241: {  	v41 =	vor.u32 $0x33, v2;
	v3 =	vld.idx.msk [tilespmem:v40+s3+$0x0], $0xffff  }
0x242: {  	v42 =	vor.u32 $0x34, v1;
	_ =	sdelay $0x3  }
0x243: {  	[tilespmem:v41+s11+$0x0] =	vst.idx.msk $0xffff, v3  }
0x244: {  	v43 =	vor.u32 $0x34, v2;
	v3 =	vld.idx.msk [tilespmem:v42+s3+$0x0], $0xffff  }
0x245: {  	v44 =	vor.u32 $0x35, v1;
	_ =	sdelay $0x3  }
0x246: {  	[tilespmem:v43+s11+$0x0] =	vst.idx.msk $0xffff, v3  }
0x247: {  	v45 =	vor.u32 $0x35, v2;
	v3 =	vld.idx.msk [tilespmem:v44+s3+$0x0], $0xffff  }
0x248: {  	v46 =	vor.u32 $0x36, v1;
	_ =	sdelay $0x3  }
0x249: {  	[tilespmem:v45+s11+$0x0] =	vst.idx.msk $0xffff, v3  }
0x24a: {  	v47 =	vor.u32 $0x36, v2;
	v3 =	vld.idx.msk [tilespmem:v46+s3+$0x0], $0xffff  }
0x24b: {  	v48 =	vor.u32 $0x37, v1;
	_ =	sdelay $0x3  }
0x24c: {  	[tilespmem:v47+s11+$0x0] =	vst.idx.msk $0xffff, v3  }
0x24d: {  	v49 =	vor.u32 $0x37, v2;
	v3 =	vld.idx.msk [tilespmem:v48+s3+$0x0], $0xffff  }
0x24e: {  	v50 =	vor.u32 $0x38, v1;
	_ =	sdelay $0x3  }
0x24f: {  	[tilespmem:v49+s11+$0x0] =	vst.idx.msk $0xffff, v3  }
0x250: {  	v51 =	vor.u32 $0x38, v2;
	v3 =	vld.idx.msk [tilespmem:v50+s3+$0x0], $0xffff  }
0x251: {  	v52 =	vor.u32 $0x39, v1;
	_ =	sdelay $0x3  }
0x252: {  	[tilespmem:v51+s11+$0x0] =	vst.idx.msk $0xffff, v3  }
0x253: {  	v53 =	vor.u32 $0x39, v2;
	v3 =	vld.idx.msk [tilespmem:v52+s3+$0x0], $0xffff  }
0x254: {  	v54 =	vor.u32 $0x3A, v1;
	_ =	sdelay $0x3  }
0x255: {  	[tilespmem:v53+s11+$0x0] =	vst.idx.msk $0xffff, v3  }
0x256: {  	v55 =	vor.u32 $0x3A, v2;
	v3 =	vld.idx.msk [tilespmem:v54+s3+$0x0], $0xffff  }
0x257: {  	v56 =	vor.u32 $0x3B, v1;
	_ =	sdelay $0x3  }
0x258: {  	[tilespmem:v55+s11+$0x0] =	vst.idx.msk $0xffff, v3  }
0x259: {  	v57 =	vor.u32 $0x3B, v2;
	v3 =	vld.idx.msk [tilespmem:v56+s3+$0x0], $0xffff  }
0x25a: {  	v58 =	vor.u32 $0x3C, v1;
	_ =	sdelay $0x3  }
0x25b: {  	[tilespmem:v57+s11+$0x0] =	vst.idx.msk $0xffff, v3  }
0x25c: {  	v59 =	vor.u32 $0x3C, v2;
	v3 =	vld.idx.msk [tilespmem:v58+s3+$0x0], $0xffff  }
0x25d: {  	v60 =	vor.u32 $0x3D, v1;
	_ =	sdelay $0x3  }
0x25e: {  	[tilespmem:v59+s11+$0x0] =	vst.idx.msk $0xffff, v3  }
0x25f: {  	v61 =	vor.u32 $0x3D, v2;
	v3 =	vld.idx.msk [tilespmem:v60+s3+$0x0], $0xffff  }
0x260: {  	v62 =	vor.u32 $0x3E, v1;
	_ =	sdelay $0x3  }
0x261: {  	[tilespmem:v61+s11+$0x0] =	vst.idx.msk $0xffff, v3  }
0x262: {  	v63 =	vor.u32 $0x3E, v2;
	v3 =	vld.idx.msk [tilespmem:v62+s3+$0x0], $0xffff  }
0x263: {  	v1 =	vor.u32 $0x3F, v1;
	_ =	sdelay $0x3  }
0x264: {  	[tilespmem:v63+s11+$0x0] =	vst.idx.msk $0xffff, v3  }
0x265: {  	p0 =	sne.s32 s17, $0x170;
	v2 =	vor.u32 $0x3F, v2;
	v1 =	vld.idx.msk [tilespmem:v1+s3+$0x0], $0xffff  }
.Ltmp2:
0x266: {  	_ = 	snop;
	(pc) =	sbr.rel @p0 .LBB2_6-.Ltmp2, $2  }
0x267: {  	_ =	sdelay $0x2  }
0x268: {  	s18 =	sadd.s32 $0x10, s18;
	s17 =	sadd.s32 $0x10, s17;
	[tilespmem:v2+s11+$0x0] =	vst.idx.msk $0xffff, v1  }
0x269: {  	[hbm4b:s7+s3] =	stream.linear.scatter [tilespmem:s13], [sflag:$0x1], $0x4000, $0x38;
	[tilespmem:$0x10300] =	vst v63  }
0x26a: {  	s17 =	simm.s32 $0x180;
	s18 =	simm.s32 $0x280  }
.LBB2_8:
0x26b: {  	v1 =	vld [tilespmem:s18+$0x0];
	_ =	sdelay $0x4  }
0x26c: {  	v1 =	vshll.u32 v1, $0x7;
	_ =	sdelay $0x2  }
0x26d: {  	v2 =	vmov s17  }
0x26e: {  	v2 =	vshll.u32 v2, $0x7  }
0x26f: {  	v2 =	vor.u32 v0, v2;
	v3 =	vld.idx.msk [tilespmem:v1+s3+$0x0], $0xffff  }
0x270: {  	v4 =	vor.u32 $0x1, v1;
	_ =	sdelay $0x3  }
0x271: {  	[tilespmem:v2+s11+$0x0] =	vst.idx.msk $0xffff, v3  }
0x272: {  	v54 =	vor.u32 $0x1, v2;
	v3 =	vld.idx.msk [tilespmem:v4+s3+$0x0], $0xffff  }
0x273: {  	v5 =	vor.u32 $0x2, v1;
	_ =	sdelay $0x3  }
0x274: {  	[tilespmem:v54+s11+$0x0] =	vst.idx.msk $0xffff, v3  }
0x275: {  	v55 =	vor.u32 $0x2, v2;
	v3 =	vld.idx.msk [tilespmem:v5+s3+$0x0], $0xffff  }
0x276: {  	v56 =	vor.u32 $0x3, v1;
	_ =	sdelay $0x3  }
0x277: {  	[tilespmem:v55+s11+$0x0] =	vst.idx.msk $0xffff, v3  }
0x278: {  	v57 =	vor.u32 $0x3, v2;
	v3 =	vld.idx.msk [tilespmem:v56+s3+$0x0], $0xffff  }
0x279: {  	v58 =	vor.u32 $0x4, v1;
	_ =	sdelay $0x3  }
0x27a: {  	[tilespmem:v57+s11+$0x0] =	vst.idx.msk $0xffff, v3  }
0x27b: {  	v59 =	vor.u32 $0x4, v2;
	v3 =	vld.idx.msk [tilespmem:v58+s3+$0x0], $0xffff  }
0x27c: {  	v60 =	vor.u32 $0x5, v1;
	_ =	sdelay $0x3  }
0x27d: {  	[tilespmem:v59+s11+$0x0] =	vst.idx.msk $0xffff, v3  }
0x27e: {  	v61 =	vor.u32 $0x5, v2;
	v3 =	vld.idx.msk [tilespmem:v60+s3+$0x0], $0xffff  }
0x27f: {  	v62 =	vor.u32 $0x6, v1;
	_ =	sdelay $0x3  }
0x280: {  	[tilespmem:v61+s11+$0x0] =	vst.idx.msk $0xffff, v3  }
0x281: {  	v63 =	vor.u32 $0x6, v2;
	v3 =	vld.idx.msk [tilespmem:v62+s3+$0x0], $0xffff  }
0x282: {  	v8 =	vor.u32 $0x7, v1;
	_ =	sdelay $0x3  }
0x283: {  	[tilespmem:v63+s11+$0x0] =	vst.idx.msk $0xffff, v3  }
0x284: {  	v9 =	vor.u32 $0x7, v2;
	v3 =	vld.idx.msk [tilespmem:v8+s3+$0x0], $0xffff  }
0x285: {  	v10 =	vor.u32 $0x8, v1;
	_ =	sdelay $0x3  }
0x286: {  	[tilespmem:v9+s11+$0x0] =	vst.idx.msk $0xffff, v3  }
0x287: {  	v11 =	vor.u32 $0x8, v2;
	v3 =	vld.idx.msk [tilespmem:v10+s3+$0x0], $0xffff  }
0x288: {  	v12 =	vor.u32 $0x9, v1;
	_ =	sdelay $0x3  }
0x289: {  	[tilespmem:v11+s11+$0x0] =	vst.idx.msk $0xffff, v3  }
0x28a: {  	v13 =	vor.u32 $0x9, v2;
	v3 =	vld.idx.msk [tilespmem:v12+s3+$0x0], $0xffff  }
0x28b: {  	v14 =	vor.u32 $0xA, v1;
	_ =	sdelay $0x3  }
0x28c: {  	[tilespmem:v13+s11+$0x0] =	vst.idx.msk $0xffff, v3  }
0x28d: {  	v15 =	vor.u32 $0xA, v2;
	v3 =	vld.idx.msk [tilespmem:v14+s3+$0x0], $0xffff  }
0x28e: {  	v16 =	vor.u32 $0xB, v1;
	_ =	sdelay $0x3  }
0x28f: {  	[tilespmem:v15+s11+$0x0] =	vst.idx.msk $0xffff, v3  }
0x290: {  	v17 =	vor.u32 $0xB, v2;
	v3 =	vld.idx.msk [tilespmem:v16+s3+$0x0], $0xffff  }
0x291: {  	v18 =	vor.u32 $0xC, v1;
	_ =	sdelay $0x3  }
0x292: {  	[tilespmem:v17+s11+$0x0] =	vst.idx.msk $0xffff, v3  }
0x293: {  	v19 =	vor.u32 $0xC, v2;
	v3 =	vld.idx.msk [tilespmem:v18+s3+$0x0], $0xffff  }
0x294: {  	v20 =	vor.u32 $0xD, v1;
	_ =	sdelay $0x3  }
0x295: {  	[tilespmem:v19+s11+$0x0] =	vst.idx.msk $0xffff, v3  }
0x296: {  	v21 =	vor.u32 $0xD, v2;
	v3 =	vld.idx.msk [tilespmem:v20+s3+$0x0], $0xffff  }
0x297: {  	v22 =	vor.u32 $0xE, v1;
	_ =	sdelay $0x3  }
0x298: {  	[tilespmem:v21+s11+$0x0] =	vst.idx.msk $0xffff, v3  }
0x299: {  	v23 =	vor.u32 $0xE, v2;
	v3 =	vld.idx.msk [tilespmem:v22+s3+$0x0], $0xffff  }
0x29a: {  	v24 =	vor.u32 $0xF, v1;
	_ =	sdelay $0x3  }
0x29b: {  	[tilespmem:v23+s11+$0x0] =	vst.idx.msk $0xffff, v3  }
0x29c: {  	v25 =	vor.u32 $0xF, v2;
	v3 =	vld.idx.msk [tilespmem:v24+s3+$0x0], $0xffff  }
0x29d: {  	v26 =	vor.u32 $0x10, v1;
	_ =	sdelay $0x3  }
0x29e: {  	[tilespmem:v25+s11+$0x0] =	vst.idx.msk $0xffff, v3  }
0x29f: {  	v27 =	vor.u32 $0x10, v2;
	v3 =	vld.idx.msk [tilespmem:v26+s3+$0x0], $0xffff  }
0x2a0: {  	v28 =	vor.u32 $0x11, v1;
	_ =	sdelay $0x3  }
0x2a1: {  	[tilespmem:v27+s11+$0x0] =	vst.idx.msk $0xffff, v3  }
0x2a2: {  	v29 =	vor.u32 $0x11, v2;
	v3 =	vld.idx.msk [tilespmem:v28+s3+$0x0], $0xffff  }
0x2a3: {  	v30 =	vor.u32 $0x12, v1;
	_ =	sdelay $0x3  }
0x2a4: {  	[tilespmem:v29+s11+$0x0] =	vst.idx.msk $0xffff, v3  }
0x2a5: {  	v31 =	vor.u32 $0x12, v2;
	v3 =	vld.idx.msk [tilespmem:v30+s3+$0x0], $0xffff  }
0x2a6: {  	v32 =	vor.u32 $0x13, v1;
	_ =	sdelay $0x3  }
0x2a7: {  	[tilespmem:v31+s11+$0x0] =	vst.idx.msk $0xffff, v3  }
0x2a8: {  	v33 =	vor.u32 $0x13, v2;
	v3 =	vld.idx.msk [tilespmem:v32+s3+$0x0], $0xffff  }
0x2a9: {  	v34 =	vor.u32 $0x14, v1;
	_ =	sdelay $0x3  }
0x2aa: {  	[tilespmem:v33+s11+$0x0] =	vst.idx.msk $0xffff, v3  }
0x2ab: {  	v35 =	vor.u32 $0x14, v2;
	v3 =	vld.idx.msk [tilespmem:v34+s3+$0x0], $0xffff  }
0x2ac: {  	v36 =	vor.u32 $0x15, v1;
	_ =	sdelay $0x3  }
0x2ad: {  	[tilespmem:v35+s11+$0x0] =	vst.idx.msk $0xffff, v3  }
0x2ae: {  	v37 =	vor.u32 $0x15, v2;
	v3 =	vld.idx.msk [tilespmem:v36+s3+$0x0], $0xffff  }
0x2af: {  	v38 =	vor.u32 $0x16, v1;
	_ =	sdelay $0x3  }
0x2b0: {  	[tilespmem:v37+s11+$0x0] =	vst.idx.msk $0xffff, v3  }
0x2b1: {  	v39 =	vor.u32 $0x16, v2;
	v3 =	vld.idx.msk [tilespmem:v38+s3+$0x0], $0xffff  }
0x2b2: {  	v40 =	vor.u32 $0x17, v1;
	_ =	sdelay $0x3  }
0x2b3: {  	[tilespmem:v39+s11+$0x0] =	vst.idx.msk $0xffff, v3  }
0x2b4: {  	v41 =	vor.u32 $0x17, v2;
	v3 =	vld.idx.msk [tilespmem:v40+s3+$0x0], $0xffff  }
0x2b5: {  	v42 =	vor.u32 $0x18, v1;
	_ =	sdelay $0x3  }
0x2b6: {  	[tilespmem:v41+s11+$0x0] =	vst.idx.msk $0xffff, v3  }
0x2b7: {  	v43 =	vor.u32 $0x18, v2;
	v3 =	vld.idx.msk [tilespmem:v42+s3+$0x0], $0xffff  }
0x2b8: {  	v44 =	vor.u32 $0x19, v1;
	_ =	sdelay $0x3  }
0x2b9: {  	[tilespmem:v43+s11+$0x0] =	vst.idx.msk $0xffff, v3  }
0x2ba: {  	v45 =	vor.u32 $0x19, v2;
	v3 =	vld.idx.msk [tilespmem:v44+s3+$0x0], $0xffff  }
0x2bb: {  	v46 =	vor.u32 $0x1A, v1;
	_ =	sdelay $0x3  }
0x2bc: {  	[tilespmem:v45+s11+$0x0] =	vst.idx.msk $0xffff, v3  }
0x2bd: {  	v47 =	vor.u32 $0x1A, v2;
	v3 =	vld.idx.msk [tilespmem:v46+s3+$0x0], $0xffff  }
0x2be: {  	v48 =	vor.u32 $0x1B, v1;
	_ =	sdelay $0x3  }
0x2bf: {  	[tilespmem:v47+s11+$0x0] =	vst.idx.msk $0xffff, v3  }
0x2c0: {  	v49 =	vor.u32 $0x1B, v2;
	v3 =	vld.idx.msk [tilespmem:v48+s3+$0x0], $0xffff  }
0x2c1: {  	v50 =	vor.u32 $0x1C, v1;
	_ =	sdelay $0x3  }
0x2c2: {  	[tilespmem:v49+s11+$0x0] =	vst.idx.msk $0xffff, v3  }
0x2c3: {  	v51 =	vor.u32 $0x1C, v2;
	v3 =	vld.idx.msk [tilespmem:v50+s3+$0x0], $0xffff  }
0x2c4: {  	v52 =	vor.u32 $0x1D, v1;
	_ =	sdelay $0x3  }
0x2c5: {  	[tilespmem:v51+s11+$0x0] =	vst.idx.msk $0xffff, v3  }
0x2c6: {  	v53 =	vor.u32 $0x1D, v2;
	v3 =	vld.idx.msk [tilespmem:v52+s3+$0x0], $0xffff  }
0x2c7: {  	v54 =	vor.u32 $0x1E, v1;
	_ =	sdelay $0x3  }
0x2c8: {  	[tilespmem:v53+s11+$0x0] =	vst.idx.msk $0xffff, v3  }
0x2c9: {  	v55 =	vor.u32 $0x1E, v2;
	v3 =	vld.idx.msk [tilespmem:v54+s3+$0x0], $0xffff  }
0x2ca: {  	v56 =	vor.u32 $0x1F, v1;
	_ =	sdelay $0x3  }
0x2cb: {  	[tilespmem:v55+s11+$0x0] =	vst.idx.msk $0xffff, v3  }
0x2cc: {  	v57 =	vor.u32 $0x1F, v2;
	v3 =	vld.idx.msk [tilespmem:v56+s3+$0x0], $0xffff  }
0x2cd: {  	v58 =	vor.u32 $0x20, v1;
	_ =	sdelay $0x3  }
0x2ce: {  	[tilespmem:v57+s11+$0x0] =	vst.idx.msk $0xffff, v3  }
0x2cf: {  	v59 =	vor.u32 $0x20, v2;
	v3 =	vld.idx.msk [tilespmem:v58+s3+$0x0], $0xffff  }
0x2d0: {  	v60 =	vor.u32 $0x21, v1;
	_ =	sdelay $0x3  }
0x2d1: {  	[tilespmem:v59+s11+$0x0] =	vst.idx.msk $0xffff, v3  }
0x2d2: {  	v61 =	vor.u32 $0x21, v2;
	v3 =	vld.idx.msk [tilespmem:v60+s3+$0x0], $0xffff  }
0x2d3: {  	v62 =	vor.u32 $0x22, v1;
	_ =	sdelay $0x3  }
0x2d4: {  	[tilespmem:v61+s11+$0x0] =	vst.idx.msk $0xffff, v3  }
0x2d5: {  	v63 =	vor.u32 $0x22, v2;
	v3 =	vld.idx.msk [tilespmem:v62+s3+$0x0], $0xffff  }
0x2d6: {  	v8 =	vor.u32 $0x23, v1;
	_ =	sdelay $0x3  }
0x2d7: {  	[tilespmem:v63+s11+$0x0] =	vst.idx.msk $0xffff, v3  }
0x2d8: {  	v9 =	vor.u32 $0x23, v2;
	v3 =	vld.idx.msk [tilespmem:v8+s3+$0x0], $0xffff  }
0x2d9: {  	v10 =	vor.u32 $0x24, v1;
	_ =	sdelay $0x3  }
0x2da: {  	[tilespmem:v9+s11+$0x0] =	vst.idx.msk $0xffff, v3  }
0x2db: {  	v11 =	vor.u32 $0x24, v2;
	v3 =	vld.idx.msk [tilespmem:v10+s3+$0x0], $0xffff  }
0x2dc: {  	v12 =	vor.u32 $0x25, v1;
	_ =	sdelay $0x3  }
0x2dd: {  	[tilespmem:v11+s11+$0x0] =	vst.idx.msk $0xffff, v3  }
0x2de: {  	v13 =	vor.u32 $0x25, v2;
	v3 =	vld.idx.msk [tilespmem:v12+s3+$0x0], $0xffff  }
0x2df: {  	v14 =	vor.u32 $0x26, v1;
	_ =	sdelay $0x3  }
0x2e0: {  	[tilespmem:v13+s11+$0x0] =	vst.idx.msk $0xffff, v3  }
0x2e1: {  	v15 =	vor.u32 $0x26, v2;
	v3 =	vld.idx.msk [tilespmem:v14+s3+$0x0], $0xffff  }
0x2e2: {  	v16 =	vor.u32 $0x27, v1;
	_ =	sdelay $0x3  }
0x2e3: {  	[tilespmem:v15+s11+$0x0] =	vst.idx.msk $0xffff, v3  }
0x2e4: {  	v17 =	vor.u32 $0x27, v2;
	v3 =	vld.idx.msk [tilespmem:v16+s3+$0x0], $0xffff  }
0x2e5: {  	v18 =	vor.u32 $0x28, v1;
	_ =	sdelay $0x3  }
0x2e6: {  	[tilespmem:v17+s11+$0x0] =	vst.idx.msk $0xffff, v3  }
0x2e7: {  	v19 =	vor.u32 $0x28, v2;
	v3 =	vld.idx.msk [tilespmem:v18+s3+$0x0], $0xffff  }
0x2e8: {  	v20 =	vor.u32 $0x29, v1;
	_ =	sdelay $0x3  }
0x2e9: {  	[tilespmem:v19+s11+$0x0] =	vst.idx.msk $0xffff, v3  }
0x2ea: {  	v21 =	vor.u32 $0x29, v2;
	v3 =	vld.idx.msk [tilespmem:v20+s3+$0x0], $0xffff  }
0x2eb: {  	v22 =	vor.u32 $0x2A, v1;
	_ =	sdelay $0x3  }
0x2ec: {  	[tilespmem:v21+s11+$0x0] =	vst.idx.msk $0xffff, v3  }
0x2ed: {  	v23 =	vor.u32 $0x2A, v2;
	v3 =	vld.idx.msk [tilespmem:v22+s3+$0x0], $0xffff  }
0x2ee: {  	v24 =	vor.u32 $0x2B, v1;
	_ =	sdelay $0x3  }
0x2ef: {  	[tilespmem:v23+s11+$0x0] =	vst.idx.msk $0xffff, v3  }
0x2f0: {  	v25 =	vor.u32 $0x2B, v2;
	v3 =	vld.idx.msk [tilespmem:v24+s3+$0x0], $0xffff  }
0x2f1: {  	v26 =	vor.u32 $0x2C, v1;
	_ =	sdelay $0x3  }
0x2f2: {  	[tilespmem:v25+s11+$0x0] =	vst.idx.msk $0xffff, v3  }
0x2f3: {  	v27 =	vor.u32 $0x2C, v2;
	v3 =	vld.idx.msk [tilespmem:v26+s3+$0x0], $0xffff  }
0x2f4: {  	v28 =	vor.u32 $0x2D, v1;
	_ =	sdelay $0x3  }
0x2f5: {  	[tilespmem:v27+s11+$0x0] =	vst.idx.msk $0xffff, v3  }
0x2f6: {  	v29 =	vor.u32 $0x2D, v2;
	v3 =	vld.idx.msk [tilespmem:v28+s3+$0x0], $0xffff  }
0x2f7: {  	v30 =	vor.u32 $0x2E, v1;
	_ =	sdelay $0x3  }
0x2f8: {  	[tilespmem:v29+s11+$0x0] =	vst.idx.msk $0xffff, v3  }
0x2f9: {  	v31 =	vor.u32 $0x2E, v2;
	v3 =	vld.idx.msk [tilespmem:v30+s3+$0x0], $0xffff  }
0x2fa: {  	v32 =	vor.u32 $0x2F, v1;
	_ =	sdelay $0x3  }
0x2fb: {  	[tilespmem:v31+s11+$0x0] =	vst.idx.msk $0xffff, v3  }
0x2fc: {  	v33 =	vor.u32 $0x2F, v2;
	v3 =	vld.idx.msk [tilespmem:v32+s3+$0x0], $0xffff  }
0x2fd: {  	v34 =	vor.u32 $0x30, v1;
	_ =	sdelay $0x3  }
0x2fe: {  	[tilespmem:v33+s11+$0x0] =	vst.idx.msk $0xffff, v3  }
0x2ff: {  	v35 =	vor.u32 $0x30, v2;
	v3 =	vld.idx.msk [tilespmem:v34+s3+$0x0], $0xffff  }
0x300: {  	v36 =	vor.u32 $0x31, v1;
	_ =	sdelay $0x3  }
0x301: {  	[tilespmem:v35+s11+$0x0] =	vst.idx.msk $0xffff, v3  }
0x302: {  	v37 =	vor.u32 $0x31, v2;
	v3 =	vld.idx.msk [tilespmem:v36+s3+$0x0], $0xffff  }
0x303: {  	v38 =	vor.u32 $0x32, v1;
	_ =	sdelay $0x3  }
0x304: {  	[tilespmem:v37+s11+$0x0] =	vst.idx.msk $0xffff, v3  }
0x305: {  	v39 =	vor.u32 $0x32, v2;
	v3 =	vld.idx.msk [tilespmem:v38+s3+$0x0], $0xffff  }
0x306: {  	v40 =	vor.u32 $0x33, v1;
	_ =	sdelay $0x3  }
0x307: {  	[tilespmem:v39+s11+$0x0] =	vst.idx.msk $0xffff, v3  }
0x308: {  	v41 =	vor.u32 $0x33, v2;
	v3 =	vld.idx.msk [tilespmem:v40+s3+$0x0], $0xffff  }
0x309: {  	v42 =	vor.u32 $0x34, v1;
	_ =	sdelay $0x3  }
0x30a: {  	[tilespmem:v41+s11+$0x0] =	vst.idx.msk $0xffff, v3  }
0x30b: {  	v43 =	vor.u32 $0x34, v2;
	v3 =	vld.idx.msk [tilespmem:v42+s3+$0x0], $0xffff  }
0x30c: {  	v44 =	vor.u32 $0x35, v1;
	_ =	sdelay $0x3  }
0x30d: {  	[tilespmem:v43+s11+$0x0] =	vst.idx.msk $0xffff, v3  }
0x30e: {  	v45 =	vor.u32 $0x35, v2;
	v3 =	vld.idx.msk [tilespmem:v44+s3+$0x0], $0xffff  }
0x30f: {  	v46 =	vor.u32 $0x36, v1;
	_ =	sdelay $0x3  }
0x310: {  	[tilespmem:v45+s11+$0x0] =	vst.idx.msk $0xffff, v3  }
0x311: {  	v47 =	vor.u32 $0x36, v2;
	v3 =	vld.idx.msk [tilespmem:v46+s3+$0x0], $0xffff  }
0x312: {  	v48 =	vor.u32 $0x37, v1;
	_ =	sdelay $0x3  }
0x313: {  	[tilespmem:v47+s11+$0x0] =	vst.idx.msk $0xffff, v3  }
0x314: {  	v49 =	vor.u32 $0x37, v2;
	v3 =	vld.idx.msk [tilespmem:v48+s3+$0x0], $0xffff  }
0x315: {  	v50 =	vor.u32 $0x38, v1;
	_ =	sdelay $0x3  }
0x316: {  	[tilespmem:v49+s11+$0x0] =	vst.idx.msk $0xffff, v3  }
0x317: {  	v51 =	vor.u32 $0x38, v2;
	v3 =	vld.idx.msk [tilespmem:v50+s3+$0x0], $0xffff  }
0x318: {  	v52 =	vor.u32 $0x39, v1;
	_ =	sdelay $0x3  }
0x319: {  	[tilespmem:v51+s11+$0x0] =	vst.idx.msk $0xffff, v3  }
0x31a: {  	v53 =	vor.u32 $0x39, v2;
	v3 =	vld.idx.msk [tilespmem:v52+s3+$0x0], $0xffff  }
0x31b: {  	v54 =	vor.u32 $0x3A, v1;
	_ =	sdelay $0x3  }
0x31c: {  	[tilespmem:v53+s11+$0x0] =	vst.idx.msk $0xffff, v3  }
0x31d: {  	v55 =	vor.u32 $0x3A, v2;
	v3 =	vld.idx.msk [tilespmem:v54+s3+$0x0], $0xffff  }
0x31e: {  	v56 =	vor.u32 $0x3B, v1;
	_ =	sdelay $0x3  }
0x31f: {  	[tilespmem:v55+s11+$0x0] =	vst.idx.msk $0xffff, v3  }
0x320: {  	v57 =	vor.u32 $0x3B, v2;
	v3 =	vld.idx.msk [tilespmem:v56+s3+$0x0], $0xffff  }
0x321: {  	v58 =	vor.u32 $0x3C, v1;
	_ =	sdelay $0x3  }
0x322: {  	[tilespmem:v57+s11+$0x0] =	vst.idx.msk $0xffff, v3  }
0x323: {  	v59 =	vor.u32 $0x3C, v2;
	v3 =	vld.idx.msk [tilespmem:v58+s3+$0x0], $0xffff  }
0x324: {  	v60 =	vor.u32 $0x3D, v1;
	_ =	sdelay $0x3  }
0x325: {  	[tilespmem:v59+s11+$0x0] =	vst.idx.msk $0xffff, v3  }
0x326: {  	v61 =	vor.u32 $0x3D, v2;
	v3 =	vld.idx.msk [tilespmem:v60+s3+$0x0], $0xffff  }
0x327: {  	v62 =	vor.u32 $0x3E, v1;
	_ =	sdelay $0x3  }
0x328: {  	[tilespmem:v61+s11+$0x0] =	vst.idx.msk $0xffff, v3  }
0x329: {  	v63 =	vor.u32 $0x3E, v2;
	v3 =	vld.idx.msk [tilespmem:v62+s3+$0x0], $0xffff  }
0x32a: {  	v1 =	vor.u32 $0x3F, v1;
	_ =	sdelay $0x3  }
0x32b: {  	[tilespmem:v63+s11+$0x0] =	vst.idx.msk $0xffff, v3  }
0x32c: {  	p0 =	sne.s32 s17, $0x1F0;
	v2 =	vor.u32 $0x3F, v2;
	v1 =	vld.idx.msk [tilespmem:v1+s3+$0x0], $0xffff  }
.Ltmp3:
0x32d: {  	_ = 	snop;
	(pc) =	sbr.rel @p0 .LBB2_8-.Ltmp3, $2  }
0x32e: {  	_ =	sdelay $0x2  }
0x32f: {  	s18 =	sadd.s32 $0x10, s18;
	s17 =	sadd.s32 $0x10, s17;
	[tilespmem:v2+s11+$0x0] =	vst.idx.msk $0xffff, v1  }
0x330: {  	[hbm4b:s8+s3] =	stream.linear.scatter [tilespmem:s14], [sflag:$0x1], $0x4000, $0x38;
	[tilespmem:$0x10300] =	vst v63  }
0x331: {  	_ =	swait.ge [sflag:s15], $0x4000  }
0x332: {  	[sflag:s15] =	ssyncset.done $0x0  }
0x333: {  	[sflag:s15] =	ssyncadd.s32 $0xFFFFC000  }
0x334: {  	_ =	swait.ge [sflag:s15], $0x4000  }
0x335: {  	[sflag:s15] =	ssyncset.done $0x0  }
0x336: {  	s16 =	sadd.s32 $0x1, s16;
	[sflag:s15] =	ssyncadd.s32 $0xFFFFC000  }
0x337: {  	p0 =	sne.s32 s16, s9;
	_ =	swait.ge [sflag:s15], $0x4000  }
.Ltmp4:
0x338: {  	[sflag:s15] =	ssyncset.done $0x0;
	(pc) =	sbr.rel @p0 .LBB2_1-.Ltmp4, $4  }
0x339: {  	[sflag:s15] =	ssyncadd.s32 $0xFFFFC000  }
0x33a: {  	_ =	swait.ge [sflag:s15], $0x4000  }
0x33b: {  	[sflag:s15] =	ssyncset.done $0x0  }
0x33c: {  	[sflag:s15] =	ssyncadd.s32 $0xFFFFC000  }
0x33d: {  	_ =	sfence.sel $0x180000  }
0x33e: {  	[bflag:$0x0] =	sbarrier.arrive $0xFFFF  }
0x33f: {  	p0 =	sne.s32 s2, $0x0;
	_ =	strace $0x90000047  }
0x340: {  	s0 =	sadd.s32 @!p0 $0x100000, s0;
	[bflag:$0x2] =	sbarrier.arrive $0xFFFF  }
0x341: {  	[sflag:s0] =	ssyncadd.tile.s32 @!p0 $0x1;
	_ =	shalt  }
.Lfunc_end2:
_tile_overlayer_lowered:
.L_overlay_start_2:
0x342: {  	(tag) =	ssettag $0x2  }
0x343: {  	s0 =	rddreg [dreg:$0x0];
	s2 =	stileid.u32  }
0x344: {  	s1 =	rddreg [dreg:$0x1];
	p0 =	sne.s32 s2, $0x0  }
0x345: {  	s3 =	rddreg [dreg:$0x2];
	[bflag:$0x3] =	sbarrier.arrive $0xFFFF;
	s2 =	simm.s32 @!p0 $0x1C02  }
0x346: {  	[timem:s3], [sflag:s2] =	dma.local @!p0 [hbm:s0], s1  }
0x347: {  	s0 =	simm.s32 @!p0 $0x2  }
0x348: {  	_ =	swait.ge @!p0 [sflag:s0], s1  }
0x349: {  	s1 =	ssub.s32 @!p0 $0x0, s1;
	[sflag:s0] =	ssyncset.done @!p0 $0x0  }
0x34a: {  	[sflag:s0] =	ssyncadd.s32 @!p0 s1  }
0x34b: {  	[bflag:$0x3] =	sbarrier.arrive $0xFFFF  }
0x34c: {  	_ =	shalt  }

</sc_bundles>
